<compile_context>
chip_gen: v7x
topology: tpu7x:2x2x1
jax: 0.10.2.dev20260603
libtpu: 0.0.44.dev20260713+nightly
codegen_flags: <defaults>
</compile_context>

<pallas_src>
import functools

import jax
import jax.numpy as jnp
from jax import lax
from jax.experimental import pallas as pl
from jax.experimental.pallas import tpu as pltpu
from jax.experimental.pallas import tpu_sc as plsc

_LANES = 16
_NBUF = 4


def _make_sc_kernel(n_rows, vocab, embed, seq_len):
    n_workers = 32
    assert n_rows % (n_workers * seq_len) == 0
    rows_per_w = n_rows // n_workers
    chunk = seq_len
    n_chunks = rows_per_w // chunk
    n_pairs = n_chunks // 2
    n_outer = n_pairs // 2
    assert n_pairs % 2 == 0 and chunk % 8 == 0
    vregs_per_row = embed // _LANES
    seg = [0, chunk // 3 // 8 * 8, 2 * (chunk // 3) // 8 * 8, chunk]

    mesh = plsc.VectorSubcoreMesh(core_axis_name="c", subcore_axis_name="s")

    @functools.partial(
        pl.kernel,
        mesh=mesh,
        out_type=jax.ShapeDtypeStruct((n_rows, embed), jnp.float32),
        scratch_types=[
            [pltpu.VMEM((chunk,), jnp.int32) for _ in range(_NBUF)],
            [pltpu.VMEM((chunk, embed), jnp.float32) for _ in range(_NBUF)],
            pltpu.VMEM((seq_len, embed), jnp.float32),
            [pltpu.SemaphoreType.DMA for _ in range(_NBUF)],
            [pltpu.SemaphoreType.DMA for _ in range(_NBUF)],
        ],
    )
    def sc_kernel(idx_hbm, table_hbm, pe_hbm, out_hbm, idx, rows, pe_v, gsem, osem):
        wid = lax.axis_index("s") * 2 + lax.axis_index("c")
        row0 = wid * rows_per_w
        coef = jnp.float32(1.0 / (embed**0.5))

        pltpu.sync_copy(pe_hbm, pe_v)

        def start_gather(b, c):
            pltpu.sync_copy(idx_hbm.at[pl.ds(row0 + c * chunk, chunk)], idx[b])
            pltpu.async_copy(table_hbm.at[idx[b]], rows[b], gsem[b])

        def wait_gather(b):
            pltpu.make_async_copy(table_hbm.at[idx[b]], rows[b], gsem[b]).wait()

        def start_write(b, c):
            pltpu.async_copy(rows[b], out_hbm.at[pl.ds(row0 + c * chunk, chunk)], osem[b])

        def wait_write(b):
            pltpu.make_async_copy(rows[b], out_hbm.at[pl.ds(row0, chunk)], osem[b]).wait()

        def compute_seg(b0, b1, lo, hi):
            @plsc.parallel_loop(lo, hi, unroll=1)
            def per_row(r):
                for e in range(vregs_per_row):
                    sl = pl.ds(e * _LANES, _LANES)
                    pv = pe_v[r, sl]
                    rows[b0][r, sl] = rows[b0][r, sl] * coef + pv
                    rows[b1][r, sl] = rows[b1][r, sl] * coef + pv

        start_gather(0, 0)
        start_gather(1, 1)

        def pair_block(i, k):
            b0, b1 = 2 * k, 2 * k + 1
            o0, o1 = 2 - 2 * k, 3 - 2 * k
            p = 2 * i + k
            wait_gather(b0)
            wait_gather(b1)
            compute_seg(b0, b1, seg[0], seg[1])

            def prefetch(o, c):
                wait_write(o)
                start_gather(o, c)

            if k == 0:
                @pl.when(i > 0)
                def _():
                    wait_write(o0)

                start_gather(o0, 2 * (p + 1))
                compute_seg(b0, b1, seg[1], seg[2])

                @pl.when(i > 0)
                def _():
                    wait_write(o1)

                start_gather(o1, 2 * (p + 1) + 1)
            else:
                @pl.when(i < n_outer - 1)
                def _():
                    prefetch(o0, 2 * (p + 1))

                compute_seg(b0, b1, seg[1], seg[2])

                @pl.when(i < n_outer - 1)
                def _():
                    prefetch(o1, 2 * (p + 1) + 1)

            compute_seg(b0, b1, seg[2], seg[3])
            start_write(b0, 2 * p)
            start_write(b1, 2 * p + 1)

        def outer(i, carry):
            pair_block(i, 0)
            pair_block(i, 1)
            return carry

        lax.fori_loop(0, n_outer, outer, 0)
        for b in range(_NBUF):
            wait_write(b)

    return sc_kernel


def kernel(x, table, pos_enc):
    batch, seq_len = x.shape
    vocab, embed = table.shape
    n_rows = batch * seq_len
    xf = x.reshape(n_rows).astype(jnp.int32)
    sc = _make_sc_kernel(n_rows, vocab, embed, seq_len)
    out = sc(xf, table, pos_enc)
    return out.reshape(batch, seq_len, embed)

# --- scband reference (transcript-rebuilt; emitter-appended) ---
"""Pipeline reference for scband-embedding-with-learned-positional-encoding-6640019440178 (READ-ONLY COPY).

The authoritative reference and input builder live on the scoring server;
editing this copy changes nothing except your own understanding.
"""

import jax, jax.numpy as jnp
import numpy as np

VOCAB = 100000
EMBED = 128
SEQ_LEN = 200
BATCH = 1024

def setup_inputs(seed: int = 0) -> dict:
    key = jax.random.key(seed)
    k1, k2 = jax.random.split(key)
    x = jax.random.randint(k1, (BATCH, SEQ_LEN), 0, VOCAB, dtype=jnp.int64 if jax.config.jax_enable_x64 else jnp.int32)
    table = jax.random.normal(k2, (VOCAB, EMBED), dtype=jnp.float32) * 0.02
    pos_enc = jnp.zeros((SEQ_LEN, EMBED), dtype=jnp.float32)
    return {"x": x, "table": table, "pos_enc": pos_enc}

def reference(x, table, pos_enc):
    pe_coef = 1.0 / (EMBED ** 0.5)
    emb = jnp.take(table, x, axis=0)  # [B, L, E] gather (embedding lookup)
    out = emb * pe_coef + pos_enc  # broadcast learned positional encoding over batch
    return out

if __name__ == "__main__":
    import jax
    _d = setup_inputs()
    print(jax.jit(kernel)(*tuple(_d.values())))

</pallas_src>

<mosaic_0001>
#map = affine_map<(d0, d1) -> (0)>
#map1 = affine_map<(d0, d1) -> (0, 0)>
module attributes {stable_mosaic.version = 14 : i64} {
  func.func @sc_kernel(%arg0: i32, %arg1: i32, %arg2: memref<204800xi32, #tpu.memory_space<hbm>>, %arg3: memref<100000x128xf32, #tpu.memory_space<hbm>>, %arg4: memref<200x128xf32, #tpu.memory_space<hbm>>, %arg5: memref<204800x128xf32, #tpu.memory_space<hbm>>, %arg6: memref<200xi32, #tpu.memory_space<vmem>>, %arg7: memref<200xi32, #tpu.memory_space<vmem>>, %arg8: memref<200xi32, #tpu.memory_space<vmem>>, %arg9: memref<200xi32, #tpu.memory_space<vmem>>, %arg10: memref<200x128xf32, #tpu.memory_space<vmem>>, %arg11: memref<200x128xf32, #tpu.memory_space<vmem>>, %arg12: memref<200x128xf32, #tpu.memory_space<vmem>>, %arg13: memref<200x128xf32, #tpu.memory_space<vmem>>, %arg14: memref<200x128xf32, #tpu.memory_space<vmem>>, %arg15: memref<!tpu.dma_semaphore, #tpu.memory_space<semaphore_mem>>, %arg16: memref<!tpu.dma_semaphore, #tpu.memory_space<semaphore_mem>>, %arg17: memref<!tpu.dma_semaphore, #tpu.memory_space<semaphore_mem>>, %arg18: memref<!tpu.dma_semaphore, #tpu.memory_space<semaphore_mem>>, %arg19: memref<!tpu.dma_semaphore, #tpu.memory_space<semaphore_mem>>, %arg20: memref<!tpu.dma_semaphore, #tpu.memory_space<semaphore_mem>>, %arg21: memref<!tpu.dma_semaphore, #tpu.memory_space<semaphore_mem>>, %arg22: memref<!tpu.dma_semaphore, #tpu.memory_space<semaphore_mem>>) attributes {dimension_semantics = [#tpu.dimension_semantics<core_parallel>, #tpu.dimension_semantics<subcore_parallel>], iteration_bounds = array<i64: 2, 16>, scalar_prefetch = 0 : i64, scratch_operands = 17 : i64, tpu.core_type = #tpu.core_type<sc_vector_subcore>, window_params = [{transform_indices = #map}, {transform_indices = #map1}, {transform_indices = #map1}, {transform_indices = #map1}]} {
    %mul3A = arith.constant 2 : i32
    %mul3A_0 = arith.muli %arg1, %mul3A : i32
    %add3A = arith.addi %mul3A_0, %arg0 : i32
    %mul3A_1 = arith.constant 6400 : i32
    %mul3A_2 = arith.muli %add3A, %mul3A_1 : i32
    "tpu.region"() ({
      %run_scoped3A = tpu.sem_alloc : memref<!tpu.dma_semaphore, #tpu.memory_space<semaphore_mem>>
      tpu.enqueue_dma source(%arg4 : memref<200x128xf32, #tpu.memory_space<hbm>>) target(%arg14 : memref<200x128xf32, #tpu.memory_space<vmem>>) target_semaphore(%run_scoped3A : memref<!tpu.dma_semaphore, #tpu.memory_space<semaphore_mem>>)
      tpu.wait_dma2 semaphore(%run_scoped3A : memref<!tpu.dma_semaphore, #tpu.memory_space<semaphore_mem>>) src(%arg4 : memref<200x128xf32, #tpu.memory_space<hbm>>) dst(%arg14 : memref<200x128xf32, #tpu.memory_space<vmem>>)
      tpu.yield
    }) : () -> ()
    %add3A_3 = arith.constant 0 : i32
    %add3A_4 = arith.addi %mul3A_2, %add3A_3 : i32
    "tpu.region"() ({
      %run_scoped3A = tpu.sem_alloc : memref<!tpu.dma_semaphore, #tpu.memory_space<semaphore_mem>>
      %dma_start3A_33 = tpu.memref_slice %arg2[%add3A_4] : memref<204800xi32, #tpu.memory_space<hbm>> -> memref<200xi32, #tpu.memory_space<hbm>>
      %dma_start3A_34 = tpu.memref_slice %arg2[%add3A_4] : memref<204800xi32, #tpu.memory_space<hbm>> -> memref<200xi32, #tpu.memory_space<hbm>>
      tpu.enqueue_dma source(%dma_start3A_34 : memref<200xi32, #tpu.memory_space<hbm>>) target(%arg6 : memref<200xi32, #tpu.memory_space<vmem>>) target_semaphore(%run_scoped3A : memref<!tpu.dma_semaphore, #tpu.memory_space<semaphore_mem>>)
      %dma_wait3A_35 = tpu.memref_slice %arg2[%add3A_4] : memref<204800xi32, #tpu.memory_space<hbm>> -> memref<200xi32, #tpu.memory_space<hbm>>
      %dma_wait3A_36 = tpu.memref_slice %arg2[%add3A_4] : memref<204800xi32, #tpu.memory_space<hbm>> -> memref<200xi32, #tpu.memory_space<hbm>>
      tpu.wait_dma2 semaphore(%run_scoped3A : memref<!tpu.dma_semaphore, #tpu.memory_space<semaphore_mem>>) src(%dma_wait3A_36 : memref<200xi32, #tpu.memory_space<hbm>>) dst(%arg6 : memref<200xi32, #tpu.memory_space<vmem>>)
      tpu.yield
    }) : () -> ()
    %dma_start3A = arith.constant 0 : i32
    %dma_start3A_5 = arith.constant 0 : i32
    %dma_start3A_6 = tpu.memref_slice %arg3[%dma_start3A, %dma_start3A_5] : memref<100000x128xf32, #tpu.memory_space<hbm>> -> memref<100000x128xf32, #tpu.memory_space<hbm>>
    tpu.enqueue_indirect_dma source(%dma_start3A_6 : memref<100000x128xf32, #tpu.memory_space<hbm>>) target(%arg10 : memref<200x128xf32, #tpu.memory_space<vmem>>) offsets(%arg6 : memref<200xi32, #tpu.memory_space<vmem>>) semaphore(%arg15 : memref<!tpu.dma_semaphore, #tpu.memory_space<semaphore_mem>>)
    %add3A_7 = arith.constant 200 : i32
    %add3A_8 = arith.addi %mul3A_2, %add3A_7 : i32
    "tpu.region"() ({
      %run_scoped3A = tpu.sem_alloc : memref<!tpu.dma_semaphore, #tpu.memory_space<semaphore_mem>>
      %dma_start3A_33 = tpu.memref_slice %arg2[%add3A_8] : memref<204800xi32, #tpu.memory_space<hbm>> -> memref<200xi32, #tpu.memory_space<hbm>>
      %dma_start3A_34 = tpu.memref_slice %arg2[%add3A_8] : memref<204800xi32, #tpu.memory_space<hbm>> -> memref<200xi32, #tpu.memory_space<hbm>>
      tpu.enqueue_dma source(%dma_start3A_34 : memref<200xi32, #tpu.memory_space<hbm>>) target(%arg7 : memref<200xi32, #tpu.memory_space<vmem>>) target_semaphore(%run_scoped3A : memref<!tpu.dma_semaphore, #tpu.memory_space<semaphore_mem>>)
      %dma_wait3A_35 = tpu.memref_slice %arg2[%add3A_8] : memref<204800xi32, #tpu.memory_space<hbm>> -> memref<200xi32, #tpu.memory_space<hbm>>
      %dma_wait3A_36 = tpu.memref_slice %arg2[%add3A_8] : memref<204800xi32, #tpu.memory_space<hbm>> -> memref<200xi32, #tpu.memory_space<hbm>>
      tpu.wait_dma2 semaphore(%run_scoped3A : memref<!tpu.dma_semaphore, #tpu.memory_space<semaphore_mem>>) src(%dma_wait3A_36 : memref<200xi32, #tpu.memory_space<hbm>>) dst(%arg7 : memref<200xi32, #tpu.memory_space<vmem>>)
      tpu.yield
    }) : () -> ()
    %dma_start3A_9 = arith.constant 0 : i32
    %dma_start3A_10 = arith.constant 0 : i32
    %dma_start3A_11 = tpu.memref_slice %arg3[%dma_start3A_9, %dma_start3A_10] : memref<100000x128xf32, #tpu.memory_space<hbm>> -> memref<100000x128xf32, #tpu.memory_space<hbm>>
    tpu.enqueue_indirect_dma source(%dma_start3A_11 : memref<100000x128xf32, #tpu.memory_space<hbm>>) target(%arg11 : memref<200x128xf32, #tpu.memory_space<vmem>>) offsets(%arg7 : memref<200xi32, #tpu.memory_space<vmem>>) semaphore(%arg16 : memref<!tpu.dma_semaphore, #tpu.memory_space<semaphore_mem>>)
    %scan3A = arith.constant 0 : i32
    %scan3A_12 = arith.constant 0.0883883461 : f32
    %scan3A_13 = arith.constant 0 : i32
    %scan3A_14 = arith.constant 8 : i32
    %scan3A_15 = arith.addi %scan3A_13, %scan3A_14 : i32
    %scan3A_16 = arith.constant 1 : i32
    scf.for %scan3A_33 = %scan3A_13 to %scan3A_15 step %scan3A_16  : i32 {
      %mul3A_34 = arith.constant 2 : i32
      %mul3A_35 = arith.muli %mul3A_34, %scan3A_33 : i32
      %add3A_36 = arith.constant 0 : i32
      %add3A_37 = arith.addi %mul3A_35, %add3A_36 : i32
      %dma_wait3A_38 = arith.constant 0 : i32
      %dma_wait3A_39 = arith.constant 0 : i32
      %dma_wait3A_40 = tpu.memref_slice %arg3[%dma_wait3A_38, %dma_wait3A_39] : memref<100000x128xf32, #tpu.memory_space<hbm>> -> memref<100000x128xf32, #tpu.memory_space<hbm>>
      tpu.wait_indirect_dma semaphore(%arg15 : memref<!tpu.dma_semaphore, #tpu.memory_space<semaphore_mem>>) src(%dma_wait3A_40 : memref<100000x128xf32, #tpu.memory_space<hbm>>) dst(%arg10 : memref<200x128xf32, #tpu.memory_space<vmem>>)
      %dma_wait3A_41 = arith.constant 0 : i32
      %dma_wait3A_42 = arith.constant 0 : i32
      %dma_wait3A_43 = tpu.memref_slice %arg3[%dma_wait3A_41, %dma_wait3A_42] : memref<100000x128xf32, #tpu.memory_space<hbm>> -> memref<100000x128xf32, #tpu.memory_space<hbm>>
      tpu.wait_indirect_dma semaphore(%arg16 : memref<!tpu.dma_semaphore, #tpu.memory_space<semaphore_mem>>) src(%dma_wait3A_43 : memref<100000x128xf32, #tpu.memory_space<hbm>>) dst(%arg11 : memref<200x128xf32, #tpu.memory_space<vmem>>)
      %parallel_loop3A = arith.constant 0 : i32
      %parallel_loop3A_44 = arith.constant 64 : i32
      %parallel_loop3A_45 = arith.constant 1 : i32
      scf.for %parallel_loop3A_149 = %parallel_loop3A to %parallel_loop3A_44 step %parallel_loop3A_45  : i32 {
        %parallel_loop3A_150 = arith.index_cast %parallel_loop3A_149 : i32 to index
        %parallel_loop3A_151 = arith.constant 0 : index
        %parallel_loop3A_152 = tpu.vector_load %arg14[%parallel_loop3A_150, %parallel_loop3A_151] {strides = array<i32>} : memref<200x128xf32, #tpu.memory_space<vmem>>, vector<1x16xf32>,
        %parallel_loop3A_153 = vector.shape_cast %parallel_loop3A_152 : vector<1x16xf32> to vector<16xf32>
        %parallel_loop3A_154 = arith.index_cast %parallel_loop3A_149 : i32 to index
        %parallel_loop3A_155 = arith.constant 0 : index
        %parallel_loop3A_156 = tpu.vector_load %arg10[%parallel_loop3A_154, %parallel_loop3A_155] {strides = array<i32>} : memref<200x128xf32, #tpu.memory_space<vmem>>, vector<1x16xf32>,
        %parallel_loop3A_157 = vector.shape_cast %parallel_loop3A_156 : vector<1x16xf32> to vector<16xf32>
        %parallel_loop3A_158 = vector.broadcast %scan3A_12 : f32 to vector<16xf32>
        %parallel_loop3A_159 = arith.mulf %parallel_loop3A_157, %parallel_loop3A_158 : vector<16xf32>
        %parallel_loop3A_160 = arith.addf %parallel_loop3A_159, %parallel_loop3A_153 : vector<16xf32>
        %parallel_loop3A_161 = arith.index_cast %parallel_loop3A_149 : i32 to index
        %parallel_loop3A_162 = arith.constant 0 : index
        %parallel_loop3A_163 = tpu.vector_load %arg10[%parallel_loop3A_161, %parallel_loop3A_162] {strides = array<i32>} : memref<200x128xf32, #tpu.memory_space<vmem>>, vector<1x16xf32>,
        %parallel_loop3A_164 = vector.shape_cast %parallel_loop3A_163 : vector<1x16xf32> to vector<16xf32>
        %parallel_loop3A_165 = vector.shape_cast %parallel_loop3A_160 : vector<16xf32> to vector<1x16xf32>
        tpu.vector_store %arg10[%parallel_loop3A_161, %parallel_loop3A_162], %parallel_loop3A_165 {strides = array<i32>} : memref<200x128xf32, #tpu.memory_space<vmem>>, vector<1x16xf32>,
        %parallel_loop3A_166 = arith.index_cast %parallel_loop3A_149 : i32 to index
        %parallel_loop3A_167 = arith.constant 0 : index
        %parallel_loop3A_168 = tpu.vector_load %arg11[%parallel_loop3A_166, %parallel_loop3A_167] {strides = array<i32>} : memref<200x128xf32, #tpu.memory_space<vmem>>, vector<1x16xf32>,
        %parallel_loop3A_169 = vector.shape_cast %parallel_loop3A_168 : vector<1x16xf32> to vector<16xf32>
        %parallel_loop3A_170 = vector.broadcast %scan3A_12 : f32 to vector<16xf32>
        %parallel_loop3A_171 = arith.mulf %parallel_loop3A_169, %parallel_loop3A_170 : vector<16xf32>
        %parallel_loop3A_172 = arith.addf %parallel_loop3A_171, %parallel_loop3A_153 : vector<16xf32>
        %parallel_loop3A_173 = arith.index_cast %parallel_loop3A_149 : i32 to index
        %parallel_loop3A_174 = arith.constant 0 : index
        %parallel_loop3A_175 = tpu.vector_load %arg11[%parallel_loop3A_173, %parallel_loop3A_174] {strides = array<i32>} : memref<200x128xf32, #tpu.memory_space<vmem>>, vector<1x16xf32>,
        %parallel_loop3A_176 = vector.shape_cast %parallel_loop3A_175 : vector<1x16xf32> to vector<16xf32>
        %parallel_loop3A_177 = vector.shape_cast %parallel_loop3A_172 : vector<16xf32> to vector<1x16xf32>
        tpu.vector_store %arg11[%parallel_loop3A_173, %parallel_loop3A_174], %parallel_loop3A_177 {strides = array<i32>} : memref<200x128xf32, #tpu.memory_space<vmem>>, vector<1x16xf32>,
        %parallel_loop3A_178 = arith.index_cast %parallel_loop3A_149 : i32 to index
        %parallel_loop3A_179 = arith.constant 16 : index
        %parallel_loop3A_180 = tpu.vector_load %arg14[%parallel_loop3A_178, %parallel_loop3A_179] {strides = array<i32>} : memref<200x128xf32, #tpu.memory_space<vmem>>, vector<1x16xf32>,
        %parallel_loop3A_181 = vector.shape_cast %parallel_loop3A_180 : vector<1x16xf32> to vector<16xf32>
        %parallel_loop3A_182 = arith.index_cast %parallel_loop3A_149 : i32 to index
        %parallel_loop3A_183 = arith.constant 16 : index
        %parallel_loop3A_184 = tpu.vector_load %arg10[%parallel_loop3A_182, %parallel_loop3A_183] {strides = array<i32>} : memref<200x128xf32, #tpu.memory_space<vmem>>, vector<1x16xf32>,
        %parallel_loop3A_185 = vector.shape_cast %parallel_loop3A_184 : vector<1x16xf32> to vector<16xf32>
        %parallel_loop3A_186 = vector.broadcast %scan3A_12 : f32 to vector<16xf32>
        %parallel_loop3A_187 = arith.mulf %parallel_loop3A_185, %parallel_loop3A_186 : vector<16xf32>
        %parallel_loop3A_188 = arith.addf %parallel_loop3A_187, %parallel_loop3A_181 : vector<16xf32>
        %parallel_loop3A_189 = arith.index_cast %parallel_loop3A_149 : i32 to index
        %parallel_loop3A_190 = arith.constant 16 : index
        %parallel_loop3A_191 = tpu.vector_load %arg10[%parallel_loop3A_189, %parallel_loop3A_190] {strides = array<i32>} : memref<200x128xf32, #tpu.memory_space<vmem>>, vector<1x16xf32>,
        %parallel_loop3A_192 = vector.shape_cast %parallel_loop3A_191 : vector<1x16xf32> to vector<16xf32>
        %parallel_loop3A_193 = vector.shape_cast %parallel_loop3A_188 : vector<16xf32> to vector<1x16xf32>
        tpu.vector_store %arg10[%parallel_loop3A_189, %parallel_loop3A_190], %parallel_loop3A_193 {strides = array<i32>} : memref<200x128xf32, #tpu.memory_space<vmem>>, vector<1x16xf32>,
        %parallel_loop3A_194 = arith.index_cast %parallel_loop3A_149 : i32 to index
        %parallel_loop3A_195 = arith.constant 16 : index
        %parallel_loop3A_196 = tpu.vector_load %arg11[%parallel_loop3A_194, %parallel_loop3A_195] {strides = array<i32>} : memref<200x128xf32, #tpu.memory_space<vmem>>, vector<1x16xf32>,
        %parallel_loop3A_197 = vector.shape_cast %parallel_loop3A_196 : vector<1x16xf32> to vector<16xf32>
        %parallel_loop3A_198 = vector.broadcast %scan3A_12 : f32 to vector<16xf32>
        %parallel_loop3A_199 = arith.mulf %parallel_loop3A_197, %parallel_loop3A_198 : vector<16xf32>
        %parallel_loop3A_200 = arith.addf %parallel_loop3A_199, %parallel_loop3A_181 : vector<16xf32>
        %parallel_loop3A_201 = arith.index_cast %parallel_loop3A_149 : i32 to index
        %parallel_loop3A_202 = arith.constant 16 : index
        %parallel_loop3A_203 = tpu.vector_load %arg11[%parallel_loop3A_201, %parallel_loop3A_202] {strides = array<i32>} : memref<200x128xf32, #tpu.memory_space<vmem>>, vector<1x16xf32>,
        %parallel_loop3A_204 = vector.shape_cast %parallel_loop3A_203 : vector<1x16xf32> to vector<16xf32>
        %parallel_loop3A_205 = vector.shape_cast %parallel_loop3A_200 : vector<16xf32> to vector<1x16xf32>
        tpu.vector_store %arg11[%parallel_loop3A_201, %parallel_loop3A_202], %parallel_loop3A_205 {strides = array<i32>} : memref<200x128xf32, #tpu.memory_space<vmem>>, vector<1x16xf32>,
        %parallel_loop3A_206 = arith.index_cast %parallel_loop3A_149 : i32 to index
        %parallel_loop3A_207 = arith.constant 32 : index
        %parallel_loop3A_208 = tpu.vector_load %arg14[%parallel_loop3A_206, %parallel_loop3A_207] {strides = array<i32>} : memref<200x128xf32, #tpu.memory_space<vmem>>, vector<1x16xf32>,
        %parallel_loop3A_209 = vector.shape_cast %parallel_loop3A_208 : vector<1x16xf32> to vector<16xf32>
        %parallel_loop3A_210 = arith.index_cast %parallel_loop3A_149 : i32 to index
        %parallel_loop3A_211 = arith.constant 32 : index
        %parallel_loop3A_212 = tpu.vector_load %arg10[%parallel_loop3A_210, %parallel_loop3A_211] {strides = array<i32>} : memref<200x128xf32, #tpu.memory_space<vmem>>, vector<1x16xf32>,
        %parallel_loop3A_213 = vector.shape_cast %parallel_loop3A_212 : vector<1x16xf32> to vector<16xf32>
        %parallel_loop3A_214 = vector.broadcast %scan3A_12 : f32 to vector<16xf32>
        %parallel_loop3A_215 = arith.mulf %parallel_loop3A_213, %parallel_loop3A_214 : vector<16xf32>
        %parallel_loop3A_216 = arith.addf %parallel_loop3A_215, %parallel_loop3A_209 : vector<16xf32>
        %parallel_loop3A_217 = arith.index_cast %parallel_loop3A_149 : i32 to index
        %parallel_loop3A_218 = arith.constant 32 : index
        %parallel_loop3A_219 = tpu.vector_load %arg10[%parallel_loop3A_217, %parallel_loop3A_218] {strides = array<i32>} : memref<200x128xf32, #tpu.memory_space<vmem>>, vector<1x16xf32>,
        %parallel_loop3A_220 = vector.shape_cast %parallel_loop3A_219 : vector<1x16xf32> to vector<16xf32>
        %parallel_loop3A_221 = vector.shape_cast %parallel_loop3A_216 : vector<16xf32> to vector<1x16xf32>
        tpu.vector_store %arg10[%parallel_loop3A_217, %parallel_loop3A_218], %parallel_loop3A_221 {strides = array<i32>} : memref<200x128xf32, #tpu.memory_space<vmem>>, vector<1x16xf32>,
        %parallel_loop3A_222 = arith.index_cast %parallel_loop3A_149 : i32 to index
        %parallel_loop3A_223 = arith.constant 32 : index
        %parallel_loop3A_224 = tpu.vector_load %arg11[%parallel_loop3A_222, %parallel_loop3A_223] {strides = array<i32>} : memref<200x128xf32, #tpu.memory_space<vmem>>, vector<1x16xf32>,
        %parallel_loop3A_225 = vector.shape_cast %parallel_loop3A_224 : vector<1x16xf32> to vector<16xf32>
        %parallel_loop3A_226 = vector.broadcast %scan3A_12 : f32 to vector<16xf32>
        %parallel_loop3A_227 = arith.mulf %parallel_loop3A_225, %parallel_loop3A_226 : vector<16xf32>
        %parallel_loop3A_228 = arith.addf %parallel_loop3A_227, %parallel_loop3A_209 : vector<16xf32>
        %parallel_loop3A_229 = arith.index_cast %parallel_loop3A_149 : i32 to index
        %parallel_loop3A_230 = arith.constant 32 : index
        %parallel_loop3A_231 = tpu.vector_load %arg11[%parallel_loop3A_229, %parallel_loop3A_230] {strides = array<i32>} : memref<200x128xf32, #tpu.memory_space<vmem>>, vector<1x16xf32>,
        %parallel_loop3A_232 = vector.shape_cast %parallel_loop3A_231 : vector<1x16xf32> to vector<16xf32>
        %parallel_loop3A_233 = vector.shape_cast %parallel_loop3A_228 : vector<16xf32> to vector<1x16xf32>
        tpu.vector_store %arg11[%parallel_loop3A_229, %parallel_loop3A_230], %parallel_loop3A_233 {strides = array<i32>} : memref<200x128xf32, #tpu.memory_space<vmem>>, vector<1x16xf32>,
        %parallel_loop3A_234 = arith.index_cast %parallel_loop3A_149 : i32 to index
        %parallel_loop3A_235 = arith.constant 48 : index
        %parallel_loop3A_236 = tpu.vector_load %arg14[%parallel_loop3A_234, %parallel_loop3A_235] {strides = array<i32>} : memref<200x128xf32, #tpu.memory_space<vmem>>, vector<1x16xf32>,
        %parallel_loop3A_237 = vector.shape_cast %parallel_loop3A_236 : vector<1x16xf32> to vector<16xf32>
        %parallel_loop3A_238 = arith.index_cast %parallel_loop3A_149 : i32 to index
        %parallel_loop3A_239 = arith.constant 48 : index
        %parallel_loop3A_240 = tpu.vector_load %arg10[%parallel_loop3A_238, %parallel_loop3A_239] {strides = array<i32>} : memref<200x128xf32, #tpu.memory_space<vmem>>, vector<1x16xf32>,
        %parallel_loop3A_241 = vector.shape_cast %parallel_loop3A_240 : vector<1x16xf32> to vector<16xf32>
        %parallel_loop3A_242 = vector.broadcast %scan3A_12 : f32 to vector<16xf32>
        %parallel_loop3A_243 = arith.mulf %parallel_loop3A_241, %parallel_loop3A_242 : vector<16xf32>
        %parallel_loop3A_244 = arith.addf %parallel_loop3A_243, %parallel_loop3A_237 : vector<16xf32>
        %parallel_loop3A_245 = arith.index_cast %parallel_loop3A_149 : i32 to index
        %parallel_loop3A_246 = arith.constant 48 : index
        %parallel_loop3A_247 = tpu.vector_load %arg10[%parallel_loop3A_245, %parallel_loop3A_246] {strides = array<i32>} : memref<200x128xf32, #tpu.memory_space<vmem>>, vector<1x16xf32>,
        %parallel_loop3A_248 = vector.shape_cast %parallel_loop3A_247 : vector<1x16xf32> to vector<16xf32>
        %parallel_loop3A_249 = vector.shape_cast %parallel_loop3A_244 : vector<16xf32> to vector<1x16xf32>
        tpu.vector_store %arg10[%parallel_loop3A_245, %parallel_loop3A_246], %parallel_loop3A_249 {strides = array<i32>} : memref<200x128xf32, #tpu.memory_space<vmem>>, vector<1x16xf32>,
        %parallel_loop3A_250 = arith.index_cast %parallel_loop3A_149 : i32 to index
        %parallel_loop3A_251 = arith.constant 48 : index
        %parallel_loop3A_252 = tpu.vector_load %arg11[%parallel_loop3A_250, %parallel_loop3A_251] {strides = array<i32>} : memref<200x128xf32, #tpu.memory_space<vmem>>, vector<1x16xf32>,
        %parallel_loop3A_253 = vector.shape_cast %parallel_loop3A_252 : vector<1x16xf32> to vector<16xf32>
        %parallel_loop3A_254 = vector.broadcast %scan3A_12 : f32 to vector<16xf32>
        %parallel_loop3A_255 = arith.mulf %parallel_loop3A_253, %parallel_loop3A_254 : vector<16xf32>
        %parallel_loop3A_256 = arith.addf %parallel_loop3A_255, %parallel_loop3A_237 : vector<16xf32>
        %parallel_loop3A_257 = arith.index_cast %parallel_loop3A_149 : i32 to index
        %parallel_loop3A_258 = arith.constant 48 : index
        %parallel_loop3A_259 = tpu.vector_load %arg11[%parallel_loop3A_257, %parallel_loop3A_258] {strides = array<i32>} : memref<200x128xf32, #tpu.memory_space<vmem>>, vector<1x16xf32>,
        %parallel_loop3A_260 = vector.shape_cast %parallel_loop3A_259 : vector<1x16xf32> to vector<16xf32>
        %parallel_loop3A_261 = vector.shape_cast %parallel_loop3A_256 : vector<16xf32> to vector<1x16xf32>
        tpu.vector_store %arg11[%parallel_loop3A_257, %parallel_loop3A_258], %parallel_loop3A_261 {strides = array<i32>} : memref<200x128xf32, #tpu.memory_space<vmem>>, vector<1x16xf32>,
        %parallel_loop3A_262 = arith.index_cast %parallel_loop3A_149 : i32 to index
        %parallel_loop3A_263 = arith.constant 64 : index
        %parallel_loop3A_264 = tpu.vector_load %arg14[%parallel_loop3A_262, %parallel_loop3A_263] {strides = array<i32>} : memref<200x128xf32, #tpu.memory_space<vmem>>, vector<1x16xf32>,
        %parallel_loop3A_265 = vector.shape_cast %parallel_loop3A_264 : vector<1x16xf32> to vector<16xf32>
        %parallel_loop3A_266 = arith.index_cast %parallel_loop3A_149 : i32 to index
        %parallel_loop3A_267 = arith.constant 64 : index
        %parallel_loop3A_268 = tpu.vector_load %arg10[%parallel_loop3A_266, %parallel_loop3A_267] {strides = array<i32>} : memref<200x128xf32, #tpu.memory_space<vmem>>, vector<1x16xf32>,
        %parallel_loop3A_269 = vector.shape_cast %parallel_loop3A_268 : vector<1x16xf32> to vector<16xf32>
        %parallel_loop3A_270 = vector.broadcast %scan3A_12 : f32 to vector<16xf32>
        %parallel_loop3A_271 = arith.mulf %parallel_loop3A_269, %parallel_loop3A_270 : vector<16xf32>
        %parallel_loop3A_272 = arith.addf %parallel_loop3A_271, %parallel_loop3A_265 : vector<16xf32>
        %parallel_loop3A_273 = arith.index_cast %parallel_loop3A_149 : i32 to index
        %parallel_loop3A_274 = arith.constant 64 : index
        %parallel_loop3A_275 = tpu.vector_load %arg10[%parallel_loop3A_273, %parallel_loop3A_274] {strides = array<i32>} : memref<200x128xf32, #tpu.memory_space<vmem>>, vector<1x16xf32>,
        %parallel_loop3A_276 = vector.shape_cast %parallel_loop3A_275 : vector<1x16xf32> to vector<16xf32>
        %parallel_loop3A_277 = vector.shape_cast %parallel_loop3A_272 : vector<16xf32> to vector<1x16xf32>
        tpu.vector_store %arg10[%parallel_loop3A_273, %parallel_loop3A_274], %parallel_loop3A_277 {strides = array<i32>} : memref<200x128xf32, #tpu.memory_space<vmem>>, vector<1x16xf32>,
        %parallel_loop3A_278 = arith.index_cast %parallel_loop3A_149 : i32 to index
        %parallel_loop3A_279 = arith.constant 64 : index
        %parallel_loop3A_280 = tpu.vector_load %arg11[%parallel_loop3A_278, %parallel_loop3A_279] {strides = array<i32>} : memref<200x128xf32, #tpu.memory_space<vmem>>, vector<1x16xf32>,
        %parallel_loop3A_281 = vector.shape_cast %parallel_loop3A_280 : vector<1x16xf32> to vector<16xf32>
        %parallel_loop3A_282 = vector.broadcast %scan3A_12 : f32 to vector<16xf32>
        %parallel_loop3A_283 = arith.mulf %parallel_loop3A_281, %parallel_loop3A_282 : vector<16xf32>
        %parallel_loop3A_284 = arith.addf %parallel_loop3A_283, %parallel_loop3A_265 : vector<16xf32>
        %parallel_loop3A_285 = arith.index_cast %parallel_loop3A_149 : i32 to index
        %parallel_loop3A_286 = arith.constant 64 : index
        %parallel_loop3A_287 = tpu.vector_load %arg11[%parallel_loop3A_285, %parallel_loop3A_286] {strides = array<i32>} : memref<200x128xf32, #tpu.memory_space<vmem>>, vector<1x16xf32>,
        %parallel_loop3A_288 = vector.shape_cast %parallel_loop3A_287 : vector<1x16xf32> to vector<16xf32>
        %parallel_loop3A_289 = vector.shape_cast %parallel_loop3A_284 : vector<16xf32> to vector<1x16xf32>
        tpu.vector_store %arg11[%parallel_loop3A_285, %parallel_loop3A_286], %parallel_loop3A_289 {strides = array<i32>} : memref<200x128xf32, #tpu.memory_space<vmem>>, vector<1x16xf32>,
        %parallel_loop3A_290 = arith.index_cast %parallel_loop3A_149 : i32 to index
        %parallel_loop3A_291 = arith.constant 80 : index
        %parallel_loop3A_292 = tpu.vector_load %arg14[%parallel_loop3A_290, %parallel_loop3A_291] {strides = array<i32>} : memref<200x128xf32, #tpu.memory_space<vmem>>, vector<1x16xf32>,
        %parallel_loop3A_293 = vector.shape_cast %parallel_loop3A_292 : vector<1x16xf32> to vector<16xf32>
        %parallel_loop3A_294 = arith.index_cast %parallel_loop3A_149 : i32 to index
        %parallel_loop3A_295 = arith.constant 80 : index
        %parallel_loop3A_296 = tpu.vector_load %arg10[%parallel_loop3A_294, %parallel_loop3A_295] {strides = array<i32>} : memref<200x128xf32, #tpu.memory_space<vmem>>, vector<1x16xf32>,
        %parallel_loop3A_297 = vector.shape_cast %parallel_loop3A_296 : vector<1x16xf32> to vector<16xf32>
        %parallel_loop3A_298 = vector.broadcast %scan3A_12 : f32 to vector<16xf32>
        %parallel_loop3A_299 = arith.mulf %parallel_loop3A_297, %parallel_loop3A_298 : vector<16xf32>
        %parallel_loop3A_300 = arith.addf %parallel_loop3A_299, %parallel_loop3A_293 : vector<16xf32>
        %parallel_loop3A_301 = arith.index_cast %parallel_loop3A_149 : i32 to index
        %parallel_loop3A_302 = arith.constant 80 : index
        %parallel_loop3A_303 = tpu.vector_load %arg10[%parallel_loop3A_301, %parallel_loop3A_302] {strides = array<i32>} : memref<200x128xf32, #tpu.memory_space<vmem>>, vector<1x16xf32>,
        %parallel_loop3A_304 = vector.shape_cast %parallel_loop3A_303 : vector<1x16xf32> to vector<16xf32>
        %parallel_loop3A_305 = vector.shape_cast %parallel_loop3A_300 : vector<16xf32> to vector<1x16xf32>
        tpu.vector_store %arg10[%parallel_loop3A_301, %parallel_loop3A_302], %parallel_loop3A_305 {strides = array<i32>} : memref<200x128xf32, #tpu.memory_space<vmem>>, vector<1x16xf32>,
        %parallel_loop3A_306 = arith.index_cast %parallel_loop3A_149 : i32 to index
        %parallel_loop3A_307 = arith.constant 80 : index
        %parallel_loop3A_308 = tpu.vector_load %arg11[%parallel_loop3A_306, %parallel_loop3A_307] {strides = array<i32>} : memref<200x128xf32, #tpu.memory_space<vmem>>, vector<1x16xf32>,
        %parallel_loop3A_309 = vector.shape_cast %parallel_loop3A_308 : vector<1x16xf32> to vector<16xf32>
        %parallel_loop3A_310 = vector.broadcast %scan3A_12 : f32 to vector<16xf32>
        %parallel_loop3A_311 = arith.mulf %parallel_loop3A_309, %parallel_loop3A_310 : vector<16xf32>
        %parallel_loop3A_312 = arith.addf %parallel_loop3A_311, %parallel_loop3A_293 : vector<16xf32>
        %parallel_loop3A_313 = arith.index_cast %parallel_loop3A_149 : i32 to index
        %parallel_loop3A_314 = arith.constant 80 : index
        %parallel_loop3A_315 = tpu.vector_load %arg11[%parallel_loop3A_313, %parallel_loop3A_314] {strides = array<i32>} : memref<200x128xf32, #tpu.memory_space<vmem>>, vector<1x16xf32>,
        %parallel_loop3A_316 = vector.shape_cast %parallel_loop3A_315 : vector<1x16xf32> to vector<16xf32>
        %parallel_loop3A_317 = vector.shape_cast %parallel_loop3A_312 : vector<16xf32> to vector<1x16xf32>
        tpu.vector_store %arg11[%parallel_loop3A_313, %parallel_loop3A_314], %parallel_loop3A_317 {strides = array<i32>} : memref<200x128xf32, #tpu.memory_space<vmem>>, vector<1x16xf32>,
        %parallel_loop3A_318 = arith.index_cast %parallel_loop3A_149 : i32 to index
        %parallel_loop3A_319 = arith.constant 96 : index
        %parallel_loop3A_320 = tpu.vector_load %arg14[%parallel_loop3A_318, %parallel_loop3A_319] {strides = array<i32>} : memref<200x128xf32, #tpu.memory_space<vmem>>, vector<1x16xf32>,
        %parallel_loop3A_321 = vector.shape_cast %parallel_loop3A_320 : vector<1x16xf32> to vector<16xf32>
        %parallel_loop3A_322 = arith.index_cast %parallel_loop3A_149 : i32 to index
        %parallel_loop3A_323 = arith.constant 96 : index
        %parallel_loop3A_324 = tpu.vector_load %arg10[%parallel_loop3A_322, %parallel_loop3A_323] {strides = array<i32>} : memref<200x128xf32, #tpu.memory_space<vmem>>, vector<1x16xf32>,
        %parallel_loop3A_325 = vector.shape_cast %parallel_loop3A_324 : vector<1x16xf32> to vector<16xf32>
        %parallel_loop3A_326 = vector.broadcast %scan3A_12 : f32 to vector<16xf32>
        %parallel_loop3A_327 = arith.mulf %parallel_loop3A_325, %parallel_loop3A_326 : vector<16xf32>
        %parallel_loop3A_328 = arith.addf %parallel_loop3A_327, %parallel_loop3A_321 : vector<16xf32>
        %parallel_loop3A_329 = arith.index_cast %parallel_loop3A_149 : i32 to index
        %parallel_loop3A_330 = arith.constant 96 : index
        %parallel_loop3A_331 = tpu.vector_load %arg10[%parallel_loop3A_329, %parallel_loop3A_330] {strides = array<i32>} : memref<200x128xf32, #tpu.memory_space<vmem>>, vector<1x16xf32>,
        %parallel_loop3A_332 = vector.shape_cast %parallel_loop3A_331 : vector<1x16xf32> to vector<16xf32>
        %parallel_loop3A_333 = vector.shape_cast %parallel_loop3A_328 : vector<16xf32> to vector<1x16xf32>
        tpu.vector_store %arg10[%parallel_loop3A_329, %parallel_loop3A_330], %parallel_loop3A_333 {strides = array<i32>} : memref<200x128xf32, #tpu.memory_space<vmem>>, vector<1x16xf32>,
        %parallel_loop3A_334 = arith.index_cast %parallel_loop3A_149 : i32 to index
        %parallel_loop3A_335 = arith.constant 96 : index
        %parallel_loop3A_336 = tpu.vector_load %arg11[%parallel_loop3A_334, %parallel_loop3A_335] {strides = array<i32>} : memref<200x128xf32, #tpu.memory_space<vmem>>, vector<1x16xf32>,
        %parallel_loop3A_337 = vector.shape_cast %parallel_loop3A_336 : vector<1x16xf32> to vector<16xf32>
        %parallel_loop3A_338 = vector.broadcast %scan3A_12 : f32 to vector<16xf32>
        %parallel_loop3A_339 = arith.mulf %parallel_loop3A_337, %parallel_loop3A_338 : vector<16xf32>
        %parallel_loop3A_340 = arith.addf %parallel_loop3A_339, %parallel_loop3A_321 : vector<16xf32>
        %parallel_loop3A_341 = arith.index_cast %parallel_loop3A_149 : i32 to index
        %parallel_loop3A_342 = arith.constant 96 : index
        %parallel_loop3A_343 = tpu.vector_load %arg11[%parallel_loop3A_341, %parallel_loop3A_342] {strides = array<i32>} : memref<200x128xf32, #tpu.memory_space<vmem>>, vector<1x16xf32>,
        %parallel_loop3A_344 = vector.shape_cast %parallel_loop3A_343 : vector<1x16xf32> to vector<16xf32>
        %parallel_loop3A_345 = vector.shape_cast %parallel_loop3A_340 : vector<16xf32> to vector<1x16xf32>
        tpu.vector_store %arg11[%parallel_loop3A_341, %parallel_loop3A_342], %parallel_loop3A_345 {strides = array<i32>} : memref<200x128xf32, #tpu.memory_space<vmem>>, vector<1x16xf32>,
        %parallel_loop3A_346 = arith.index_cast %parallel_loop3A_149 : i32 to index
        %parallel_loop3A_347 = arith.constant 112 : index
        %parallel_loop3A_348 = tpu.vector_load %arg14[%parallel_loop3A_346, %parallel_loop3A_347] {strides = array<i32>} : memref<200x128xf32, #tpu.memory_space<vmem>>, vector<1x16xf32>,
        %parallel_loop3A_349 = vector.shape_cast %parallel_loop3A_348 : vector<1x16xf32> to vector<16xf32>
        %parallel_loop3A_350 = arith.index_cast %parallel_loop3A_149 : i32 to index
        %parallel_loop3A_351 = arith.constant 112 : index
        %parallel_loop3A_352 = tpu.vector_load %arg10[%parallel_loop3A_350, %parallel_loop3A_351] {strides = array<i32>} : memref<200x128xf32, #tpu.memory_space<vmem>>, vector<1x16xf32>,
        %parallel_loop3A_353 = vector.shape_cast %parallel_loop3A_352 : vector<1x16xf32> to vector<16xf32>
        %parallel_loop3A_354 = vector.broadcast %scan3A_12 : f32 to vector<16xf32>
        %parallel_loop3A_355 = arith.mulf %parallel_loop3A_353, %parallel_loop3A_354 : vector<16xf32>
        %parallel_loop3A_356 = arith.addf %parallel_loop3A_355, %parallel_loop3A_349 : vector<16xf32>
        %parallel_loop3A_357 = arith.index_cast %parallel_loop3A_149 : i32 to index
        %parallel_loop3A_358 = arith.constant 112 : index
        %parallel_loop3A_359 = tpu.vector_load %arg10[%parallel_loop3A_357, %parallel_loop3A_358] {strides = array<i32>} : memref<200x128xf32, #tpu.memory_space<vmem>>, vector<1x16xf32>,
        %parallel_loop3A_360 = vector.shape_cast %parallel_loop3A_359 : vector<1x16xf32> to vector<16xf32>
        %parallel_loop3A_361 = vector.shape_cast %parallel_loop3A_356 : vector<16xf32> to vector<1x16xf32>
        tpu.vector_store %arg10[%parallel_loop3A_357, %parallel_loop3A_358], %parallel_loop3A_361 {strides = array<i32>} : memref<200x128xf32, #tpu.memory_space<vmem>>, vector<1x16xf32>,
        %parallel_loop3A_362 = arith.index_cast %parallel_loop3A_149 : i32 to index
        %parallel_loop3A_363 = arith.constant 112 : index
        %parallel_loop3A_364 = tpu.vector_load %arg11[%parallel_loop3A_362, %parallel_loop3A_363] {strides = array<i32>} : memref<200x128xf32, #tpu.memory_space<vmem>>, vector<1x16xf32>,
        %parallel_loop3A_365 = vector.shape_cast %parallel_loop3A_364 : vector<1x16xf32> to vector<16xf32>
        %parallel_loop3A_366 = vector.broadcast %scan3A_12 : f32 to vector<16xf32>
        %parallel_loop3A_367 = arith.mulf %parallel_loop3A_365, %parallel_loop3A_366 : vector<16xf32>
        %parallel_loop3A_368 = arith.addf %parallel_loop3A_367, %parallel_loop3A_349 : vector<16xf32>
        %parallel_loop3A_369 = arith.index_cast %parallel_loop3A_149 : i32 to index
        %parallel_loop3A_370 = arith.constant 112 : index
        %parallel_loop3A_371 = tpu.vector_load %arg11[%parallel_loop3A_369, %parallel_loop3A_370] {strides = array<i32>} : memref<200x128xf32, #tpu.memory_space<vmem>>, vector<1x16xf32>,
        %parallel_loop3A_372 = vector.shape_cast %parallel_loop3A_371 : vector<1x16xf32> to vector<16xf32>
        %parallel_loop3A_373 = vector.shape_cast %parallel_loop3A_368 : vector<16xf32> to vector<1x16xf32>
        tpu.vector_store %arg11[%parallel_loop3A_369, %parallel_loop3A_370], %parallel_loop3A_373 {strides = array<i32>} : memref<200x128xf32, #tpu.memory_space<vmem>>, vector<1x16xf32>,
      } {sc.loop_unroll_factor = 1 : i64, sc.parallel_access}
      %gt3A = arith.constant 0 : i32
      %gt3A_46 = arith.cmpi sgt, %scan3A_33, %gt3A : i32
      %convert_element_type3A = arith.extui %gt3A_46 : i1 to i32
      %cond3A = arith.constant 0 : i32
      %cond3A_47 = arith.cmpi ne, %convert_element_type3A, %cond3A : i32
      scf.if %cond3A_47 {
        %dma_wait3A_149 = arith.constant 0 : i32
        %dma_wait3A_150 = tpu.memref_slice %arg5[%mul3A_2, %dma_wait3A_149] : memref<204800x128xf32, #tpu.memory_space<hbm>> -> memref<200x128xf32, #tpu.memory_space<hbm>>
        %dma_wait3A_151 = arith.constant 0 : i32
        %dma_wait3A_152 = tpu.memref_slice %arg5[%mul3A_2, %dma_wait3A_151] : memref<204800x128xf32, #tpu.memory_space<hbm>> -> memref<200x128xf32, #tpu.memory_space<hbm>>
        tpu.wait_dma2 semaphore(%arg21 : memref<!tpu.dma_semaphore, #tpu.memory_space<semaphore_mem>>) src(%arg12 : memref<200x128xf32, #tpu.memory_space<vmem>>) dst(%dma_wait3A_152 : memref<200x128xf32, #tpu.memory_space<hbm>>)
      } else {
      }
      %add3A_48 = arith.constant 1 : i32
      %add3A_49 = arith.addi %add3A_37, %add3A_48 : i32
      %mul3A_50 = arith.constant 2 : i32
      %mul3A_51 = arith.muli %mul3A_50, %add3A_49 : i32
      %mul3A_52 = arith.constant 200 : i32
      %mul3A_53 = arith.muli %mul3A_51, %mul3A_52 : i32
      %add3A_54 = arith.addi %mul3A_2, %mul3A_53 : i32
      "tpu.region"() ({
        %run_scoped3A = tpu.sem_alloc : memref<!tpu.dma_semaphore, #tpu.memory_space<semaphore_mem>>
        %dma_start3A_149 = tpu.memref_slice %arg2[%add3A_54] : memref<204800xi32, #tpu.memory_space<hbm>> -> memref<200xi32, #tpu.memory_space<hbm>>
        %dma_start3A_150 = tpu.memref_slice %arg2[%add3A_54] : memref<204800xi32, #tpu.memory_space<hbm>> -> memref<200xi32, #tpu.memory_space<hbm>>
        tpu.enqueue_dma source(%dma_start3A_150 : memref<200xi32, #tpu.memory_space<hbm>>) target(%arg8 : memref<200xi32, #tpu.memory_space<vmem>>) target_semaphore(%run_scoped3A : memref<!tpu.dma_semaphore, #tpu.memory_space<semaphore_mem>>)
        %dma_wait3A_151 = tpu.memref_slice %arg2[%add3A_54] : memref<204800xi32, #tpu.memory_space<hbm>> -> memref<200xi32, #tpu.memory_space<hbm>>
        %dma_wait3A_152 = tpu.memref_slice %arg2[%add3A_54] : memref<204800xi32, #tpu.memory_space<hbm>> -> memref<200xi32, #tpu.memory_space<hbm>>
        tpu.wait_dma2 semaphore(%run_scoped3A : memref<!tpu.dma_semaphore, #tpu.memory_space<semaphore_mem>>) src(%dma_wait3A_152 : memref<200xi32, #tpu.memory_space<hbm>>) dst(%arg8 : memref<200xi32, #tpu.memory_space<vmem>>)
        tpu.yield
      }) : () -> ()
      %dma_start3A_55 = arith.constant 0 : i32
      %dma_start3A_56 = arith.constant 0 : i32
      %dma_start3A_57 = tpu.memref_slice %arg3[%dma_start3A_55, %dma_start3A_56] : memref<100000x128xf32, #tpu.memory_space<hbm>> -> memref<100000x128xf32, #tpu.memory_space<hbm>>
      tpu.enqueue_indirect_dma source(%dma_start3A_57 : memref<100000x128xf32, #tpu.memory_space<hbm>>) target(%arg12 : memref<200x128xf32, #tpu.memory_space<vmem>>) offsets(%arg8 : memref<200xi32, #tpu.memory_space<vmem>>) semaphore(%arg17 : memref<!tpu.dma_semaphore, #tpu.memory_space<semaphore_mem>>)
      %parallel_loop3A_58 = arith.constant 64 : i32
      %parallel_loop3A_59 = arith.constant 128 : i32
      %parallel_loop3A_60 = arith.constant 1 : i32
      scf.for %parallel_loop3A_149 = %parallel_loop3A_58 to %parallel_loop3A_59 step %parallel_loop3A_60  : i32 {
        %parallel_loop3A_150 = arith.index_cast %parallel_loop3A_149 : i32 to index
        %parallel_loop3A_151 = arith.constant 0 : index
        %parallel_loop3A_152 = tpu.vector_load %arg14[%parallel_loop3A_150, %parallel_loop3A_151] {strides = array<i32>} : memref<200x128xf32, #tpu.memory_space<vmem>>, vector<1x16xf32>,
        %parallel_loop3A_153 = vector.shape_cast %parallel_loop3A_152 : vector<1x16xf32> to vector<16xf32>
        %parallel_loop3A_154 = arith.index_cast %parallel_loop3A_149 : i32 to index
        %parallel_loop3A_155 = arith.constant 0 : index
        %parallel_loop3A_156 = tpu.vector_load %arg10[%parallel_loop3A_154, %parallel_loop3A_155] {strides = array<i32>} : memref<200x128xf32, #tpu.memory_space<vmem>>, vector<1x16xf32>,
        %parallel_loop3A_157 = vector.shape_cast %parallel_loop3A_156 : vector<1x16xf32> to vector<16xf32>
        %parallel_loop3A_158 = vector.broadcast %scan3A_12 : f32 to vector<16xf32>
        %parallel_loop3A_159 = arith.mulf %parallel_loop3A_157, %parallel_loop3A_158 : vector<16xf32>
        %parallel_loop3A_160 = arith.addf %parallel_loop3A_159, %parallel_loop3A_153 : vector<16xf32>
        %parallel_loop3A_161 = arith.index_cast %parallel_loop3A_149 : i32 to index
        %parallel_loop3A_162 = arith.constant 0 : index
        %parallel_loop3A_163 = tpu.vector_load %arg10[%parallel_loop3A_161, %parallel_loop3A_162] {strides = array<i32>} : memref<200x128xf32, #tpu.memory_space<vmem>>, vector<1x16xf32>,
        %parallel_loop3A_164 = vector.shape_cast %parallel_loop3A_163 : vector<1x16xf32> to vector<16xf32>
        %parallel_loop3A_165 = vector.shape_cast %parallel_loop3A_160 : vector<16xf32> to vector<1x16xf32>
        tpu.vector_store %arg10[%parallel_loop3A_161, %parallel_loop3A_162], %parallel_loop3A_165 {strides = array<i32>} : memref<200x128xf32, #tpu.memory_space<vmem>>, vector<1x16xf32>,
        %parallel_loop3A_166 = arith.index_cast %parallel_loop3A_149 : i32 to index
        %parallel_loop3A_167 = arith.constant 0 : index
        %parallel_loop3A_168 = tpu.vector_load %arg11[%parallel_loop3A_166, %parallel_loop3A_167] {strides = array<i32>} : memref<200x128xf32, #tpu.memory_space<vmem>>, vector<1x16xf32>,
        %parallel_loop3A_169 = vector.shape_cast %parallel_loop3A_168 : vector<1x16xf32> to vector<16xf32>
        %parallel_loop3A_170 = vector.broadcast %scan3A_12 : f32 to vector<16xf32>
        %parallel_loop3A_171 = arith.mulf %parallel_loop3A_169, %parallel_loop3A_170 : vector<16xf32>
        %parallel_loop3A_172 = arith.addf %parallel_loop3A_171, %parallel_loop3A_153 : vector<16xf32>
        %parallel_loop3A_173 = arith.index_cast %parallel_loop3A_149 : i32 to index
        %parallel_loop3A_174 = arith.constant 0 : index
        %parallel_loop3A_175 = tpu.vector_load %arg11[%parallel_loop3A_173, %parallel_loop3A_174] {strides = array<i32>} : memref<200x128xf32, #tpu.memory_space<vmem>>, vector<1x16xf32>,
        %parallel_loop3A_176 = vector.shape_cast %parallel_loop3A_175 : vector<1x16xf32> to vector<16xf32>
        %parallel_loop3A_177 = vector.shape_cast %parallel_loop3A_172 : vector<16xf32> to vector<1x16xf32>
        tpu.vector_store %arg11[%parallel_loop3A_173, %parallel_loop3A_174], %parallel_loop3A_177 {strides = array<i32>} : memref<200x128xf32, #tpu.memory_space<vmem>>, vector<1x16xf32>,
        %parallel_loop3A_178 = arith.index_cast %parallel_loop3A_149 : i32 to index
        %parallel_loop3A_179 = arith.constant 16 : index
        %parallel_loop3A_180 = tpu.vector_load %arg14[%parallel_loop3A_178, %parallel_loop3A_179] {strides = array<i32>} : memref<200x128xf32, #tpu.memory_space<vmem>>, vector<1x16xf32>,
        %parallel_loop3A_181 = vector.shape_cast %parallel_loop3A_180 : vector<1x16xf32> to vector<16xf32>
        %parallel_loop3A_182 = arith.index_cast %parallel_loop3A_149 : i32 to index
        %parallel_loop3A_183 = arith.constant 16 : index
        %parallel_loop3A_184 = tpu.vector_load %arg10[%parallel_loop3A_182, %parallel_loop3A_183] {strides = array<i32>} : memref<200x128xf32, #tpu.memory_space<vmem>>, vector<1x16xf32>,
        %parallel_loop3A_185 = vector.shape_cast %parallel_loop3A_184 : vector<1x16xf32> to vector<16xf32>
        %parallel_loop3A_186 = vector.broadcast %scan3A_12 : f32 to vector<16xf32>
        %parallel_loop3A_187 = arith.mulf %parallel_loop3A_185, %parallel_loop3A_186 : vector<16xf32>
        %parallel_loop3A_188 = arith.addf %parallel_loop3A_187, %parallel_loop3A_181 : vector<16xf32>
        %parallel_loop3A_189 = arith.index_cast %parallel_loop3A_149 : i32 to index
        %parallel_loop3A_190 = arith.constant 16 : index
        %parallel_loop3A_191 = tpu.vector_load %arg10[%parallel_loop3A_189, %parallel_loop3A_190] {strides = array<i32>} : memref<200x128xf32, #tpu.memory_space<vmem>>, vector<1x16xf32>,
        %parallel_loop3A_192 = vector.shape_cast %parallel_loop3A_191 : vector<1x16xf32> to vector<16xf32>
        %parallel_loop3A_193 = vector.shape_cast %parallel_loop3A_188 : vector<16xf32> to vector<1x16xf32>
        tpu.vector_store %arg10[%parallel_loop3A_189, %parallel_loop3A_190], %parallel_loop3A_193 {strides = array<i32>} : memref<200x128xf32, #tpu.memory_space<vmem>>, vector<1x16xf32>,
        %parallel_loop3A_194 = arith.index_cast %parallel_loop3A_149 : i32 to index
        %parallel_loop3A_195 = arith.constant 16 : index
        %parallel_loop3A_196 = tpu.vector_load %arg11[%parallel_loop3A_194, %parallel_loop3A_195] {strides = array<i32>} : memref<200x128xf32, #tpu.memory_space<vmem>>, vector<1x16xf32>,
        %parallel_loop3A_197 = vector.shape_cast %parallel_loop3A_196 : vector<1x16xf32> to vector<16xf32>
        %parallel_loop3A_198 = vector.broadcast %scan3A_12 : f32 to vector<16xf32>
        %parallel_loop3A_199 = arith.mulf %parallel_loop3A_197, %parallel_loop3A_198 : vector<16xf32>
        %parallel_loop3A_200 = arith.addf %parallel_loop3A_199, %parallel_loop3A_181 : vector<16xf32>
        %parallel_loop3A_201 = arith.index_cast %parallel_loop3A_149 : i32 to index
        %parallel_loop3A_202 = arith.constant 16 : index
        %parallel_loop3A_203 = tpu.vector_load %arg11[%parallel_loop3A_201, %parallel_loop3A_202] {strides = array<i32>} : memref<200x128xf32, #tpu.memory_space<vmem>>, vector<1x16xf32>,
        %parallel_loop3A_204 = vector.shape_cast %parallel_loop3A_203 : vector<1x16xf32> to vector<16xf32>
        %parallel_loop3A_205 = vector.shape_cast %parallel_loop3A_200 : vector<16xf32> to vector<1x16xf32>
        tpu.vector_store %arg11[%parallel_loop3A_201, %parallel_loop3A_202], %parallel_loop3A_205 {strides = array<i32>} : memref<200x128xf32, #tpu.memory_space<vmem>>, vector<1x16xf32>,
        %parallel_loop3A_206 = arith.index_cast %parallel_loop3A_149 : i32 to index
        %parallel_loop3A_207 = arith.constant 32 : index
        %parallel_loop3A_208 = tpu.vector_load %arg14[%parallel_loop3A_206, %parallel_loop3A_207] {strides = array<i32>} : memref<200x128xf32, #tpu.memory_space<vmem>>, vector<1x16xf32>,
        %parallel_loop3A_209 = vector.shape_cast %parallel_loop3A_208 : vector<1x16xf32> to vector<16xf32>
        %parallel_loop3A_210 = arith.index_cast %parallel_loop3A_149 : i32 to index
        %parallel_loop3A_211 = arith.constant 32 : index
        %parallel_loop3A_212 = tpu.vector_load %arg10[%parallel_loop3A_210, %parallel_loop3A_211] {strides = array<i32>} : memref<200x128xf32, #tpu.memory_space<vmem>>, vector<1x16xf32>,
        %parallel_loop3A_213 = vector.shape_cast %parallel_loop3A_212 : vector<1x16xf32> to vector<16xf32>
        %parallel_loop3A_214 = vector.broadcast %scan3A_12 : f32 to vector<16xf32>
        %parallel_loop3A_215 = arith.mulf %parallel_loop3A_213, %parallel_loop3A_214 : vector<16xf32>
        %parallel_loop3A_216 = arith.addf %parallel_loop3A_215, %parallel_loop3A_209 : vector<16xf32>
        %parallel_loop3A_217 = arith.index_cast %parallel_loop3A_149 : i32 to index
        %parallel_loop3A_218 = arith.constant 32 : index
        %parallel_loop3A_219 = tpu.vector_load %arg10[%parallel_loop3A_217, %parallel_loop3A_218] {strides = array<i32>} : memref<200x128xf32, #tpu.memory_space<vmem>>, vector<1x16xf32>,
        %parallel_loop3A_220 = vector.shape_cast %parallel_loop3A_219 : vector<1x16xf32> to vector<16xf32>
        %parallel_loop3A_221 = vector.shape_cast %parallel_loop3A_216 : vector<16xf32> to vector<1x16xf32>
        tpu.vector_store %arg10[%parallel_loop3A_217, %parallel_loop3A_218], %parallel_loop3A_221 {strides = array<i32>} : memref<200x128xf32, #tpu.memory_space<vmem>>, vector<1x16xf32>,
        %parallel_loop3A_222 = arith.index_cast %parallel_loop3A_149 : i32 to index
        %parallel_loop3A_223 = arith.constant 32 : index
        %parallel_loop3A_224 = tpu.vector_load %arg11[%parallel_loop3A_222, %parallel_loop3A_223] {strides = array<i32>} : memref<200x128xf32, #tpu.memory_space<vmem>>, vector<1x16xf32>,
        %parallel_loop3A_225 = vector.shape_cast %parallel_loop3A_224 : vector<1x16xf32> to vector<16xf32>
        %parallel_loop3A_226 = vector.broadcast %scan3A_12 : f32 to vector<16xf32>
        %parallel_loop3A_227 = arith.mulf %parallel_loop3A_225, %parallel_loop3A_226 : vector<16xf32>
        %parallel_loop3A_228 = arith.addf %parallel_loop3A_227, %parallel_loop3A_209 : vector<16xf32>
        %parallel_loop3A_229 = arith.index_cast %parallel_loop3A_149 : i32 to index
        %parallel_loop3A_230 = arith.constant 32 : index
        %parallel_loop3A_231 = tpu.vector_load %arg11[%parallel_loop3A_229, %parallel_loop3A_230] {strides = array<i32>} : memref<200x128xf32, #tpu.memory_space<vmem>>, vector<1x16xf32>,
        %parallel_loop3A_232 = vector.shape_cast %parallel_loop3A_231 : vector<1x16xf32> to vector<16xf32>
        %parallel_loop3A_233 = vector.shape_cast %parallel_loop3A_228 : vector<16xf32> to vector<1x16xf32>
        tpu.vector_store %arg11[%parallel_loop3A_229, %parallel_loop3A_230], %parallel_loop3A_233 {strides = array<i32>} : memref<200x128xf32, #tpu.memory_space<vmem>>, vector<1x16xf32>,
        %parallel_loop3A_234 = arith.index_cast %parallel_loop3A_149 : i32 to index
        %parallel_loop3A_235 = arith.constant 48 : index
        %parallel_loop3A_236 = tpu.vector_load %arg14[%parallel_loop3A_234, %parallel_loop3A_235] {strides = array<i32>} : memref<200x128xf32, #tpu.memory_space<vmem>>, vector<1x16xf32>,
        %parallel_loop3A_237 = vector.shape_cast %parallel_loop3A_236 : vector<1x16xf32> to vector<16xf32>
        %parallel_loop3A_238 = arith.index_cast %parallel_loop3A_149 : i32 to index
        %parallel_loop3A_239 = arith.constant 48 : index
        %parallel_loop3A_240 = tpu.vector_load %arg10[%parallel_loop3A_238, %parallel_loop3A_239] {strides = array<i32>} : memref<200x128xf32, #tpu.memory_space<vmem>>, vector<1x16xf32>,
        %parallel_loop3A_241 = vector.shape_cast %parallel_loop3A_240 : vector<1x16xf32> to vector<16xf32>
        %parallel_loop3A_242 = vector.broadcast %scan3A_12 : f32 to vector<16xf32>
        %parallel_loop3A_243 = arith.mulf %parallel_loop3A_241, %parallel_loop3A_242 : vector<16xf32>
        %parallel_loop3A_244 = arith.addf %parallel_loop3A_243, %parallel_loop3A_237 : vector<16xf32>
        %parallel_loop3A_245 = arith.index_cast %parallel_loop3A_149 : i32 to index
        %parallel_loop3A_246 = arith.constant 48 : index
        %parallel_loop3A_247 = tpu.vector_load %arg10[%parallel_loop3A_245, %parallel_loop3A_246] {strides = array<i32>} : memref<200x128xf32, #tpu.memory_space<vmem>>, vector<1x16xf32>,
        %parallel_loop3A_248 = vector.shape_cast %parallel_loop3A_247 : vector<1x16xf32> to vector<16xf32>
        %parallel_loop3A_249 = vector.shape_cast %parallel_loop3A_244 : vector<16xf32> to vector<1x16xf32>
        tpu.vector_store %arg10[%parallel_loop3A_245, %parallel_loop3A_246], %parallel_loop3A_249 {strides = array<i32>} : memref<200x128xf32, #tpu.memory_space<vmem>>, vector<1x16xf32>,
        %parallel_loop3A_250 = arith.index_cast %parallel_loop3A_149 : i32 to index
        %parallel_loop3A_251 = arith.constant 48 : index
        %parallel_loop3A_252 = tpu.vector_load %arg11[%parallel_loop3A_250, %parallel_loop3A_251] {strides = array<i32>} : memref<200x128xf32, #tpu.memory_space<vmem>>, vector<1x16xf32>,
        %parallel_loop3A_253 = vector.shape_cast %parallel_loop3A_252 : vector<1x16xf32> to vector<16xf32>
        %parallel_loop3A_254 = vector.broadcast %scan3A_12 : f32 to vector<16xf32>
        %parallel_loop3A_255 = arith.mulf %parallel_loop3A_253, %parallel_loop3A_254 : vector<16xf32>
        %parallel_loop3A_256 = arith.addf %parallel_loop3A_255, %parallel_loop3A_237 : vector<16xf32>
        %parallel_loop3A_257 = arith.index_cast %parallel_loop3A_149 : i32 to index
        %parallel_loop3A_258 = arith.constant 48 : index
        %parallel_loop3A_259 = tpu.vector_load %arg11[%parallel_loop3A_257, %parallel_loop3A_258] {strides = array<i32>} : memref<200x128xf32, #tpu.memory_space<vmem>>, vector<1x16xf32>,
        %parallel_loop3A_260 = vector.shape_cast %parallel_loop3A_259 : vector<1x16xf32> to vector<16xf32>
        %parallel_loop3A_261 = vector.shape_cast %parallel_loop3A_256 : vector<16xf32> to vector<1x16xf32>
        tpu.vector_store %arg11[%parallel_loop3A_257, %parallel_loop3A_258], %parallel_loop3A_261 {strides = array<i32>} : memref<200x128xf32, #tpu.memory_space<vmem>>, vector<1x16xf32>,
        %parallel_loop3A_262 = arith.index_cast %parallel_loop3A_149 : i32 to index
        %parallel_loop3A_263 = arith.constant 64 : index
        %parallel_loop3A_264 = tpu.vector_load %arg14[%parallel_loop3A_262, %parallel_loop3A_263] {strides = array<i32>} : memref<200x128xf32, #tpu.memory_space<vmem>>, vector<1x16xf32>,
        %parallel_loop3A_265 = vector.shape_cast %parallel_loop3A_264 : vector<1x16xf32> to vector<16xf32>
        %parallel_loop3A_266 = arith.index_cast %parallel_loop3A_149 : i32 to index
        %parallel_loop3A_267 = arith.constant 64 : index
        %parallel_loop3A_268 = tpu.vector_load %arg10[%parallel_loop3A_266, %parallel_loop3A_267] {strides = array<i32>} : memref<200x128xf32, #tpu.memory_space<vmem>>, vector<1x16xf32>,
        %parallel_loop3A_269 = vector.shape_cast %parallel_loop3A_268 : vector<1x16xf32> to vector<16xf32>
        %parallel_loop3A_270 = vector.broadcast %scan3A_12 : f32 to vector<16xf32>
        %parallel_loop3A_271 = arith.mulf %parallel_loop3A_269, %parallel_loop3A_270 : vector<16xf32>
        %parallel_loop3A_272 = arith.addf %parallel_loop3A_271, %parallel_loop3A_265 : vector<16xf32>
        %parallel_loop3A_273 = arith.index_cast %parallel_loop3A_149 : i32 to index
        %parallel_loop3A_274 = arith.constant 64 : index
        %parallel_loop3A_275 = tpu.vector_load %arg10[%parallel_loop3A_273, %parallel_loop3A_274] {strides = array<i32>} : memref<200x128xf32, #tpu.memory_space<vmem>>, vector<1x16xf32>,
        %parallel_loop3A_276 = vector.shape_cast %parallel_loop3A_275 : vector<1x16xf32> to vector<16xf32>
        %parallel_loop3A_277 = vector.shape_cast %parallel_loop3A_272 : vector<16xf32> to vector<1x16xf32>
        tpu.vector_store %arg10[%parallel_loop3A_273, %parallel_loop3A_274], %parallel_loop3A_277 {strides = array<i32>} : memref<200x128xf32, #tpu.memory_space<vmem>>, vector<1x16xf32>,
        %parallel_loop3A_278 = arith.index_cast %parallel_loop3A_149 : i32 to index
        %parallel_loop3A_279 = arith.constant 64 : index
        %parallel_loop3A_280 = tpu.vector_load %arg11[%parallel_loop3A_278, %parallel_loop3A_279] {strides = array<i32>} : memref<200x128xf32, #tpu.memory_space<vmem>>, vector<1x16xf32>,
        %parallel_loop3A_281 = vector.shape_cast %parallel_loop3A_280 : vector<1x16xf32> to vector<16xf32>
        %parallel_loop3A_282 = vector.broadcast %scan3A_12 : f32 to vector<16xf32>
        %parallel_loop3A_283 = arith.mulf %parallel_loop3A_281, %parallel_loop3A_282 : vector<16xf32>
        %parallel_loop3A_284 = arith.addf %parallel_loop3A_283, %parallel_loop3A_265 : vector<16xf32>
        %parallel_loop3A_285 = arith.index_cast %parallel_loop3A_149 : i32 to index
        %parallel_loop3A_286 = arith.constant 64 : index
        %parallel_loop3A_287 = tpu.vector_load %arg11[%parallel_loop3A_285, %parallel_loop3A_286] {strides = array<i32>} : memref<200x128xf32, #tpu.memory_space<vmem>>, vector<1x16xf32>,
        %parallel_loop3A_288 = vector.shape_cast %parallel_loop3A_287 : vector<1x16xf32> to vector<16xf32>
        %parallel_loop3A_289 = vector.shape_cast %parallel_loop3A_284 : vector<16xf32> to vector<1x16xf32>
        tpu.vector_store %arg11[%parallel_loop3A_285, %parallel_loop3A_286], %parallel_loop3A_289 {strides = array<i32>} : memref<200x128xf32, #tpu.memory_space<vmem>>, vector<1x16xf32>,
        %parallel_loop3A_290 = arith.index_cast %parallel_loop3A_149 : i32 to index
        %parallel_loop3A_291 = arith.constant 80 : index
        %parallel_loop3A_292 = tpu.vector_load %arg14[%parallel_loop3A_290, %parallel_loop3A_291] {strides = array<i32>} : memref<200x128xf32, #tpu.memory_space<vmem>>, vector<1x16xf32>,
        %parallel_loop3A_293 = vector.shape_cast %parallel_loop3A_292 : vector<1x16xf32> to vector<16xf32>
        %parallel_loop3A_294 = arith.index_cast %parallel_loop3A_149 : i32 to index
        %parallel_loop3A_295 = arith.constant 80 : index
        %parallel_loop3A_296 = tpu.vector_load %arg10[%parallel_loop3A_294, %parallel_loop3A_295] {strides = array<i32>} : memref<200x128xf32, #tpu.memory_space<vmem>>, vector<1x16xf32>,
        %parallel_loop3A_297 = vector.shape_cast %parallel_loop3A_296 : vector<1x16xf32> to vector<16xf32>
        %parallel_loop3A_298 = vector.broadcast %scan3A_12 : f32 to vector<16xf32>
        %parallel_loop3A_299 = arith.mulf %parallel_loop3A_297, %parallel_loop3A_298 : vector<16xf32>
        %parallel_loop3A_300 = arith.addf %parallel_loop3A_299, %parallel_loop3A_293 : vector<16xf32>
        %parallel_loop3A_301 = arith.index_cast %parallel_loop3A_149 : i32 to index
        %parallel_loop3A_302 = arith.constant 80 : index
        %parallel_loop3A_303 = tpu.vector_load %arg10[%parallel_loop3A_301, %parallel_loop3A_302] {strides = array<i32>} : memref<200x128xf32, #tpu.memory_space<vmem>>, vector<1x16xf32>,
        %parallel_loop3A_304 = vector.shape_cast %parallel_loop3A_303 : vector<1x16xf32> to vector<16xf32>
        %parallel_loop3A_305 = vector.shape_cast %parallel_loop3A_300 : vector<16xf32> to vector<1x16xf32>
        tpu.vector_store %arg10[%parallel_loop3A_301, %parallel_loop3A_302], %parallel_loop3A_305 {strides = array<i32>} : memref<200x128xf32, #tpu.memory_space<vmem>>, vector<1x16xf32>,
        %parallel_loop3A_306 = arith.index_cast %parallel_loop3A_149 : i32 to index
        %parallel_loop3A_307 = arith.constant 80 : index
        %parallel_loop3A_308 = tpu.vector_load %arg11[%parallel_loop3A_306, %parallel_loop3A_307] {strides = array<i32>} : memref<200x128xf32, #tpu.memory_space<vmem>>, vector<1x16xf32>,
        %parallel_loop3A_309 = vector.shape_cast %parallel_loop3A_308 : vector<1x16xf32> to vector<16xf32>
        %parallel_loop3A_310 = vector.broadcast %scan3A_12 : f32 to vector<16xf32>
        %parallel_loop3A_311 = arith.mulf %parallel_loop3A_309, %parallel_loop3A_310 : vector<16xf32>
        %parallel_loop3A_312 = arith.addf %parallel_loop3A_311, %parallel_loop3A_293 : vector<16xf32>
        %parallel_loop3A_313 = arith.index_cast %parallel_loop3A_149 : i32 to index
        %parallel_loop3A_314 = arith.constant 80 : index
        %parallel_loop3A_315 = tpu.vector_load %arg11[%parallel_loop3A_313, %parallel_loop3A_314] {strides = array<i32>} : memref<200x128xf32, #tpu.memory_space<vmem>>, vector<1x16xf32>,
        %parallel_loop3A_316 = vector.shape_cast %parallel_loop3A_315 : vector<1x16xf32> to vector<16xf32>
        %parallel_loop3A_317 = vector.shape_cast %parallel_loop3A_312 : vector<16xf32> to vector<1x16xf32>
        tpu.vector_store %arg11[%parallel_loop3A_313, %parallel_loop3A_314], %parallel_loop3A_317 {strides = array<i32>} : memref<200x128xf32, #tpu.memory_space<vmem>>, vector<1x16xf32>,
        %parallel_loop3A_318 = arith.index_cast %parallel_loop3A_149 : i32 to index
        %parallel_loop3A_319 = arith.constant 96 : index
        %parallel_loop3A_320 = tpu.vector_load %arg14[%parallel_loop3A_318, %parallel_loop3A_319] {strides = array<i32>} : memref<200x128xf32, #tpu.memory_space<vmem>>, vector<1x16xf32>,
        %parallel_loop3A_321 = vector.shape_cast %parallel_loop3A_320 : vector<1x16xf32> to vector<16xf32>
        %parallel_loop3A_322 = arith.index_cast %parallel_loop3A_149 : i32 to index
        %parallel_loop3A_323 = arith.constant 96 : index
        %parallel_loop3A_324 = tpu.vector_load %arg10[%parallel_loop3A_322, %parallel_loop3A_323] {strides = array<i32>} : memref<200x128xf32, #tpu.memory_space<vmem>>, vector<1x16xf32>,
        %parallel_loop3A_325 = vector.shape_cast %parallel_loop3A_324 : vector<1x16xf32> to vector<16xf32>
        %parallel_loop3A_326 = vector.broadcast %scan3A_12 : f32 to vector<16xf32>
        %parallel_loop3A_327 = arith.mulf %parallel_loop3A_325, %parallel_loop3A_326 : vector<16xf32>
        %parallel_loop3A_328 = arith.addf %parallel_loop3A_327, %parallel_loop3A_321 : vector<16xf32>
        %parallel_loop3A_329 = arith.index_cast %parallel_loop3A_149 : i32 to index
        %parallel_loop3A_330 = arith.constant 96 : index
        %parallel_loop3A_331 = tpu.vector_load %arg10[%parallel_loop3A_329, %parallel_loop3A_330] {strides = array<i32>} : memref<200x128xf32, #tpu.memory_space<vmem>>, vector<1x16xf32>,
        %parallel_loop3A_332 = vector.shape_cast %parallel_loop3A_331 : vector<1x16xf32> to vector<16xf32>
        %parallel_loop3A_333 = vector.shape_cast %parallel_loop3A_328 : vector<16xf32> to vector<1x16xf32>
        tpu.vector_store %arg10[%parallel_loop3A_329, %parallel_loop3A_330], %parallel_loop3A_333 {strides = array<i32>} : memref<200x128xf32, #tpu.memory_space<vmem>>, vector<1x16xf32>,
        %parallel_loop3A_334 = arith.index_cast %parallel_loop3A_149 : i32 to index
        %parallel_loop3A_335 = arith.constant 96 : index
        %parallel_loop3A_336 = tpu.vector_load %arg11[%parallel_loop3A_334, %parallel_loop3A_335] {strides = array<i32>} : memref<200x128xf32, #tpu.memory_space<vmem>>, vector<1x16xf32>,
        %parallel_loop3A_337 = vector.shape_cast %parallel_loop3A_336 : vector<1x16xf32> to vector<16xf32>
        %parallel_loop3A_338 = vector.broadcast %scan3A_12 : f32 to vector<16xf32>
        %parallel_loop3A_339 = arith.mulf %parallel_loop3A_337, %parallel_loop3A_338 : vector<16xf32>
        %parallel_loop3A_340 = arith.addf %parallel_loop3A_339, %parallel_loop3A_321 : vector<16xf32>
        %parallel_loop3A_341 = arith.index_cast %parallel_loop3A_149 : i32 to index
        %parallel_loop3A_342 = arith.constant 96 : index
        %parallel_loop3A_343 = tpu.vector_load %arg11[%parallel_loop3A_341, %parallel_loop3A_342] {strides = array<i32>} : memref<200x128xf32, #tpu.memory_space<vmem>>, vector<1x16xf32>,
        %parallel_loop3A_344 = vector.shape_cast %parallel_loop3A_343 : vector<1x16xf32> to vector<16xf32>
        %parallel_loop3A_345 = vector.shape_cast %parallel_loop3A_340 : vector<16xf32> to vector<1x16xf32>
        tpu.vector_store %arg11[%parallel_loop3A_341, %parallel_loop3A_342], %parallel_loop3A_345 {strides = array<i32>} : memref<200x128xf32, #tpu.memory_space<vmem>>, vector<1x16xf32>,
        %parallel_loop3A_346 = arith.index_cast %parallel_loop3A_149 : i32 to index
        %parallel_loop3A_347 = arith.constant 112 : index
        %parallel_loop3A_348 = tpu.vector_load %arg14[%parallel_loop3A_346, %parallel_loop3A_347] {strides = array<i32>} : memref<200x128xf32, #tpu.memory_space<vmem>>, vector<1x16xf32>,
        %parallel_loop3A_349 = vector.shape_cast %parallel_loop3A_348 : vector<1x16xf32> to vector<16xf32>
        %parallel_loop3A_350 = arith.index_cast %parallel_loop3A_149 : i32 to index
        %parallel_loop3A_351 = arith.constant 112 : index
        %parallel_loop3A_352 = tpu.vector_load %arg10[%parallel_loop3A_350, %parallel_loop3A_351] {strides = array<i32>} : memref<200x128xf32, #tpu.memory_space<vmem>>, vector<1x16xf32>,
        %parallel_loop3A_353 = vector.shape_cast %parallel_loop3A_352 : vector<1x16xf32> to vector<16xf32>
        %parallel_loop3A_354 = vector.broadcast %scan3A_12 : f32 to vector<16xf32>
        %parallel_loop3A_355 = arith.mulf %parallel_loop3A_353, %parallel_loop3A_354 : vector<16xf32>
        %parallel_loop3A_356 = arith.addf %parallel_loop3A_355, %parallel_loop3A_349 : vector<16xf32>
        %parallel_loop3A_357 = arith.index_cast %parallel_loop3A_149 : i32 to index
        %parallel_loop3A_358 = arith.constant 112 : index
        %parallel_loop3A_359 = tpu.vector_load %arg10[%parallel_loop3A_357, %parallel_loop3A_358] {strides = array<i32>} : memref<200x128xf32, #tpu.memory_space<vmem>>, vector<1x16xf32>,
        %parallel_loop3A_360 = vector.shape_cast %parallel_loop3A_359 : vector<1x16xf32> to vector<16xf32>
        %parallel_loop3A_361 = vector.shape_cast %parallel_loop3A_356 : vector<16xf32> to vector<1x16xf32>
        tpu.vector_store %arg10[%parallel_loop3A_357, %parallel_loop3A_358], %parallel_loop3A_361 {strides = array<i32>} : memref<200x128xf32, #tpu.memory_space<vmem>>, vector<1x16xf32>,
        %parallel_loop3A_362 = arith.index_cast %parallel_loop3A_149 : i32 to index
        %parallel_loop3A_363 = arith.constant 112 : index
        %parallel_loop3A_364 = tpu.vector_load %arg11[%parallel_loop3A_362, %parallel_loop3A_363] {strides = array<i32>} : memref<200x128xf32, #tpu.memory_space<vmem>>, vector<1x16xf32>,
        %parallel_loop3A_365 = vector.shape_cast %parallel_loop3A_364 : vector<1x16xf32> to vector<16xf32>
        %parallel_loop3A_366 = vector.broadcast %scan3A_12 : f32 to vector<16xf32>
        %parallel_loop3A_367 = arith.mulf %parallel_loop3A_365, %parallel_loop3A_366 : vector<16xf32>
        %parallel_loop3A_368 = arith.addf %parallel_loop3A_367, %parallel_loop3A_349 : vector<16xf32>
        %parallel_loop3A_369 = arith.index_cast %parallel_loop3A_149 : i32 to index
        %parallel_loop3A_370 = arith.constant 112 : index
        %parallel_loop3A_371 = tpu.vector_load %arg11[%parallel_loop3A_369, %parallel_loop3A_370] {strides = array<i32>} : memref<200x128xf32, #tpu.memory_space<vmem>>, vector<1x16xf32>,
        %parallel_loop3A_372 = vector.shape_cast %parallel_loop3A_371 : vector<1x16xf32> to vector<16xf32>
        %parallel_loop3A_373 = vector.shape_cast %parallel_loop3A_368 : vector<16xf32> to vector<1x16xf32>
        tpu.vector_store %arg11[%parallel_loop3A_369, %parallel_loop3A_370], %parallel_loop3A_373 {strides = array<i32>} : memref<200x128xf32, #tpu.memory_space<vmem>>, vector<1x16xf32>,
      } {sc.loop_unroll_factor = 1 : i64, sc.parallel_access}
      %gt3A_61 = arith.constant 0 : i32
      %gt3A_62 = arith.cmpi sgt, %scan3A_33, %gt3A_61 : i32
      %convert_element_type3A_63 = arith.extui %gt3A_62 : i1 to i32
      %cond3A_64 = arith.constant 0 : i32
      %cond3A_65 = arith.cmpi ne, %convert_element_type3A_63, %cond3A_64 : i32
      scf.if %cond3A_65 {
        %dma_wait3A_149 = arith.constant 0 : i32
        %dma_wait3A_150 = tpu.memref_slice %arg5[%mul3A_2, %dma_wait3A_149] : memref<204800x128xf32, #tpu.memory_space<hbm>> -> memref<200x128xf32, #tpu.memory_space<hbm>>
        %dma_wait3A_151 = arith.constant 0 : i32
        %dma_wait3A_152 = tpu.memref_slice %arg5[%mul3A_2, %dma_wait3A_151] : memref<204800x128xf32, #tpu.memory_space<hbm>> -> memref<200x128xf32, #tpu.memory_space<hbm>>
        tpu.wait_dma2 semaphore(%arg22 : memref<!tpu.dma_semaphore, #tpu.memory_space<semaphore_mem>>) src(%arg13 : memref<200x128xf32, #tpu.memory_space<vmem>>) dst(%dma_wait3A_152 : memref<200x128xf32, #tpu.memory_space<hbm>>)
      } else {
      }
      %add3A_66 = arith.constant 1 : i32
      %add3A_67 = arith.addi %add3A_37, %add3A_66 : i32
      %mul3A_68 = arith.constant 2 : i32
      %mul3A_69 = arith.muli %mul3A_68, %add3A_67 : i32
      %add3A_70 = arith.constant 1 : i32
      %add3A_71 = arith.addi %mul3A_69, %add3A_70 : i32
      %mul3A_72 = arith.constant 200 : i32
      %mul3A_73 = arith.muli %add3A_71, %mul3A_72 : i32
      %add3A_74 = arith.addi %mul3A_2, %mul3A_73 : i32
      "tpu.region"() ({
        %run_scoped3A = tpu.sem_alloc : memref<!tpu.dma_semaphore, #tpu.memory_space<semaphore_mem>>
        %dma_start3A_149 = tpu.memref_slice %arg2[%add3A_74] : memref<204800xi32, #tpu.memory_space<hbm>> -> memref<200xi32, #tpu.memory_space<hbm>>
        %dma_start3A_150 = tpu.memref_slice %arg2[%add3A_74] : memref<204800xi32, #tpu.memory_space<hbm>> -> memref<200xi32, #tpu.memory_space<hbm>>
        tpu.enqueue_dma source(%dma_start3A_150 : memref<200xi32, #tpu.memory_space<hbm>>) target(%arg9 : memref<200xi32, #tpu.memory_space<vmem>>) target_semaphore(%run_scoped3A : memref<!tpu.dma_semaphore, #tpu.memory_space<semaphore_mem>>)
        %dma_wait3A_151 = tpu.memref_slice %arg2[%add3A_74] : memref<204800xi32, #tpu.memory_space<hbm>> -> memref<200xi32, #tpu.memory_space<hbm>>
        %dma_wait3A_152 = tpu.memref_slice %arg2[%add3A_74] : memref<204800xi32, #tpu.memory_space<hbm>> -> memref<200xi32, #tpu.memory_space<hbm>>
        tpu.wait_dma2 semaphore(%run_scoped3A : memref<!tpu.dma_semaphore, #tpu.memory_space<semaphore_mem>>) src(%dma_wait3A_152 : memref<200xi32, #tpu.memory_space<hbm>>) dst(%arg9 : memref<200xi32, #tpu.memory_space<vmem>>)
        tpu.yield
      }) : () -> ()
      %dma_start3A_75 = arith.constant 0 : i32
      %dma_start3A_76 = arith.constant 0 : i32
      %dma_start3A_77 = tpu.memref_slice %arg3[%dma_start3A_75, %dma_start3A_76] : memref<100000x128xf32, #tpu.memory_space<hbm>> -> memref<100000x128xf32, #tpu.memory_space<hbm>>
      tpu.enqueue_indirect_dma source(%dma_start3A_77 : memref<100000x128xf32, #tpu.memory_space<hbm>>) target(%arg13 : memref<200x128xf32, #tpu.memory_space<vmem>>) offsets(%arg9 : memref<200xi32, #tpu.memory_space<vmem>>) semaphore(%arg18 : memref<!tpu.dma_semaphore, #tpu.memory_space<semaphore_mem>>)
      %parallel_loop3A_78 = arith.constant 128 : i32
      %parallel_loop3A_79 = arith.constant 200 : i32
      %parallel_loop3A_80 = arith.constant 1 : i32
      scf.for %parallel_loop3A_149 = %parallel_loop3A_78 to %parallel_loop3A_79 step %parallel_loop3A_80  : i32 {
        %parallel_loop3A_150 = arith.index_cast %parallel_loop3A_149 : i32 to index
        %parallel_loop3A_151 = arith.constant 0 : index
        %parallel_loop3A_152 = tpu.vector_load %arg14[%parallel_loop3A_150, %parallel_loop3A_151] {strides = array<i32>} : memref<200x128xf32, #tpu.memory_space<vmem>>, vector<1x16xf32>,
        %parallel_loop3A_153 = vector.shape_cast %parallel_loop3A_152 : vector<1x16xf32> to vector<16xf32>
        %parallel_loop3A_154 = arith.index_cast %parallel_loop3A_149 : i32 to index
        %parallel_loop3A_155 = arith.constant 0 : index
        %parallel_loop3A_156 = tpu.vector_load %arg10[%parallel_loop3A_154, %parallel_loop3A_155] {strides = array<i32>} : memref<200x128xf32, #tpu.memory_space<vmem>>, vector<1x16xf32>,
        %parallel_loop3A_157 = vector.shape_cast %parallel_loop3A_156 : vector<1x16xf32> to vector<16xf32>
        %parallel_loop3A_158 = vector.broadcast %scan3A_12 : f32 to vector<16xf32>
        %parallel_loop3A_159 = arith.mulf %parallel_loop3A_157, %parallel_loop3A_158 : vector<16xf32>
        %parallel_loop3A_160 = arith.addf %parallel_loop3A_159, %parallel_loop3A_153 : vector<16xf32>
        %parallel_loop3A_161 = arith.index_cast %parallel_loop3A_149 : i32 to index
        %parallel_loop3A_162 = arith.constant 0 : index
        %parallel_loop3A_163 = tpu.vector_load %arg10[%parallel_loop3A_161, %parallel_loop3A_162] {strides = array<i32>} : memref<200x128xf32, #tpu.memory_space<vmem>>, vector<1x16xf32>,
        %parallel_loop3A_164 = vector.shape_cast %parallel_loop3A_163 : vector<1x16xf32> to vector<16xf32>
        %parallel_loop3A_165 = vector.shape_cast %parallel_loop3A_160 : vector<16xf32> to vector<1x16xf32>
        tpu.vector_store %arg10[%parallel_loop3A_161, %parallel_loop3A_162], %parallel_loop3A_165 {strides = array<i32>} : memref<200x128xf32, #tpu.memory_space<vmem>>, vector<1x16xf32>,
        %parallel_loop3A_166 = arith.index_cast %parallel_loop3A_149 : i32 to index
        %parallel_loop3A_167 = arith.constant 0 : index
        %parallel_loop3A_168 = tpu.vector_load %arg11[%parallel_loop3A_166, %parallel_loop3A_167] {strides = array<i32>} : memref<200x128xf32, #tpu.memory_space<vmem>>, vector<1x16xf32>,
        %parallel_loop3A_169 = vector.shape_cast %parallel_loop3A_168 : vector<1x16xf32> to vector<16xf32>
        %parallel_loop3A_170 = vector.broadcast %scan3A_12 : f32 to vector<16xf32>
        %parallel_loop3A_171 = arith.mulf %parallel_loop3A_169, %parallel_loop3A_170 : vector<16xf32>
        %parallel_loop3A_172 = arith.addf %parallel_loop3A_171, %parallel_loop3A_153 : vector<16xf32>
        %parallel_loop3A_173 = arith.index_cast %parallel_loop3A_149 : i32 to index
        %parallel_loop3A_174 = arith.constant 0 : index
        %parallel_loop3A_175 = tpu.vector_load %arg11[%parallel_loop3A_173, %parallel_loop3A_174] {strides = array<i32>} : memref<200x128xf32, #tpu.memory_space<vmem>>, vector<1x16xf32>,
        %parallel_loop3A_176 = vector.shape_cast %parallel_loop3A_175 : vector<1x16xf32> to vector<16xf32>
        %parallel_loop3A_177 = vector.shape_cast %parallel_loop3A_172 : vector<16xf32> to vector<1x16xf32>
        tpu.vector_store %arg11[%parallel_loop3A_173, %parallel_loop3A_174], %parallel_loop3A_177 {strides = array<i32>} : memref<200x128xf32, #tpu.memory_space<vmem>>, vector<1x16xf32>,
        %parallel_loop3A_178 = arith.index_cast %parallel_loop3A_149 : i32 to index
        %parallel_loop3A_179 = arith.constant 16 : index
        %parallel_loop3A_180 = tpu.vector_load %arg14[%parallel_loop3A_178, %parallel_loop3A_179] {strides = array<i32>} : memref<200x128xf32, #tpu.memory_space<vmem>>, vector<1x16xf32>,
        %parallel_loop3A_181 = vector.shape_cast %parallel_loop3A_180 : vector<1x16xf32> to vector<16xf32>
        %parallel_loop3A_182 = arith.index_cast %parallel_loop3A_149 : i32 to index
        %parallel_loop3A_183 = arith.constant 16 : index
        %parallel_loop3A_184 = tpu.vector_load %arg10[%parallel_loop3A_182, %parallel_loop3A_183] {strides = array<i32>} : memref<200x128xf32, #tpu.memory_space<vmem>>, vector<1x16xf32>,
        %parallel_loop3A_185 = vector.shape_cast %parallel_loop3A_184 : vector<1x16xf32> to vector<16xf32>
        %parallel_loop3A_186 = vector.broadcast %scan3A_12 : f32 to vector<16xf32>
        %parallel_loop3A_187 = arith.mulf %parallel_loop3A_185, %parallel_loop3A_186 : vector<16xf32>
        %parallel_loop3A_188 = arith.addf %parallel_loop3A_187, %parallel_loop3A_181 : vector<16xf32>
        %parallel_loop3A_189 = arith.index_cast %parallel_loop3A_149 : i32 to index
        %parallel_loop3A_190 = arith.constant 16 : index
        %parallel_loop3A_191 = tpu.vector_load %arg10[%parallel_loop3A_189, %parallel_loop3A_190] {strides = array<i32>} : memref<200x128xf32, #tpu.memory_space<vmem>>, vector<1x16xf32>,
        %parallel_loop3A_192 = vector.shape_cast %parallel_loop3A_191 : vector<1x16xf32> to vector<16xf32>
        %parallel_loop3A_193 = vector.shape_cast %parallel_loop3A_188 : vector<16xf32> to vector<1x16xf32>
        tpu.vector_store %arg10[%parallel_loop3A_189, %parallel_loop3A_190], %parallel_loop3A_193 {strides = array<i32>} : memref<200x128xf32, #tpu.memory_space<vmem>>, vector<1x16xf32>,
        %parallel_loop3A_194 = arith.index_cast %parallel_loop3A_149 : i32 to index
        %parallel_loop3A_195 = arith.constant 16 : index
        %parallel_loop3A_196 = tpu.vector_load %arg11[%parallel_loop3A_194, %parallel_loop3A_195] {strides = array<i32>} : memref<200x128xf32, #tpu.memory_space<vmem>>, vector<1x16xf32>,
        %parallel_loop3A_197 = vector.shape_cast %parallel_loop3A_196 : vector<1x16xf32> to vector<16xf32>
        %parallel_loop3A_198 = vector.broadcast %scan3A_12 : f32 to vector<16xf32>
        %parallel_loop3A_199 = arith.mulf %parallel_loop3A_197, %parallel_loop3A_198 : vector<16xf32>
        %parallel_loop3A_200 = arith.addf %parallel_loop3A_199, %parallel_loop3A_181 : vector<16xf32>
        %parallel_loop3A_201 = arith.index_cast %parallel_loop3A_149 : i32 to index
        %parallel_loop3A_202 = arith.constant 16 : index
        %parallel_loop3A_203 = tpu.vector_load %arg11[%parallel_loop3A_201, %parallel_loop3A_202] {strides = array<i32>} : memref<200x128xf32, #tpu.memory_space<vmem>>, vector<1x16xf32>,
        %parallel_loop3A_204 = vector.shape_cast %parallel_loop3A_203 : vector<1x16xf32> to vector<16xf32>
        %parallel_loop3A_205 = vector.shape_cast %parallel_loop3A_200 : vector<16xf32> to vector<1x16xf32>
        tpu.vector_store %arg11[%parallel_loop3A_201, %parallel_loop3A_202], %parallel_loop3A_205 {strides = array<i32>} : memref<200x128xf32, #tpu.memory_space<vmem>>, vector<1x16xf32>,
        %parallel_loop3A_206 = arith.index_cast %parallel_loop3A_149 : i32 to index
        %parallel_loop3A_207 = arith.constant 32 : index
        %parallel_loop3A_208 = tpu.vector_load %arg14[%parallel_loop3A_206, %parallel_loop3A_207] {strides = array<i32>} : memref<200x128xf32, #tpu.memory_space<vmem>>, vector<1x16xf32>,
        %parallel_loop3A_209 = vector.shape_cast %parallel_loop3A_208 : vector<1x16xf32> to vector<16xf32>
        %parallel_loop3A_210 = arith.index_cast %parallel_loop3A_149 : i32 to index
        %parallel_loop3A_211 = arith.constant 32 : index
        %parallel_loop3A_212 = tpu.vector_load %arg10[%parallel_loop3A_210, %parallel_loop3A_211] {strides = array<i32>} : memref<200x128xf32, #tpu.memory_space<vmem>>, vector<1x16xf32>,
        %parallel_loop3A_213 = vector.shape_cast %parallel_loop3A_212 : vector<1x16xf32> to vector<16xf32>
        %parallel_loop3A_214 = vector.broadcast %scan3A_12 : f32 to vector<16xf32>
        %parallel_loop3A_215 = arith.mulf %parallel_loop3A_213, %parallel_loop3A_214 : vector<16xf32>
        %parallel_loop3A_216 = arith.addf %parallel_loop3A_215, %parallel_loop3A_209 : vector<16xf32>
        %parallel_loop3A_217 = arith.index_cast %parallel_loop3A_149 : i32 to index
        %parallel_loop3A_218 = arith.constant 32 : index
        %parallel_loop3A_219 = tpu.vector_load %arg10[%parallel_loop3A_217, %parallel_loop3A_218] {strides = array<i32>} : memref<200x128xf32, #tpu.memory_space<vmem>>, vector<1x16xf32>,
        %parallel_loop3A_220 = vector.shape_cast %parallel_loop3A_219 : vector<1x16xf32> to vector<16xf32>
        %parallel_loop3A_221 = vector.shape_cast %parallel_loop3A_216 : vector<16xf32> to vector<1x16xf32>
        tpu.vector_store %arg10[%parallel_loop3A_217, %parallel_loop3A_218], %parallel_loop3A_221 {strides = array<i32>} : memref<200x128xf32, #tpu.memory_space<vmem>>, vector<1x16xf32>,
        %parallel_loop3A_222 = arith.index_cast %parallel_loop3A_149 : i32 to index
        %parallel_loop3A_223 = arith.constant 32 : index
        %parallel_loop3A_224 = tpu.vector_load %arg11[%parallel_loop3A_222, %parallel_loop3A_223] {strides = array<i32>} : memref<200x128xf32, #tpu.memory_space<vmem>>, vector<1x16xf32>,
        %parallel_loop3A_225 = vector.shape_cast %parallel_loop3A_224 : vector<1x16xf32> to vector<16xf32>
        %parallel_loop3A_226 = vector.broadcast %scan3A_12 : f32 to vector<16xf32>
        %parallel_loop3A_227 = arith.mulf %parallel_loop3A_225, %parallel_loop3A_226 : vector<16xf32>
        %parallel_loop3A_228 = arith.addf %parallel_loop3A_227, %parallel_loop3A_209 : vector<16xf32>
        %parallel_loop3A_229 = arith.index_cast %parallel_loop3A_149 : i32 to index
        %parallel_loop3A_230 = arith.constant 32 : index
        %parallel_loop3A_231 = tpu.vector_load %arg11[%parallel_loop3A_229, %parallel_loop3A_230] {strides = array<i32>} : memref<200x128xf32, #tpu.memory_space<vmem>>, vector<1x16xf32>,
        %parallel_loop3A_232 = vector.shape_cast %parallel_loop3A_231 : vector<1x16xf32> to vector<16xf32>
        %parallel_loop3A_233 = vector.shape_cast %parallel_loop3A_228 : vector<16xf32> to vector<1x16xf32>
        tpu.vector_store %arg11[%parallel_loop3A_229, %parallel_loop3A_230], %parallel_loop3A_233 {strides = array<i32>} : memref<200x128xf32, #tpu.memory_space<vmem>>, vector<1x16xf32>,
        %parallel_loop3A_234 = arith.index_cast %parallel_loop3A_149 : i32 to index
        %parallel_loop3A_235 = arith.constant 48 : index
        %parallel_loop3A_236 = tpu.vector_load %arg14[%parallel_loop3A_234, %parallel_loop3A_235] {strides = array<i32>} : memref<200x128xf32, #tpu.memory_space<vmem>>, vector<1x16xf32>,
        %parallel_loop3A_237 = vector.shape_cast %parallel_loop3A_236 : vector<1x16xf32> to vector<16xf32>
        %parallel_loop3A_238 = arith.index_cast %parallel_loop3A_149 : i32 to index
        %parallel_loop3A_239 = arith.constant 48 : index
        %parallel_loop3A_240 = tpu.vector_load %arg10[%parallel_loop3A_238, %parallel_loop3A_239] {strides = array<i32>} : memref<200x128xf32, #tpu.memory_space<vmem>>, vector<1x16xf32>,
        %parallel_loop3A_241 = vector.shape_cast %parallel_loop3A_240 : vector<1x16xf32> to vector<16xf32>
        %parallel_loop3A_242 = vector.broadcast %scan3A_12 : f32 to vector<16xf32>
        %parallel_loop3A_243 = arith.mulf %parallel_loop3A_241, %parallel_loop3A_242 : vector<16xf32>
        %parallel_loop3A_244 = arith.addf %parallel_loop3A_243, %parallel_loop3A_237 : vector<16xf32>
        %parallel_loop3A_245 = arith.index_cast %parallel_loop3A_149 : i32 to index
        %parallel_loop3A_246 = arith.constant 48 : index
        %parallel_loop3A_247 = tpu.vector_load %arg10[%parallel_loop3A_245, %parallel_loop3A_246] {strides = array<i32>} : memref<200x128xf32, #tpu.memory_space<vmem>>, vector<1x16xf32>,
        %parallel_loop3A_248 = vector.shape_cast %parallel_loop3A_247 : vector<1x16xf32> to vector<16xf32>
        %parallel_loop3A_249 = vector.shape_cast %parallel_loop3A_244 : vector<16xf32> to vector<1x16xf32>
        tpu.vector_store %arg10[%parallel_loop3A_245, %parallel_loop3A_246], %parallel_loop3A_249 {strides = array<i32>} : memref<200x128xf32, #tpu.memory_space<vmem>>, vector<1x16xf32>,
        %parallel_loop3A_250 = arith.index_cast %parallel_loop3A_149 : i32 to index
        %parallel_loop3A_251 = arith.constant 48 : index
        %parallel_loop3A_252 = tpu.vector_load %arg11[%parallel_loop3A_250, %parallel_loop3A_251] {strides = array<i32>} : memref<200x128xf32, #tpu.memory_space<vmem>>, vector<1x16xf32>,
        %parallel_loop3A_253 = vector.shape_cast %parallel_loop3A_252 : vector<1x16xf32> to vector<16xf32>
        %parallel_loop3A_254 = vector.broadcast %scan3A_12 : f32 to vector<16xf32>
        %parallel_loop3A_255 = arith.mulf %parallel_loop3A_253, %parallel_loop3A_254 : vector<16xf32>
        %parallel_loop3A_256 = arith.addf %parallel_loop3A_255, %parallel_loop3A_237 : vector<16xf32>
        %parallel_loop3A_257 = arith.index_cast %parallel_loop3A_149 : i32 to index
        %parallel_loop3A_258 = arith.constant 48 : index
        %parallel_loop3A_259 = tpu.vector_load %arg11[%parallel_loop3A_257, %parallel_loop3A_258] {strides = array<i32>} : memref<200x128xf32, #tpu.memory_space<vmem>>, vector<1x16xf32>,
        %parallel_loop3A_260 = vector.shape_cast %parallel_loop3A_259 : vector<1x16xf32> to vector<16xf32>
        %parallel_loop3A_261 = vector.shape_cast %parallel_loop3A_256 : vector<16xf32> to vector<1x16xf32>
        tpu.vector_store %arg11[%parallel_loop3A_257, %parallel_loop3A_258], %parallel_loop3A_261 {strides = array<i32>} : memref<200x128xf32, #tpu.memory_space<vmem>>, vector<1x16xf32>,
        %parallel_loop3A_262 = arith.index_cast %parallel_loop3A_149 : i32 to index
        %parallel_loop3A_263 = arith.constant 64 : index
        %parallel_loop3A_264 = tpu.vector_load %arg14[%parallel_loop3A_262, %parallel_loop3A_263] {strides = array<i32>} : memref<200x128xf32, #tpu.memory_space<vmem>>, vector<1x16xf32>,
        %parallel_loop3A_265 = vector.shape_cast %parallel_loop3A_264 : vector<1x16xf32> to vector<16xf32>
        %parallel_loop3A_266 = arith.index_cast %parallel_loop3A_149 : i32 to index
        %parallel_loop3A_267 = arith.constant 64 : index
        %parallel_loop3A_268 = tpu.vector_load %arg10[%parallel_loop3A_266, %parallel_loop3A_267] {strides = array<i32>} : memref<200x128xf32, #tpu.memory_space<vmem>>, vector<1x16xf32>,
        %parallel_loop3A_269 = vector.shape_cast %parallel_loop3A_268 : vector<1x16xf32> to vector<16xf32>
        %parallel_loop3A_270 = vector.broadcast %scan3A_12 : f32 to vector<16xf32>
        %parallel_loop3A_271 = arith.mulf %parallel_loop3A_269, %parallel_loop3A_270 : vector<16xf32>
        %parallel_loop3A_272 = arith.addf %parallel_loop3A_271, %parallel_loop3A_265 : vector<16xf32>
        %parallel_loop3A_273 = arith.index_cast %parallel_loop3A_149 : i32 to index
        %parallel_loop3A_274 = arith.constant 64 : index
        %parallel_loop3A_275 = tpu.vector_load %arg10[%parallel_loop3A_273, %parallel_loop3A_274] {strides = array<i32>} : memref<200x128xf32, #tpu.memory_space<vmem>>, vector<1x16xf32>,
        %parallel_loop3A_276 = vector.shape_cast %parallel_loop3A_275 : vector<1x16xf32> to vector<16xf32>
        %parallel_loop3A_277 = vector.shape_cast %parallel_loop3A_272 : vector<16xf32> to vector<1x16xf32>
        tpu.vector_store %arg10[%parallel_loop3A_273, %parallel_loop3A_274], %parallel_loop3A_277 {strides = array<i32>} : memref<200x128xf32, #tpu.memory_space<vmem>>, vector<1x16xf32>,
        %parallel_loop3A_278 = arith.index_cast %parallel_loop3A_149 : i32 to index
        %parallel_loop3A_279 = arith.constant 64 : index
        %parallel_loop3A_280 = tpu.vector_load %arg11[%parallel_loop3A_278, %parallel_loop3A_279] {strides = array<i32>} : memref<200x128xf32, #tpu.memory_space<vmem>>, vector<1x16xf32>,
        %parallel_loop3A_281 = vector.shape_cast %parallel_loop3A_280 : vector<1x16xf32> to vector<16xf32>
        %parallel_loop3A_282 = vector.broadcast %scan3A_12 : f32 to vector<16xf32>
        %parallel_loop3A_283 = arith.mulf %parallel_loop3A_281, %parallel_loop3A_282 : vector<16xf32>
        %parallel_loop3A_284 = arith.addf %parallel_loop3A_283, %parallel_loop3A_265 : vector<16xf32>
        %parallel_loop3A_285 = arith.index_cast %parallel_loop3A_149 : i32 to index
        %parallel_loop3A_286 = arith.constant 64 : index
        %parallel_loop3A_287 = tpu.vector_load %arg11[%parallel_loop3A_285, %parallel_loop3A_286] {strides = array<i32>} : memref<200x128xf32, #tpu.memory_space<vmem>>, vector<1x16xf32>,
        %parallel_loop3A_288 = vector.shape_cast %parallel_loop3A_287 : vector<1x16xf32> to vector<16xf32>
        %parallel_loop3A_289 = vector.shape_cast %parallel_loop3A_284 : vector<16xf32> to vector<1x16xf32>
        tpu.vector_store %arg11[%parallel_loop3A_285, %parallel_loop3A_286], %parallel_loop3A_289 {strides = array<i32>} : memref<200x128xf32, #tpu.memory_space<vmem>>, vector<1x16xf32>,
        %parallel_loop3A_290 = arith.index_cast %parallel_loop3A_149 : i32 to index
        %parallel_loop3A_291 = arith.constant 80 : index
        %parallel_loop3A_292 = tpu.vector_load %arg14[%parallel_loop3A_290, %parallel_loop3A_291] {strides = array<i32>} : memref<200x128xf32, #tpu.memory_space<vmem>>, vector<1x16xf32>,
        %parallel_loop3A_293 = vector.shape_cast %parallel_loop3A_292 : vector<1x16xf32> to vector<16xf32>
        %parallel_loop3A_294 = arith.index_cast %parallel_loop3A_149 : i32 to index
        %parallel_loop3A_295 = arith.constant 80 : index
        %parallel_loop3A_296 = tpu.vector_load %arg10[%parallel_loop3A_294, %parallel_loop3A_295] {strides = array<i32>} : memref<200x128xf32, #tpu.memory_space<vmem>>, vector<1x16xf32>,
        %parallel_loop3A_297 = vector.shape_cast %parallel_loop3A_296 : vector<1x16xf32> to vector<16xf32>
        %parallel_loop3A_298 = vector.broadcast %scan3A_12 : f32 to vector<16xf32>
        %parallel_loop3A_299 = arith.mulf %parallel_loop3A_297, %parallel_loop3A_298 : vector<16xf32>
        %parallel_loop3A_300 = arith.addf %parallel_loop3A_299, %parallel_loop3A_293 : vector<16xf32>
        %parallel_loop3A_301 = arith.index_cast %parallel_loop3A_149 : i32 to index
        %parallel_loop3A_302 = arith.constant 80 : index
        %parallel_loop3A_303 = tpu.vector_load %arg10[%parallel_loop3A_301, %parallel_loop3A_302] {strides = array<i32>} : memref<200x128xf32, #tpu.memory_space<vmem>>, vector<1x16xf32>,
        %parallel_loop3A_304 = vector.shape_cast %parallel_loop3A_303 : vector<1x16xf32> to vector<16xf32>
        %parallel_loop3A_305 = vector.shape_cast %parallel_loop3A_300 : vector<16xf32> to vector<1x16xf32>
        tpu.vector_store %arg10[%parallel_loop3A_301, %parallel_loop3A_302], %parallel_loop3A_305 {strides = array<i32>} : memref<200x128xf32, #tpu.memory_space<vmem>>, vector<1x16xf32>,
        %parallel_loop3A_306 = arith.index_cast %parallel_loop3A_149 : i32 to index
        %parallel_loop3A_307 = arith.constant 80 : index
        %parallel_loop3A_308 = tpu.vector_load %arg11[%parallel_loop3A_306, %parallel_loop3A_307] {strides = array<i32>} : memref<200x128xf32, #tpu.memory_space<vmem>>, vector<1x16xf32>,
        %parallel_loop3A_309 = vector.shape_cast %parallel_loop3A_308 : vector<1x16xf32> to vector<16xf32>
        %parallel_loop3A_310 = vector.broadcast %scan3A_12 : f32 to vector<16xf32>
        %parallel_loop3A_311 = arith.mulf %parallel_loop3A_309, %parallel_loop3A_310 : vector<16xf32>
        %parallel_loop3A_312 = arith.addf %parallel_loop3A_311, %parallel_loop3A_293 : vector<16xf32>
        %parallel_loop3A_313 = arith.index_cast %parallel_loop3A_149 : i32 to index
        %parallel_loop3A_314 = arith.constant 80 : index
        %parallel_loop3A_315 = tpu.vector_load %arg11[%parallel_loop3A_313, %parallel_loop3A_314] {strides = array<i32>} : memref<200x128xf32, #tpu.memory_space<vmem>>, vector<1x16xf32>,
        %parallel_loop3A_316 = vector.shape_cast %parallel_loop3A_315 : vector<1x16xf32> to vector<16xf32>
        %parallel_loop3A_317 = vector.shape_cast %parallel_loop3A_312 : vector<16xf32> to vector<1x16xf32>
        tpu.vector_store %arg11[%parallel_loop3A_313, %parallel_loop3A_314], %parallel_loop3A_317 {strides = array<i32>} : memref<200x128xf32, #tpu.memory_space<vmem>>, vector<1x16xf32>,
        %parallel_loop3A_318 = arith.index_cast %parallel_loop3A_149 : i32 to index
        %parallel_loop3A_319 = arith.constant 96 : index
        %parallel_loop3A_320 = tpu.vector_load %arg14[%parallel_loop3A_318, %parallel_loop3A_319] {strides = array<i32>} : memref<200x128xf32, #tpu.memory_space<vmem>>, vector<1x16xf32>,
        %parallel_loop3A_321 = vector.shape_cast %parallel_loop3A_320 : vector<1x16xf32> to vector<16xf32>
        %parallel_loop3A_322 = arith.index_cast %parallel_loop3A_149 : i32 to index
        %parallel_loop3A_323 = arith.constant 96 : index
        %parallel_loop3A_324 = tpu.vector_load %arg10[%parallel_loop3A_322, %parallel_loop3A_323] {strides = array<i32>} : memref<200x128xf32, #tpu.memory_space<vmem>>, vector<1x16xf32>,
        %parallel_loop3A_325 = vector.shape_cast %parallel_loop3A_324 : vector<1x16xf32> to vector<16xf32>
        %parallel_loop3A_326 = vector.broadcast %scan3A_12 : f32 to vector<16xf32>
        %parallel_loop3A_327 = arith.mulf %parallel_loop3A_325, %parallel_loop3A_326 : vector<16xf32>
        %parallel_loop3A_328 = arith.addf %parallel_loop3A_327, %parallel_loop3A_321 : vector<16xf32>
        %parallel_loop3A_329 = arith.index_cast %parallel_loop3A_149 : i32 to index
        %parallel_loop3A_330 = arith.constant 96 : index
        %parallel_loop3A_331 = tpu.vector_load %arg10[%parallel_loop3A_329, %parallel_loop3A_330] {strides = array<i32>} : memref<200x128xf32, #tpu.memory_space<vmem>>, vector<1x16xf32>,
        %parallel_loop3A_332 = vector.shape_cast %parallel_loop3A_331 : vector<1x16xf32> to vector<16xf32>
        %parallel_loop3A_333 = vector.shape_cast %parallel_loop3A_328 : vector<16xf32> to vector<1x16xf32>
        tpu.vector_store %arg10[%parallel_loop3A_329, %parallel_loop3A_330], %parallel_loop3A_333 {strides = array<i32>} : memref<200x128xf32, #tpu.memory_space<vmem>>, vector<1x16xf32>,
        %parallel_loop3A_334 = arith.index_cast %parallel_loop3A_149 : i32 to index
        %parallel_loop3A_335 = arith.constant 96 : index
        %parallel_loop3A_336 = tpu.vector_load %arg11[%parallel_loop3A_334, %parallel_loop3A_335] {strides = array<i32>} : memref<200x128xf32, #tpu.memory_space<vmem>>, vector<1x16xf32>,
        %parallel_loop3A_337 = vector.shape_cast %parallel_loop3A_336 : vector<1x16xf32> to vector<16xf32>
        %parallel_loop3A_338 = vector.broadcast %scan3A_12 : f32 to vector<16xf32>
        %parallel_loop3A_339 = arith.mulf %parallel_loop3A_337, %parallel_loop3A_338 : vector<16xf32>
        %parallel_loop3A_340 = arith.addf %parallel_loop3A_339, %parallel_loop3A_321 : vector<16xf32>
        %parallel_loop3A_341 = arith.index_cast %parallel_loop3A_149 : i32 to index
        %parallel_loop3A_342 = arith.constant 96 : index
        %parallel_loop3A_343 = tpu.vector_load %arg11[%parallel_loop3A_341, %parallel_loop3A_342] {strides = array<i32>} : memref<200x128xf32, #tpu.memory_space<vmem>>, vector<1x16xf32>,
        %parallel_loop3A_344 = vector.shape_cast %parallel_loop3A_343 : vector<1x16xf32> to vector<16xf32>
        %parallel_loop3A_345 = vector.shape_cast %parallel_loop3A_340 : vector<16xf32> to vector<1x16xf32>
        tpu.vector_store %arg11[%parallel_loop3A_341, %parallel_loop3A_342], %parallel_loop3A_345 {strides = array<i32>} : memref<200x128xf32, #tpu.memory_space<vmem>>, vector<1x16xf32>,
        %parallel_loop3A_346 = arith.index_cast %parallel_loop3A_149 : i32 to index
        %parallel_loop3A_347 = arith.constant 112 : index
        %parallel_loop3A_348 = tpu.vector_load %arg14[%parallel_loop3A_346, %parallel_loop3A_347] {strides = array<i32>} : memref<200x128xf32, #tpu.memory_space<vmem>>, vector<1x16xf32>,
        %parallel_loop3A_349 = vector.shape_cast %parallel_loop3A_348 : vector<1x16xf32> to vector<16xf32>
        %parallel_loop3A_350 = arith.index_cast %parallel_loop3A_149 : i32 to index
        %parallel_loop3A_351 = arith.constant 112 : index
        %parallel_loop3A_352 = tpu.vector_load %arg10[%parallel_loop3A_350, %parallel_loop3A_351] {strides = array<i32>} : memref<200x128xf32, #tpu.memory_space<vmem>>, vector<1x16xf32>,
        %parallel_loop3A_353 = vector.shape_cast %parallel_loop3A_352 : vector<1x16xf32> to vector<16xf32>
        %parallel_loop3A_354 = vector.broadcast %scan3A_12 : f32 to vector<16xf32>
        %parallel_loop3A_355 = arith.mulf %parallel_loop3A_353, %parallel_loop3A_354 : vector<16xf32>
        %parallel_loop3A_356 = arith.addf %parallel_loop3A_355, %parallel_loop3A_349 : vector<16xf32>
        %parallel_loop3A_357 = arith.index_cast %parallel_loop3A_149 : i32 to index
        %parallel_loop3A_358 = arith.constant 112 : index
        %parallel_loop3A_359 = tpu.vector_load %arg10[%parallel_loop3A_357, %parallel_loop3A_358] {strides = array<i32>} : memref<200x128xf32, #tpu.memory_space<vmem>>, vector<1x16xf32>,
        %parallel_loop3A_360 = vector.shape_cast %parallel_loop3A_359 : vector<1x16xf32> to vector<16xf32>
        %parallel_loop3A_361 = vector.shape_cast %parallel_loop3A_356 : vector<16xf32> to vector<1x16xf32>
        tpu.vector_store %arg10[%parallel_loop3A_357, %parallel_loop3A_358], %parallel_loop3A_361 {strides = array<i32>} : memref<200x128xf32, #tpu.memory_space<vmem>>, vector<1x16xf32>,
        %parallel_loop3A_362 = arith.index_cast %parallel_loop3A_149 : i32 to index
        %parallel_loop3A_363 = arith.constant 112 : index
        %parallel_loop3A_364 = tpu.vector_load %arg11[%parallel_loop3A_362, %parallel_loop3A_363] {strides = array<i32>} : memref<200x128xf32, #tpu.memory_space<vmem>>, vector<1x16xf32>,
        %parallel_loop3A_365 = vector.shape_cast %parallel_loop3A_364 : vector<1x16xf32> to vector<16xf32>
        %parallel_loop3A_366 = vector.broadcast %scan3A_12 : f32 to vector<16xf32>
        %parallel_loop3A_367 = arith.mulf %parallel_loop3A_365, %parallel_loop3A_366 : vector<16xf32>
        %parallel_loop3A_368 = arith.addf %parallel_loop3A_367, %parallel_loop3A_349 : vector<16xf32>
        %parallel_loop3A_369 = arith.index_cast %parallel_loop3A_149 : i32 to index
        %parallel_loop3A_370 = arith.constant 112 : index
        %parallel_loop3A_371 = tpu.vector_load %arg11[%parallel_loop3A_369, %parallel_loop3A_370] {strides = array<i32>} : memref<200x128xf32, #tpu.memory_space<vmem>>, vector<1x16xf32>,
        %parallel_loop3A_372 = vector.shape_cast %parallel_loop3A_371 : vector<1x16xf32> to vector<16xf32>
        %parallel_loop3A_373 = vector.shape_cast %parallel_loop3A_368 : vector<16xf32> to vector<1x16xf32>
        tpu.vector_store %arg11[%parallel_loop3A_369, %parallel_loop3A_370], %parallel_loop3A_373 {strides = array<i32>} : memref<200x128xf32, #tpu.memory_space<vmem>>, vector<1x16xf32>,
      } {sc.loop_unroll_factor = 1 : i64, sc.parallel_access}
      %mul3A_81 = arith.constant 2 : i32
      %mul3A_82 = arith.muli %mul3A_81, %add3A_37 : i32
      %mul3A_83 = arith.constant 200 : i32
      %mul3A_84 = arith.muli %mul3A_82, %mul3A_83 : i32
      %add3A_85 = arith.addi %mul3A_2, %mul3A_84 : i32
      %dma_start3A_86 = arith.constant 0 : i32
      %dma_start3A_87 = tpu.memref_slice %arg5[%add3A_85, %dma_start3A_86] : memref<204800x128xf32, #tpu.memory_space<hbm>> -> memref<200x128xf32, #tpu.memory_space<hbm>>
      %dma_start3A_88 = arith.constant 0 : i32
      %dma_start3A_89 = tpu.memref_slice %arg5[%add3A_85, %dma_start3A_88] : memref<204800x128xf32, #tpu.memory_space<hbm>> -> memref<200x128xf32, #tpu.memory_space<hbm>>
      tpu.enqueue_dma source(%arg10 : memref<200x128xf32, #tpu.memory_space<vmem>>) target(%dma_start3A_89 : memref<200x128xf32, #tpu.memory_space<hbm>>) target_semaphore(%arg19 : memref<!tpu.dma_semaphore, #tpu.memory_space<semaphore_mem>>)
      %mul3A_90 = arith.constant 2 : i32
      %mul3A_91 = arith.muli %mul3A_90, %add3A_37 : i32
      %add3A_92 = arith.constant 1 : i32
      %add3A_93 = arith.addi %mul3A_91, %add3A_92 : i32
      %mul3A_94 = arith.constant 200 : i32
      %mul3A_95 = arith.muli %add3A_93, %mul3A_94 : i32
      %add3A_96 = arith.addi %mul3A_2, %mul3A_95 : i32
      %dma_start3A_97 = arith.constant 0 : i32
      %dma_start3A_98 = tpu.memref_slice %arg5[%add3A_96, %dma_start3A_97] : memref<204800x128xf32, #tpu.memory_space<hbm>> -> memref<200x128xf32, #tpu.memory_space<hbm>>
      %dma_start3A_99 = arith.constant 0 : i32
      %dma_start3A_100 = tpu.memref_slice %arg5[%add3A_96, %dma_start3A_99] : memref<204800x128xf32, #tpu.memory_space<hbm>> -> memref<200x128xf32, #tpu.memory_space<hbm>>
      tpu.enqueue_dma source(%arg11 : memref<200x128xf32, #tpu.memory_space<vmem>>) target(%dma_start3A_100 : memref<200x128xf32, #tpu.memory_space<hbm>>) target_semaphore(%arg20 : memref<!tpu.dma_semaphore, #tpu.memory_space<semaphore_mem>>)
      %mul3A_101 = arith.constant 2 : i32
      %mul3A_102 = arith.muli %mul3A_101, %scan3A_33 : i32
      %add3A_103 = arith.constant 1 : i32
      %add3A_104 = arith.addi %mul3A_102, %add3A_103 : i32
      %dma_wait3A_105 = arith.constant 0 : i32
      %dma_wait3A_106 = arith.constant 0 : i32
      %dma_wait3A_107 = tpu.memref_slice %arg3[%dma_wait3A_105, %dma_wait3A_106] : memref<100000x128xf32, #tpu.memory_space<hbm>> -> memref<100000x128xf32, #tpu.memory_space<hbm>>
      tpu.wait_indirect_dma semaphore(%arg17 : memref<!tpu.dma_semaphore, #tpu.memory_space<semaphore_mem>>) src(%dma_wait3A_107 : memref<100000x128xf32, #tpu.memory_space<hbm>>) dst(%arg12 : memref<200x128xf32, #tpu.memory_space<vmem>>)
      %dma_wait3A_108 = arith.constant 0 : i32
      %dma_wait3A_109 = arith.constant 0 : i32
      %dma_wait3A_110 = tpu.memref_slice %arg3[%dma_wait3A_108, %dma_wait3A_109] : memref<100000x128xf32, #tpu.memory_space<hbm>> -> memref<100000x128xf32, #tpu.memory_space<hbm>>
      tpu.wait_indirect_dma semaphore(%arg18 : memref<!tpu.dma_semaphore, #tpu.memory_space<semaphore_mem>>) src(%dma_wait3A_110 : memref<100000x128xf32, #tpu.memory_space<hbm>>) dst(%arg13 : memref<200x128xf32, #tpu.memory_space<vmem>>)
      %parallel_loop3A_111 = arith.constant 0 : i32
      %parallel_loop3A_112 = arith.constant 64 : i32
      %parallel_loop3A_113 = arith.constant 1 : i32
      scf.for %parallel_loop3A_149 = %parallel_loop3A_111 to %parallel_loop3A_112 step %parallel_loop3A_113  : i32 {
        %parallel_loop3A_150 = arith.index_cast %parallel_loop3A_149 : i32 to index
        %parallel_loop3A_151 = arith.constant 0 : index
        %parallel_loop3A_152 = tpu.vector_load %arg14[%parallel_loop3A_150, %parallel_loop3A_151] {strides = array<i32>} : memref<200x128xf32, #tpu.memory_space<vmem>>, vector<1x16xf32>,
        %parallel_loop3A_153 = vector.shape_cast %parallel_loop3A_152 : vector<1x16xf32> to vector<16xf32>
        %parallel_loop3A_154 = arith.index_cast %parallel_loop3A_149 : i32 to index
        %parallel_loop3A_155 = arith.constant 0 : index
        %parallel_loop3A_156 = tpu.vector_load %arg12[%parallel_loop3A_154, %parallel_loop3A_155] {strides = array<i32>} : memref<200x128xf32, #tpu.memory_space<vmem>>, vector<1x16xf32>,
        %parallel_loop3A_157 = vector.shape_cast %parallel_loop3A_156 : vector<1x16xf32> to vector<16xf32>
        %parallel_loop3A_158 = vector.broadcast %scan3A_12 : f32 to vector<16xf32>
        %parallel_loop3A_159 = arith.mulf %parallel_loop3A_157, %parallel_loop3A_158 : vector<16xf32>
        %parallel_loop3A_160 = arith.addf %parallel_loop3A_159, %parallel_loop3A_153 : vector<16xf32>
        %parallel_loop3A_161 = arith.index_cast %parallel_loop3A_149 : i32 to index
        %parallel_loop3A_162 = arith.constant 0 : index
        %parallel_loop3A_163 = tpu.vector_load %arg12[%parallel_loop3A_161, %parallel_loop3A_162] {strides = array<i32>} : memref<200x128xf32, #tpu.memory_space<vmem>>, vector<1x16xf32>,
        %parallel_loop3A_164 = vector.shape_cast %parallel_loop3A_163 : vector<1x16xf32> to vector<16xf32>
        %parallel_loop3A_165 = vector.shape_cast %parallel_loop3A_160 : vector<16xf32> to vector<1x16xf32>
        tpu.vector_store %arg12[%parallel_loop3A_161, %parallel_loop3A_162], %parallel_loop3A_165 {strides = array<i32>} : memref<200x128xf32, #tpu.memory_space<vmem>>, vector<1x16xf32>,
        %parallel_loop3A_166 = arith.index_cast %parallel_loop3A_149 : i32 to index
        %parallel_loop3A_167 = arith.constant 0 : index
        %parallel_loop3A_168 = tpu.vector_load %arg13[%parallel_loop3A_166, %parallel_loop3A_167] {strides = array<i32>} : memref<200x128xf32, #tpu.memory_space<vmem>>, vector<1x16xf32>,
        %parallel_loop3A_169 = vector.shape_cast %parallel_loop3A_168 : vector<1x16xf32> to vector<16xf32>
        %parallel_loop3A_170 = vector.broadcast %scan3A_12 : f32 to vector<16xf32>
        %parallel_loop3A_171 = arith.mulf %parallel_loop3A_169, %parallel_loop3A_170 : vector<16xf32>
        %parallel_loop3A_172 = arith.addf %parallel_loop3A_171, %parallel_loop3A_153 : vector<16xf32>
        %parallel_loop3A_173 = arith.index_cast %parallel_loop3A_149 : i32 to index
        %parallel_loop3A_174 = arith.constant 0 : index
        %parallel_loop3A_175 = tpu.vector_load %arg13[%parallel_loop3A_173, %parallel_loop3A_174] {strides = array<i32>} : memref<200x128xf32, #tpu.memory_space<vmem>>, vector<1x16xf32>,
        %parallel_loop3A_176 = vector.shape_cast %parallel_loop3A_175 : vector<1x16xf32> to vector<16xf32>
        %parallel_loop3A_177 = vector.shape_cast %parallel_loop3A_172 : vector<16xf32> to vector<1x16xf32>
        tpu.vector_store %arg13[%parallel_loop3A_173, %parallel_loop3A_174], %parallel_loop3A_177 {strides = array<i32>} : memref<200x128xf32, #tpu.memory_space<vmem>>, vector<1x16xf32>,
        %parallel_loop3A_178 = arith.index_cast %parallel_loop3A_149 : i32 to index
        %parallel_loop3A_179 = arith.constant 16 : index
        %parallel_loop3A_180 = tpu.vector_load %arg14[%parallel_loop3A_178, %parallel_loop3A_179] {strides = array<i32>} : memref<200x128xf32, #tpu.memory_space<vmem>>, vector<1x16xf32>,
        %parallel_loop3A_181 = vector.shape_cast %parallel_loop3A_180 : vector<1x16xf32> to vector<16xf32>
        %parallel_loop3A_182 = arith.index_cast %parallel_loop3A_149 : i32 to index
        %parallel_loop3A_183 = arith.constant 16 : index
        %parallel_loop3A_184 = tpu.vector_load %arg12[%parallel_loop3A_182, %parallel_loop3A_183] {strides = array<i32>} : memref<200x128xf32, #tpu.memory_space<vmem>>, vector<1x16xf32>,
        %parallel_loop3A_185 = vector.shape_cast %parallel_loop3A_184 : vector<1x16xf32> to vector<16xf32>
        %parallel_loop3A_186 = vector.broadcast %scan3A_12 : f32 to vector<16xf32>
        %parallel_loop3A_187 = arith.mulf %parallel_loop3A_185, %parallel_loop3A_186 : vector<16xf32>
        %parallel_loop3A_188 = arith.addf %parallel_loop3A_187, %parallel_loop3A_181 : vector<16xf32>
        %parallel_loop3A_189 = arith.index_cast %parallel_loop3A_149 : i32 to index
        %parallel_loop3A_190 = arith.constant 16 : index
        %parallel_loop3A_191 = tpu.vector_load %arg12[%parallel_loop3A_189, %parallel_loop3A_190] {strides = array<i32>} : memref<200x128xf32, #tpu.memory_space<vmem>>, vector<1x16xf32>,
        %parallel_loop3A_192 = vector.shape_cast %parallel_loop3A_191 : vector<1x16xf32> to vector<16xf32>
        %parallel_loop3A_193 = vector.shape_cast %parallel_loop3A_188 : vector<16xf32> to vector<1x16xf32>
        tpu.vector_store %arg12[%parallel_loop3A_189, %parallel_loop3A_190], %parallel_loop3A_193 {strides = array<i32>} : memref<200x128xf32, #tpu.memory_space<vmem>>, vector<1x16xf32>,
        %parallel_loop3A_194 = arith.index_cast %parallel_loop3A_149 : i32 to index
        %parallel_loop3A_195 = arith.constant 16 : index
        %parallel_loop3A_196 = tpu.vector_load %arg13[%parallel_loop3A_194, %parallel_loop3A_195] {strides = array<i32>} : memref<200x128xf32, #tpu.memory_space<vmem>>, vector<1x16xf32>,
        %parallel_loop3A_197 = vector.shape_cast %parallel_loop3A_196 : vector<1x16xf32> to vector<16xf32>
        %parallel_loop3A_198 = vector.broadcast %scan3A_12 : f32 to vector<16xf32>
        %parallel_loop3A_199 = arith.mulf %parallel_loop3A_197, %parallel_loop3A_198 : vector<16xf32>
        %parallel_loop3A_200 = arith.addf %parallel_loop3A_199, %parallel_loop3A_181 : vector<16xf32>
        %parallel_loop3A_201 = arith.index_cast %parallel_loop3A_149 : i32 to index
        %parallel_loop3A_202 = arith.constant 16 : index
        %parallel_loop3A_203 = tpu.vector_load %arg13[%parallel_loop3A_201, %parallel_loop3A_202] {strides = array<i32>} : memref<200x128xf32, #tpu.memory_space<vmem>>, vector<1x16xf32>,
        %parallel_loop3A_204 = vector.shape_cast %parallel_loop3A_203 : vector<1x16xf32> to vector<16xf32>
        %parallel_loop3A_205 = vector.shape_cast %parallel_loop3A_200 : vector<16xf32> to vector<1x16xf32>
        tpu.vector_store %arg13[%parallel_loop3A_201, %parallel_loop3A_202], %parallel_loop3A_205 {strides = array<i32>} : memref<200x128xf32, #tpu.memory_space<vmem>>, vector<1x16xf32>,
        %parallel_loop3A_206 = arith.index_cast %parallel_loop3A_149 : i32 to index
        %parallel_loop3A_207 = arith.constant 32 : index
        %parallel_loop3A_208 = tpu.vector_load %arg14[%parallel_loop3A_206, %parallel_loop3A_207] {strides = array<i32>} : memref<200x128xf32, #tpu.memory_space<vmem>>, vector<1x16xf32>,
        %parallel_loop3A_209 = vector.shape_cast %parallel_loop3A_208 : vector<1x16xf32> to vector<16xf32>
        %parallel_loop3A_210 = arith.index_cast %parallel_loop3A_149 : i32 to index
        %parallel_loop3A_211 = arith.constant 32 : index
        %parallel_loop3A_212 = tpu.vector_load %arg12[%parallel_loop3A_210, %parallel_loop3A_211] {strides = array<i32>} : memref<200x128xf32, #tpu.memory_space<vmem>>, vector<1x16xf32>,
        %parallel_loop3A_213 = vector.shape_cast %parallel_loop3A_212 : vector<1x16xf32> to vector<16xf32>
        %parallel_loop3A_214 = vector.broadcast %scan3A_12 : f32 to vector<16xf32>
        %parallel_loop3A_215 = arith.mulf %parallel_loop3A_213, %parallel_loop3A_214 : vector<16xf32>
        %parallel_loop3A_216 = arith.addf %parallel_loop3A_215, %parallel_loop3A_209 : vector<16xf32>
        %parallel_loop3A_217 = arith.index_cast %parallel_loop3A_149 : i32 to index
        %parallel_loop3A_218 = arith.constant 32 : index
        %parallel_loop3A_219 = tpu.vector_load %arg12[%parallel_loop3A_217, %parallel_loop3A_218] {strides = array<i32>} : memref<200x128xf32, #tpu.memory_space<vmem>>, vector<1x16xf32>,
        %parallel_loop3A_220 = vector.shape_cast %parallel_loop3A_219 : vector<1x16xf32> to vector<16xf32>
        %parallel_loop3A_221 = vector.shape_cast %parallel_loop3A_216 : vector<16xf32> to vector<1x16xf32>
        tpu.vector_store %arg12[%parallel_loop3A_217, %parallel_loop3A_218], %parallel_loop3A_221 {strides = array<i32>} : memref<200x128xf32, #tpu.memory_space<vmem>>, vector<1x16xf32>,
        %parallel_loop3A_222 = arith.index_cast %parallel_loop3A_149 : i32 to index
        %parallel_loop3A_223 = arith.constant 32 : index
        %parallel_loop3A_224 = tpu.vector_load %arg13[%parallel_loop3A_222, %parallel_loop3A_223] {strides = array<i32>} : memref<200x128xf32, #tpu.memory_space<vmem>>, vector<1x16xf32>,
        %parallel_loop3A_225 = vector.shape_cast %parallel_loop3A_224 : vector<1x16xf32> to vector<16xf32>
        %parallel_loop3A_226 = vector.broadcast %scan3A_12 : f32 to vector<16xf32>
        %parallel_loop3A_227 = arith.mulf %parallel_loop3A_225, %parallel_loop3A_226 : vector<16xf32>
        %parallel_loop3A_228 = arith.addf %parallel_loop3A_227, %parallel_loop3A_209 : vector<16xf32>
        %parallel_loop3A_229 = arith.index_cast %parallel_loop3A_149 : i32 to index
        %parallel_loop3A_230 = arith.constant 32 : index
        %parallel_loop3A_231 = tpu.vector_load %arg13[%parallel_loop3A_229, %parallel_loop3A_230] {strides = array<i32>} : memref<200x128xf32, #tpu.memory_space<vmem>>, vector<1x16xf32>,
        %parallel_loop3A_232 = vector.shape_cast %parallel_loop3A_231 : vector<1x16xf32> to vector<16xf32>
        %parallel_loop3A_233 = vector.shape_cast %parallel_loop3A_228 : vector<16xf32> to vector<1x16xf32>
        tpu.vector_store %arg13[%parallel_loop3A_229, %parallel_loop3A_230], %parallel_loop3A_233 {strides = array<i32>} : memref<200x128xf32, #tpu.memory_space<vmem>>, vector<1x16xf32>,
        %parallel_loop3A_234 = arith.index_cast %parallel_loop3A_149 : i32 to index
        %parallel_loop3A_235 = arith.constant 48 : index
        %parallel_loop3A_236 = tpu.vector_load %arg14[%parallel_loop3A_234, %parallel_loop3A_235] {strides = array<i32>} : memref<200x128xf32, #tpu.memory_space<vmem>>, vector<1x16xf32>,
        %parallel_loop3A_237 = vector.shape_cast %parallel_loop3A_236 : vector<1x16xf32> to vector<16xf32>
        %parallel_loop3A_238 = arith.index_cast %parallel_loop3A_149 : i32 to index
        %parallel_loop3A_239 = arith.constant 48 : index
        %parallel_loop3A_240 = tpu.vector_load %arg12[%parallel_loop3A_238, %parallel_loop3A_239] {strides = array<i32>} : memref<200x128xf32, #tpu.memory_space<vmem>>, vector<1x16xf32>,
        %parallel_loop3A_241 = vector.shape_cast %parallel_loop3A_240 : vector<1x16xf32> to vector<16xf32>
        %parallel_loop3A_242 = vector.broadcast %scan3A_12 : f32 to vector<16xf32>
        %parallel_loop3A_243 = arith.mulf %parallel_loop3A_241, %parallel_loop3A_242 : vector<16xf32>
        %parallel_loop3A_244 = arith.addf %parallel_loop3A_243, %parallel_loop3A_237 : vector<16xf32>
        %parallel_loop3A_245 = arith.index_cast %parallel_loop3A_149 : i32 to index
        %parallel_loop3A_246 = arith.constant 48 : index
        %parallel_loop3A_247 = tpu.vector_load %arg12[%parallel_loop3A_245, %parallel_loop3A_246] {strides = array<i32>} : memref<200x128xf32, #tpu.memory_space<vmem>>, vector<1x16xf32>,
        %parallel_loop3A_248 = vector.shape_cast %parallel_loop3A_247 : vector<1x16xf32> to vector<16xf32>
        %parallel_loop3A_249 = vector.shape_cast %parallel_loop3A_244 : vector<16xf32> to vector<1x16xf32>
        tpu.vector_store %arg12[%parallel_loop3A_245, %parallel_loop3A_246], %parallel_loop3A_249 {strides = array<i32>} : memref<200x128xf32, #tpu.memory_space<vmem>>, vector<1x16xf32>,
        %parallel_loop3A_250 = arith.index_cast %parallel_loop3A_149 : i32 to index
        %parallel_loop3A_251 = arith.constant 48 : index
        %parallel_loop3A_252 = tpu.vector_load %arg13[%parallel_loop3A_250, %parallel_loop3A_251] {strides = array<i32>} : memref<200x128xf32, #tpu.memory_space<vmem>>, vector<1x16xf32>,
        %parallel_loop3A_253 = vector.shape_cast %parallel_loop3A_252 : vector<1x16xf32> to vector<16xf32>
        %parallel_loop3A_254 = vector.broadcast %scan3A_12 : f32 to vector<16xf32>
        %parallel_loop3A_255 = arith.mulf %parallel_loop3A_253, %parallel_loop3A_254 : vector<16xf32>
        %parallel_loop3A_256 = arith.addf %parallel_loop3A_255, %parallel_loop3A_237 : vector<16xf32>
        %parallel_loop3A_257 = arith.index_cast %parallel_loop3A_149 : i32 to index
        %parallel_loop3A_258 = arith.constant 48 : index
        %parallel_loop3A_259 = tpu.vector_load %arg13[%parallel_loop3A_257, %parallel_loop3A_258] {strides = array<i32>} : memref<200x128xf32, #tpu.memory_space<vmem>>, vector<1x16xf32>,
        %parallel_loop3A_260 = vector.shape_cast %parallel_loop3A_259 : vector<1x16xf32> to vector<16xf32>
        %parallel_loop3A_261 = vector.shape_cast %parallel_loop3A_256 : vector<16xf32> to vector<1x16xf32>
        tpu.vector_store %arg13[%parallel_loop3A_257, %parallel_loop3A_258], %parallel_loop3A_261 {strides = array<i32>} : memref<200x128xf32, #tpu.memory_space<vmem>>, vector<1x16xf32>,
        %parallel_loop3A_262 = arith.index_cast %parallel_loop3A_149 : i32 to index
        %parallel_loop3A_263 = arith.constant 64 : index
        %parallel_loop3A_264 = tpu.vector_load %arg14[%parallel_loop3A_262, %parallel_loop3A_263] {strides = array<i32>} : memref<200x128xf32, #tpu.memory_space<vmem>>, vector<1x16xf32>,
        %parallel_loop3A_265 = vector.shape_cast %parallel_loop3A_264 : vector<1x16xf32> to vector<16xf32>
        %parallel_loop3A_266 = arith.index_cast %parallel_loop3A_149 : i32 to index
        %parallel_loop3A_267 = arith.constant 64 : index
        %parallel_loop3A_268 = tpu.vector_load %arg12[%parallel_loop3A_266, %parallel_loop3A_267] {strides = array<i32>} : memref<200x128xf32, #tpu.memory_space<vmem>>, vector<1x16xf32>,
        %parallel_loop3A_269 = vector.shape_cast %parallel_loop3A_268 : vector<1x16xf32> to vector<16xf32>
        %parallel_loop3A_270 = vector.broadcast %scan3A_12 : f32 to vector<16xf32>
        %parallel_loop3A_271 = arith.mulf %parallel_loop3A_269, %parallel_loop3A_270 : vector<16xf32>
        %parallel_loop3A_272 = arith.addf %parallel_loop3A_271, %parallel_loop3A_265 : vector<16xf32>
        %parallel_loop3A_273 = arith.index_cast %parallel_loop3A_149 : i32 to index
        %parallel_loop3A_274 = arith.constant 64 : index
        %parallel_loop3A_275 = tpu.vector_load %arg12[%parallel_loop3A_273, %parallel_loop3A_274] {strides = array<i32>} : memref<200x128xf32, #tpu.memory_space<vmem>>, vector<1x16xf32>,
        %parallel_loop3A_276 = vector.shape_cast %parallel_loop3A_275 : vector<1x16xf32> to vector<16xf32>
        %parallel_loop3A_277 = vector.shape_cast %parallel_loop3A_272 : vector<16xf32> to vector<1x16xf32>
        tpu.vector_store %arg12[%parallel_loop3A_273, %parallel_loop3A_274], %parallel_loop3A_277 {strides = array<i32>} : memref<200x128xf32, #tpu.memory_space<vmem>>, vector<1x16xf32>,
        %parallel_loop3A_278 = arith.index_cast %parallel_loop3A_149 : i32 to index
        %parallel_loop3A_279 = arith.constant 64 : index
        %parallel_loop3A_280 = tpu.vector_load %arg13[%parallel_loop3A_278, %parallel_loop3A_279] {strides = array<i32>} : memref<200x128xf32, #tpu.memory_space<vmem>>, vector<1x16xf32>,
        %parallel_loop3A_281 = vector.shape_cast %parallel_loop3A_280 : vector<1x16xf32> to vector<16xf32>
        %parallel_loop3A_282 = vector.broadcast %scan3A_12 : f32 to vector<16xf32>
        %parallel_loop3A_283 = arith.mulf %parallel_loop3A_281, %parallel_loop3A_282 : vector<16xf32>
        %parallel_loop3A_284 = arith.addf %parallel_loop3A_283, %parallel_loop3A_265 : vector<16xf32>
        %parallel_loop3A_285 = arith.index_cast %parallel_loop3A_149 : i32 to index
        %parallel_loop3A_286 = arith.constant 64 : index
        %parallel_loop3A_287 = tpu.vector_load %arg13[%parallel_loop3A_285, %parallel_loop3A_286] {strides = array<i32>} : memref<200x128xf32, #tpu.memory_space<vmem>>, vector<1x16xf32>,
        %parallel_loop3A_288 = vector.shape_cast %parallel_loop3A_287 : vector<1x16xf32> to vector<16xf32>
        %parallel_loop3A_289 = vector.shape_cast %parallel_loop3A_284 : vector<16xf32> to vector<1x16xf32>
        tpu.vector_store %arg13[%parallel_loop3A_285, %parallel_loop3A_286], %parallel_loop3A_289 {strides = array<i32>} : memref<200x128xf32, #tpu.memory_space<vmem>>, vector<1x16xf32>,
        %parallel_loop3A_290 = arith.index_cast %parallel_loop3A_149 : i32 to index
        %parallel_loop3A_291 = arith.constant 80 : index
        %parallel_loop3A_292 = tpu.vector_load %arg14[%parallel_loop3A_290, %parallel_loop3A_291] {strides = array<i32>} : memref<200x128xf32, #tpu.memory_space<vmem>>, vector<1x16xf32>,
        %parallel_loop3A_293 = vector.shape_cast %parallel_loop3A_292 : vector<1x16xf32> to vector<16xf32>
        %parallel_loop3A_294 = arith.index_cast %parallel_loop3A_149 : i32 to index
        %parallel_loop3A_295 = arith.constant 80 : index
        %parallel_loop3A_296 = tpu.vector_load %arg12[%parallel_loop3A_294, %parallel_loop3A_295] {strides = array<i32>} : memref<200x128xf32, #tpu.memory_space<vmem>>, vector<1x16xf32>,
        %parallel_loop3A_297 = vector.shape_cast %parallel_loop3A_296 : vector<1x16xf32> to vector<16xf32>
        %parallel_loop3A_298 = vector.broadcast %scan3A_12 : f32 to vector<16xf32>
        %parallel_loop3A_299 = arith.mulf %parallel_loop3A_297, %parallel_loop3A_298 : vector<16xf32>
        %parallel_loop3A_300 = arith.addf %parallel_loop3A_299, %parallel_loop3A_293 : vector<16xf32>
        %parallel_loop3A_301 = arith.index_cast %parallel_loop3A_149 : i32 to index
        %parallel_loop3A_302 = arith.constant 80 : index
        %parallel_loop3A_303 = tpu.vector_load %arg12[%parallel_loop3A_301, %parallel_loop3A_302] {strides = array<i32>} : memref<200x128xf32, #tpu.memory_space<vmem>>, vector<1x16xf32>,
        %parallel_loop3A_304 = vector.shape_cast %parallel_loop3A_303 : vector<1x16xf32> to vector<16xf32>
        %parallel_loop3A_305 = vector.shape_cast %parallel_loop3A_300 : vector<16xf32> to vector<1x16xf32>
        tpu.vector_store %arg12[%parallel_loop3A_301, %parallel_loop3A_302], %parallel_loop3A_305 {strides = array<i32>} : memref<200x128xf32, #tpu.memory_space<vmem>>, vector<1x16xf32>,
        %parallel_loop3A_306 = arith.index_cast %parallel_loop3A_149 : i32 to index
        %parallel_loop3A_307 = arith.constant 80 : index
        %parallel_loop3A_308 = tpu.vector_load %arg13[%parallel_loop3A_306, %parallel_loop3A_307] {strides = array<i32>} : memref<200x128xf32, #tpu.memory_space<vmem>>, vector<1x16xf32>,
        %parallel_loop3A_309 = vector.shape_cast %parallel_loop3A_308 : vector<1x16xf32> to vector<16xf32>
        %parallel_loop3A_310 = vector.broadcast %scan3A_12 : f32 to vector<16xf32>
        %parallel_loop3A_311 = arith.mulf %parallel_loop3A_309, %parallel_loop3A_310 : vector<16xf32>
        %parallel_loop3A_312 = arith.addf %parallel_loop3A_311, %parallel_loop3A_293 : vector<16xf32>
        %parallel_loop3A_313 = arith.index_cast %parallel_loop3A_149 : i32 to index
        %parallel_loop3A_314 = arith.constant 80 : index
        %parallel_loop3A_315 = tpu.vector_load %arg13[%parallel_loop3A_313, %parallel_loop3A_314] {strides = array<i32>} : memref<200x128xf32, #tpu.memory_space<vmem>>, vector<1x16xf32>,
        %parallel_loop3A_316 = vector.shape_cast %parallel_loop3A_315 : vector<1x16xf32> to vector<16xf32>
        %parallel_loop3A_317 = vector.shape_cast %parallel_loop3A_312 : vector<16xf32> to vector<1x16xf32>
        tpu.vector_store %arg13[%parallel_loop3A_313, %parallel_loop3A_314], %parallel_loop3A_317 {strides = array<i32>} : memref<200x128xf32, #tpu.memory_space<vmem>>, vector<1x16xf32>,
        %parallel_loop3A_318 = arith.index_cast %parallel_loop3A_149 : i32 to index
        %parallel_loop3A_319 = arith.constant 96 : index
        %parallel_loop3A_320 = tpu.vector_load %arg14[%parallel_loop3A_318, %parallel_loop3A_319] {strides = array<i32>} : memref<200x128xf32, #tpu.memory_space<vmem>>, vector<1x16xf32>,
        %parallel_loop3A_321 = vector.shape_cast %parallel_loop3A_320 : vector<1x16xf32> to vector<16xf32>
        %parallel_loop3A_322 = arith.index_cast %parallel_loop3A_149 : i32 to index
        %parallel_loop3A_323 = arith.constant 96 : index
        %parallel_loop3A_324 = tpu.vector_load %arg12[%parallel_loop3A_322, %parallel_loop3A_323] {strides = array<i32>} : memref<200x128xf32, #tpu.memory_space<vmem>>, vector<1x16xf32>,
        %parallel_loop3A_325 = vector.shape_cast %parallel_loop3A_324 : vector<1x16xf32> to vector<16xf32>
        %parallel_loop3A_326 = vector.broadcast %scan3A_12 : f32 to vector<16xf32>
        %parallel_loop3A_327 = arith.mulf %parallel_loop3A_325, %parallel_loop3A_326 : vector<16xf32>
        %parallel_loop3A_328 = arith.addf %parallel_loop3A_327, %parallel_loop3A_321 : vector<16xf32>
        %parallel_loop3A_329 = arith.index_cast %parallel_loop3A_149 : i32 to index
        %parallel_loop3A_330 = arith.constant 96 : index
        %parallel_loop3A_331 = tpu.vector_load %arg12[%parallel_loop3A_329, %parallel_loop3A_330] {strides = array<i32>} : memref<200x128xf32, #tpu.memory_space<vmem>>, vector<1x16xf32>,
        %parallel_loop3A_332 = vector.shape_cast %parallel_loop3A_331 : vector<1x16xf32> to vector<16xf32>
        %parallel_loop3A_333 = vector.shape_cast %parallel_loop3A_328 : vector<16xf32> to vector<1x16xf32>
        tpu.vector_store %arg12[%parallel_loop3A_329, %parallel_loop3A_330], %parallel_loop3A_333 {strides = array<i32>} : memref<200x128xf32, #tpu.memory_space<vmem>>, vector<1x16xf32>,
        %parallel_loop3A_334 = arith.index_cast %parallel_loop3A_149 : i32 to index
        %parallel_loop3A_335 = arith.constant 96 : index
        %parallel_loop3A_336 = tpu.vector_load %arg13[%parallel_loop3A_334, %parallel_loop3A_335] {strides = array<i32>} : memref<200x128xf32, #tpu.memory_space<vmem>>, vector<1x16xf32>,
        %parallel_loop3A_337 = vector.shape_cast %parallel_loop3A_336 : vector<1x16xf32> to vector<16xf32>
        %parallel_loop3A_338 = vector.broadcast %scan3A_12 : f32 to vector<16xf32>
        %parallel_loop3A_339 = arith.mulf %parallel_loop3A_337, %parallel_loop3A_338 : vector<16xf32>
        %parallel_loop3A_340 = arith.addf %parallel_loop3A_339, %parallel_loop3A_321 : vector<16xf32>
        %parallel_loop3A_341 = arith.index_cast %parallel_loop3A_149 : i32 to index
        %parallel_loop3A_342 = arith.constant 96 : index
        %parallel_loop3A_343 = tpu.vector_load %arg13[%parallel_loop3A_341, %parallel_loop3A_342] {strides = array<i32>} : memref<200x128xf32, #tpu.memory_space<vmem>>, vector<1x16xf32>,
        %parallel_loop3A_344 = vector.shape_cast %parallel_loop3A_343 : vector<1x16xf32> to vector<16xf32>
        %parallel_loop3A_345 = vector.shape_cast %parallel_loop3A_340 : vector<16xf32> to vector<1x16xf32>
        tpu.vector_store %arg13[%parallel_loop3A_341, %parallel_loop3A_342], %parallel_loop3A_345 {strides = array<i32>} : memref<200x128xf32, #tpu.memory_space<vmem>>, vector<1x16xf32>,
        %parallel_loop3A_346 = arith.index_cast %parallel_loop3A_149 : i32 to index
        %parallel_loop3A_347 = arith.constant 112 : index
        %parallel_loop3A_348 = tpu.vector_load %arg14[%parallel_loop3A_346, %parallel_loop3A_347] {strides = array<i32>} : memref<200x128xf32, #tpu.memory_space<vmem>>, vector<1x16xf32>,
        %parallel_loop3A_349 = vector.shape_cast %parallel_loop3A_348 : vector<1x16xf32> to vector<16xf32>
        %parallel_loop3A_350 = arith.index_cast %parallel_loop3A_149 : i32 to index
        %parallel_loop3A_351 = arith.constant 112 : index
        %parallel_loop3A_352 = tpu.vector_load %arg12[%parallel_loop3A_350, %parallel_loop3A_351] {strides = array<i32>} : memref<200x128xf32, #tpu.memory_space<vmem>>, vector<1x16xf32>,
        %parallel_loop3A_353 = vector.shape_cast %parallel_loop3A_352 : vector<1x16xf32> to vector<16xf32>
        %parallel_loop3A_354 = vector.broadcast %scan3A_12 : f32 to vector<16xf32>
        %parallel_loop3A_355 = arith.mulf %parallel_loop3A_353, %parallel_loop3A_354 : vector<16xf32>
        %parallel_loop3A_356 = arith.addf %parallel_loop3A_355, %parallel_loop3A_349 : vector<16xf32>
        %parallel_loop3A_357 = arith.index_cast %parallel_loop3A_149 : i32 to index
        %parallel_loop3A_358 = arith.constant 112 : index
        %parallel_loop3A_359 = tpu.vector_load %arg12[%parallel_loop3A_357, %parallel_loop3A_358] {strides = array<i32>} : memref<200x128xf32, #tpu.memory_space<vmem>>, vector<1x16xf32>,
        %parallel_loop3A_360 = vector.shape_cast %parallel_loop3A_359 : vector<1x16xf32> to vector<16xf32>
        %parallel_loop3A_361 = vector.shape_cast %parallel_loop3A_356 : vector<16xf32> to vector<1x16xf32>
        tpu.vector_store %arg12[%parallel_loop3A_357, %parallel_loop3A_358], %parallel_loop3A_361 {strides = array<i32>} : memref<200x128xf32, #tpu.memory_space<vmem>>, vector<1x16xf32>,
        %parallel_loop3A_362 = arith.index_cast %parallel_loop3A_149 : i32 to index
        %parallel_loop3A_363 = arith.constant 112 : index
        %parallel_loop3A_364 = tpu.vector_load %arg13[%parallel_loop3A_362, %parallel_loop3A_363] {strides = array<i32>} : memref<200x128xf32, #tpu.memory_space<vmem>>, vector<1x16xf32>,
        %parallel_loop3A_365 = vector.shape_cast %parallel_loop3A_364 : vector<1x16xf32> to vector<16xf32>
        %parallel_loop3A_366 = vector.broadcast %scan3A_12 : f32 to vector<16xf32>
        %parallel_loop3A_367 = arith.mulf %parallel_loop3A_365, %parallel_loop3A_366 : vector<16xf32>
        %parallel_loop3A_368 = arith.addf %parallel_loop3A_367, %parallel_loop3A_349 : vector<16xf32>
        %parallel_loop3A_369 = arith.index_cast %parallel_loop3A_149 : i32 to index
        %parallel_loop3A_370 = arith.constant 112 : index
        %parallel_loop3A_371 = tpu.vector_load %arg13[%parallel_loop3A_369, %parallel_loop3A_370] {strides = array<i32>} : memref<200x128xf32, #tpu.memory_space<vmem>>, vector<1x16xf32>,
        %parallel_loop3A_372 = vector.shape_cast %parallel_loop3A_371 : vector<1x16xf32> to vector<16xf32>
        %parallel_loop3A_373 = vector.shape_cast %parallel_loop3A_368 : vector<16xf32> to vector<1x16xf32>
        tpu.vector_store %arg13[%parallel_loop3A_369, %parallel_loop3A_370], %parallel_loop3A_373 {strides = array<i32>} : memref<200x128xf32, #tpu.memory_space<vmem>>, vector<1x16xf32>,
      } {sc.loop_unroll_factor = 1 : i64, sc.parallel_access}
      %lt3A = arith.constant 7 : i32
      %lt3A_114 = arith.cmpi slt, %scan3A_33, %lt3A : i32
      %convert_element_type3A_115 = arith.extui %lt3A_114 : i1 to i32
      %cond3A_116 = arith.constant 0 : i32
      %cond3A_117 = arith.cmpi ne, %convert_element_type3A_115, %cond3A_116 : i32
      scf.if %cond3A_117 {
        %add3A_149 = arith.constant 1 : i32
        %add3A_150 = arith.addi %add3A_104, %add3A_149 : i32
        %mul3A_151 = arith.constant 2 : i32
        %mul3A_152 = arith.muli %mul3A_151, %add3A_150 : i32
        %dma_wait3A_153 = arith.constant 0 : i32
        %dma_wait3A_154 = tpu.memref_slice %arg5[%mul3A_2, %dma_wait3A_153] : memref<204800x128xf32, #tpu.memory_space<hbm>> -> memref<200x128xf32, #tpu.memory_space<hbm>>
        %dma_wait3A_155 = arith.constant 0 : i32
        %dma_wait3A_156 = tpu.memref_slice %arg5[%mul3A_2, %dma_wait3A_155] : memref<204800x128xf32, #tpu.memory_space<hbm>> -> memref<200x128xf32, #tpu.memory_space<hbm>>
        tpu.wait_dma2 semaphore(%arg19 : memref<!tpu.dma_semaphore, #tpu.memory_space<semaphore_mem>>) src(%arg10 : memref<200x128xf32, #tpu.memory_space<vmem>>) dst(%dma_wait3A_156 : memref<200x128xf32, #tpu.memory_space<hbm>>)
        %mul3A_157 = arith.constant 200 : i32
        %mul3A_158 = arith.muli %mul3A_152, %mul3A_157 : i32
        %add3A_159 = arith.addi %mul3A_2, %mul3A_158 : i32
        "tpu.region"() ({
          %run_scoped3A = tpu.sem_alloc : memref<!tpu.dma_semaphore, #tpu.memory_space<semaphore_mem>>
          %dma_start3A_163 = tpu.memref_slice %arg2[%add3A_159] : memref<204800xi32, #tpu.memory_space<hbm>> -> memref<200xi32, #tpu.memory_space<hbm>>
          %dma_start3A_164 = tpu.memref_slice %arg2[%add3A_159] : memref<204800xi32, #tpu.memory_space<hbm>> -> memref<200xi32, #tpu.memory_space<hbm>>
          tpu.enqueue_dma source(%dma_start3A_164 : memref<200xi32, #tpu.memory_space<hbm>>) target(%arg6 : memref<200xi32, #tpu.memory_space<vmem>>) target_semaphore(%run_scoped3A : memref<!tpu.dma_semaphore, #tpu.memory_space<semaphore_mem>>)
          %dma_wait3A_165 = tpu.memref_slice %arg2[%add3A_159] : memref<204800xi32, #tpu.memory_space<hbm>> -> memref<200xi32, #tpu.memory_space<hbm>>
          %dma_wait3A_166 = tpu.memref_slice %arg2[%add3A_159] : memref<204800xi32, #tpu.memory_space<hbm>> -> memref<200xi32, #tpu.memory_space<hbm>>
          tpu.wait_dma2 semaphore(%run_scoped3A : memref<!tpu.dma_semaphore, #tpu.memory_space<semaphore_mem>>) src(%dma_wait3A_166 : memref<200xi32, #tpu.memory_space<hbm>>) dst(%arg6 : memref<200xi32, #tpu.memory_space<vmem>>)
          tpu.yield
        }) : () -> ()
        %dma_start3A_160 = arith.constant 0 : i32
        %dma_start3A_161 = arith.constant 0 : i32
        %dma_start3A_162 = tpu.memref_slice %arg3[%dma_start3A_160, %dma_start3A_161] : memref<100000x128xf32, #tpu.memory_space<hbm>> -> memref<100000x128xf32, #tpu.memory_space<hbm>>
        tpu.enqueue_indirect_dma source(%dma_start3A_162 : memref<100000x128xf32, #tpu.memory_space<hbm>>) target(%arg10 : memref<200x128xf32, #tpu.memory_space<vmem>>) offsets(%arg6 : memref<200xi32, #tpu.memory_space<vmem>>) semaphore(%arg15 : memref<!tpu.dma_semaphore, #tpu.memory_space<semaphore_mem>>)
      } else {
      }
      %parallel_loop3A_118 = arith.constant 64 : i32
      %parallel_loop3A_119 = arith.constant 128 : i32
      %parallel_loop3A_120 = arith.constant 1 : i32
      scf.for %parallel_loop3A_149 = %parallel_loop3A_118 to %parallel_loop3A_119 step %parallel_loop3A_120  : i32 {
        %parallel_loop3A_150 = arith.index_cast %parallel_loop3A_149 : i32 to index
        %parallel_loop3A_151 = arith.constant 0 : index
        %parallel_loop3A_152 = tpu.vector_load %arg14[%parallel_loop3A_150, %parallel_loop3A_151] {strides = array<i32>} : memref<200x128xf32, #tpu.memory_space<vmem>>, vector<1x16xf32>,
        %parallel_loop3A_153 = vector.shape_cast %parallel_loop3A_152 : vector<1x16xf32> to vector<16xf32>
        %parallel_loop3A_154 = arith.index_cast %parallel_loop3A_149 : i32 to index
        %parallel_loop3A_155 = arith.constant 0 : index
        %parallel_loop3A_156 = tpu.vector_load %arg12[%parallel_loop3A_154, %parallel_loop3A_155] {strides = array<i32>} : memref<200x128xf32, #tpu.memory_space<vmem>>, vector<1x16xf32>,
        %parallel_loop3A_157 = vector.shape_cast %parallel_loop3A_156 : vector<1x16xf32> to vector<16xf32>
        %parallel_loop3A_158 = vector.broadcast %scan3A_12 : f32 to vector<16xf32>
        %parallel_loop3A_159 = arith.mulf %parallel_loop3A_157, %parallel_loop3A_158 : vector<16xf32>
        %parallel_loop3A_160 = arith.addf %parallel_loop3A_159, %parallel_loop3A_153 : vector<16xf32>
        %parallel_loop3A_161 = arith.index_cast %parallel_loop3A_149 : i32 to index
        %parallel_loop3A_162 = arith.constant 0 : index
        %parallel_loop3A_163 = tpu.vector_load %arg12[%parallel_loop3A_161, %parallel_loop3A_162] {strides = array<i32>} : memref<200x128xf32, #tpu.memory_space<vmem>>, vector<1x16xf32>,
        %parallel_loop3A_164 = vector.shape_cast %parallel_loop3A_163 : vector<1x16xf32> to vector<16xf32>
        %parallel_loop3A_165 = vector.shape_cast %parallel_loop3A_160 : vector<16xf32> to vector<1x16xf32>
        tpu.vector_store %arg12[%parallel_loop3A_161, %parallel_loop3A_162], %parallel_loop3A_165 {strides = array<i32>} : memref<200x128xf32, #tpu.memory_space<vmem>>, vector<1x16xf32>,
        %parallel_loop3A_166 = arith.index_cast %parallel_loop3A_149 : i32 to index
        %parallel_loop3A_167 = arith.constant 0 : index
        %parallel_loop3A_168 = tpu.vector_load %arg13[%parallel_loop3A_166, %parallel_loop3A_167] {strides = array<i32>} : memref<200x128xf32, #tpu.memory_space<vmem>>, vector<1x16xf32>,
        %parallel_loop3A_169 = vector.shape_cast %parallel_loop3A_168 : vector<1x16xf32> to vector<16xf32>
        %parallel_loop3A_170 = vector.broadcast %scan3A_12 : f32 to vector<16xf32>
        %parallel_loop3A_171 = arith.mulf %parallel_loop3A_169, %parallel_loop3A_170 : vector<16xf32>
        %parallel_loop3A_172 = arith.addf %parallel_loop3A_171, %parallel_loop3A_153 : vector<16xf32>
        %parallel_loop3A_173 = arith.index_cast %parallel_loop3A_149 : i32 to index
        %parallel_loop3A_174 = arith.constant 0 : index
        %parallel_loop3A_175 = tpu.vector_load %arg13[%parallel_loop3A_173, %parallel_loop3A_174] {strides = array<i32>} : memref<200x128xf32, #tpu.memory_space<vmem>>, vector<1x16xf32>,
        %parallel_loop3A_176 = vector.shape_cast %parallel_loop3A_175 : vector<1x16xf32> to vector<16xf32>
        %parallel_loop3A_177 = vector.shape_cast %parallel_loop3A_172 : vector<16xf32> to vector<1x16xf32>
        tpu.vector_store %arg13[%parallel_loop3A_173, %parallel_loop3A_174], %parallel_loop3A_177 {strides = array<i32>} : memref<200x128xf32, #tpu.memory_space<vmem>>, vector<1x16xf32>,
        %parallel_loop3A_178 = arith.index_cast %parallel_loop3A_149 : i32 to index
        %parallel_loop3A_179 = arith.constant 16 : index
        %parallel_loop3A_180 = tpu.vector_load %arg14[%parallel_loop3A_178, %parallel_loop3A_179] {strides = array<i32>} : memref<200x128xf32, #tpu.memory_space<vmem>>, vector<1x16xf32>,
        %parallel_loop3A_181 = vector.shape_cast %parallel_loop3A_180 : vector<1x16xf32> to vector<16xf32>
        %parallel_loop3A_182 = arith.index_cast %parallel_loop3A_149 : i32 to index
        %parallel_loop3A_183 = arith.constant 16 : index
        %parallel_loop3A_184 = tpu.vector_load %arg12[%parallel_loop3A_182, %parallel_loop3A_183] {strides = array<i32>} : memref<200x128xf32, #tpu.memory_space<vmem>>, vector<1x16xf32>,
        %parallel_loop3A_185 = vector.shape_cast %parallel_loop3A_184 : vector<1x16xf32> to vector<16xf32>
        %parallel_loop3A_186 = vector.broadcast %scan3A_12 : f32 to vector<16xf32>
        %parallel_loop3A_187 = arith.mulf %parallel_loop3A_185, %parallel_loop3A_186 : vector<16xf32>
        %parallel_loop3A_188 = arith.addf %parallel_loop3A_187, %parallel_loop3A_181 : vector<16xf32>
        %parallel_loop3A_189 = arith.index_cast %parallel_loop3A_149 : i32 to index
        %parallel_loop3A_190 = arith.constant 16 : index
        %parallel_loop3A_191 = tpu.vector_load %arg12[%parallel_loop3A_189, %parallel_loop3A_190] {strides = array<i32>} : memref<200x128xf32, #tpu.memory_space<vmem>>, vector<1x16xf32>,
        %parallel_loop3A_192 = vector.shape_cast %parallel_loop3A_191 : vector<1x16xf32> to vector<16xf32>
        %parallel_loop3A_193 = vector.shape_cast %parallel_loop3A_188 : vector<16xf32> to vector<1x16xf32>
        tpu.vector_store %arg12[%parallel_loop3A_189, %parallel_loop3A_190], %parallel_loop3A_193 {strides = array<i32>} : memref<200x128xf32, #tpu.memory_space<vmem>>, vector<1x16xf32>,
        %parallel_loop3A_194 = arith.index_cast %parallel_loop3A_149 : i32 to index
        %parallel_loop3A_195 = arith.constant 16 : index
        %parallel_loop3A_196 = tpu.vector_load %arg13[%parallel_loop3A_194, %parallel_loop3A_195] {strides = array<i32>} : memref<200x128xf32, #tpu.memory_space<vmem>>, vector<1x16xf32>,
        %parallel_loop3A_197 = vector.shape_cast %parallel_loop3A_196 : vector<1x16xf32> to vector<16xf32>
        %parallel_loop3A_198 = vector.broadcast %scan3A_12 : f32 to vector<16xf32>
        %parallel_loop3A_199 = arith.mulf %parallel_loop3A_197, %parallel_loop3A_198 : vector<16xf32>
        %parallel_loop3A_200 = arith.addf %parallel_loop3A_199, %parallel_loop3A_181 : vector<16xf32>
        %parallel_loop3A_201 = arith.index_cast %parallel_loop3A_149 : i32 to index
        %parallel_loop3A_202 = arith.constant 16 : index
        %parallel_loop3A_203 = tpu.vector_load %arg13[%parallel_loop3A_201, %parallel_loop3A_202] {strides = array<i32>} : memref<200x128xf32, #tpu.memory_space<vmem>>, vector<1x16xf32>,
        %parallel_loop3A_204 = vector.shape_cast %parallel_loop3A_203 : vector<1x16xf32> to vector<16xf32>
        %parallel_loop3A_205 = vector.shape_cast %parallel_loop3A_200 : vector<16xf32> to vector<1x16xf32>
        tpu.vector_store %arg13[%parallel_loop3A_201, %parallel_loop3A_202], %parallel_loop3A_205 {strides = array<i32>} : memref<200x128xf32, #tpu.memory_space<vmem>>, vector<1x16xf32>,
        %parallel_loop3A_206 = arith.index_cast %parallel_loop3A_149 : i32 to index
        %parallel_loop3A_207 = arith.constant 32 : index
        %parallel_loop3A_208 = tpu.vector_load %arg14[%parallel_loop3A_206, %parallel_loop3A_207] {strides = array<i32>} : memref<200x128xf32, #tpu.memory_space<vmem>>, vector<1x16xf32>,
        %parallel_loop3A_209 = vector.shape_cast %parallel_loop3A_208 : vector<1x16xf32> to vector<16xf32>
        %parallel_loop3A_210 = arith.index_cast %parallel_loop3A_149 : i32 to index
        %parallel_loop3A_211 = arith.constant 32 : index
        %parallel_loop3A_212 = tpu.vector_load %arg12[%parallel_loop3A_210, %parallel_loop3A_211] {strides = array<i32>} : memref<200x128xf32, #tpu.memory_space<vmem>>, vector<1x16xf32>,
        %parallel_loop3A_213 = vector.shape_cast %parallel_loop3A_212 : vector<1x16xf32> to vector<16xf32>
        %parallel_loop3A_214 = vector.broadcast %scan3A_12 : f32 to vector<16xf32>
        %parallel_loop3A_215 = arith.mulf %parallel_loop3A_213, %parallel_loop3A_214 : vector<16xf32>
        %parallel_loop3A_216 = arith.addf %parallel_loop3A_215, %parallel_loop3A_209 : vector<16xf32>
        %parallel_loop3A_217 = arith.index_cast %parallel_loop3A_149 : i32 to index
        %parallel_loop3A_218 = arith.constant 32 : index
        %parallel_loop3A_219 = tpu.vector_load %arg12[%parallel_loop3A_217, %parallel_loop3A_218] {strides = array<i32>} : memref<200x128xf32, #tpu.memory_space<vmem>>, vector<1x16xf32>,
        %parallel_loop3A_220 = vector.shape_cast %parallel_loop3A_219 : vector<1x16xf32> to vector<16xf32>
        %parallel_loop3A_221 = vector.shape_cast %parallel_loop3A_216 : vector<16xf32> to vector<1x16xf32>
        tpu.vector_store %arg12[%parallel_loop3A_217, %parallel_loop3A_218], %parallel_loop3A_221 {strides = array<i32>} : memref<200x128xf32, #tpu.memory_space<vmem>>, vector<1x16xf32>,
        %parallel_loop3A_222 = arith.index_cast %parallel_loop3A_149 : i32 to index
        %parallel_loop3A_223 = arith.constant 32 : index
        %parallel_loop3A_224 = tpu.vector_load %arg13[%parallel_loop3A_222, %parallel_loop3A_223] {strides = array<i32>} : memref<200x128xf32, #tpu.memory_space<vmem>>, vector<1x16xf32>,
        %parallel_loop3A_225 = vector.shape_cast %parallel_loop3A_224 : vector<1x16xf32> to vector<16xf32>
        %parallel_loop3A_226 = vector.broadcast %scan3A_12 : f32 to vector<16xf32>
        %parallel_loop3A_227 = arith.mulf %parallel_loop3A_225, %parallel_loop3A_226 : vector<16xf32>
        %parallel_loop3A_228 = arith.addf %parallel_loop3A_227, %parallel_loop3A_209 : vector<16xf32>
        %parallel_loop3A_229 = arith.index_cast %parallel_loop3A_149 : i32 to index
        %parallel_loop3A_230 = arith.constant 32 : index
        %parallel_loop3A_231 = tpu.vector_load %arg13[%parallel_loop3A_229, %parallel_loop3A_230] {strides = array<i32>} : memref<200x128xf32, #tpu.memory_space<vmem>>, vector<1x16xf32>,
        %parallel_loop3A_232 = vector.shape_cast %parallel_loop3A_231 : vector<1x16xf32> to vector<16xf32>
        %parallel_loop3A_233 = vector.shape_cast %parallel_loop3A_228 : vector<16xf32> to vector<1x16xf32>
        tpu.vector_store %arg13[%parallel_loop3A_229, %parallel_loop3A_230], %parallel_loop3A_233 {strides = array<i32>} : memref<200x128xf32, #tpu.memory_space<vmem>>, vector<1x16xf32>,
        %parallel_loop3A_234 = arith.index_cast %parallel_loop3A_149 : i32 to index
        %parallel_loop3A_235 = arith.constant 48 : index
        %parallel_loop3A_236 = tpu.vector_load %arg14[%parallel_loop3A_234, %parallel_loop3A_235] {strides = array<i32>} : memref<200x128xf32, #tpu.memory_space<vmem>>, vector<1x16xf32>,
        %parallel_loop3A_237 = vector.shape_cast %parallel_loop3A_236 : vector<1x16xf32> to vector<16xf32>
        %parallel_loop3A_238 = arith.index_cast %parallel_loop3A_149 : i32 to index
        %parallel_loop3A_239 = arith.constant 48 : index
        %parallel_loop3A_240 = tpu.vector_load %arg12[%parallel_loop3A_238, %parallel_loop3A_239] {strides = array<i32>} : memref<200x128xf32, #tpu.memory_space<vmem>>, vector<1x16xf32>,
        %parallel_loop3A_241 = vector.shape_cast %parallel_loop3A_240 : vector<1x16xf32> to vector<16xf32>
        %parallel_loop3A_242 = vector.broadcast %scan3A_12 : f32 to vector<16xf32>
        %parallel_loop3A_243 = arith.mulf %parallel_loop3A_241, %parallel_loop3A_242 : vector<16xf32>
        %parallel_loop3A_244 = arith.addf %parallel_loop3A_243, %parallel_loop3A_237 : vector<16xf32>
        %parallel_loop3A_245 = arith.index_cast %parallel_loop3A_149 : i32 to index
        %parallel_loop3A_246 = arith.constant 48 : index
        %parallel_loop3A_247 = tpu.vector_load %arg12[%parallel_loop3A_245, %parallel_loop3A_246] {strides = array<i32>} : memref<200x128xf32, #tpu.memory_space<vmem>>, vector<1x16xf32>,
        %parallel_loop3A_248 = vector.shape_cast %parallel_loop3A_247 : vector<1x16xf32> to vector<16xf32>
        %parallel_loop3A_249 = vector.shape_cast %parallel_loop3A_244 : vector<16xf32> to vector<1x16xf32>
        tpu.vector_store %arg12[%parallel_loop3A_245, %parallel_loop3A_246], %parallel_loop3A_249 {strides = array<i32>} : memref<200x128xf32, #tpu.memory_space<vmem>>, vector<1x16xf32>,
        %parallel_loop3A_250 = arith.index_cast %parallel_loop3A_149 : i32 to index
        %parallel_loop3A_251 = arith.constant 48 : index
        %parallel_loop3A_252 = tpu.vector_load %arg13[%parallel_loop3A_250, %parallel_loop3A_251] {strides = array<i32>} : memref<200x128xf32, #tpu.memory_space<vmem>>, vector<1x16xf32>,
        %parallel_loop3A_253 = vector.shape_cast %parallel_loop3A_252 : vector<1x16xf32> to vector<16xf32>
        %parallel_loop3A_254 = vector.broadcast %scan3A_12 : f32 to vector<16xf32>
        %parallel_loop3A_255 = arith.mulf %parallel_loop3A_253, %parallel_loop3A_254 : vector<16xf32>
        %parallel_loop3A_256 = arith.addf %parallel_loop3A_255, %parallel_loop3A_237 : vector<16xf32>
        %parallel_loop3A_257 = arith.index_cast %parallel_loop3A_149 : i32 to index
        %parallel_loop3A_258 = arith.constant 48 : index
        %parallel_loop3A_259 = tpu.vector_load %arg13[%parallel_loop3A_257, %parallel_loop3A_258] {strides = array<i32>} : memref<200x128xf32, #tpu.memory_space<vmem>>, vector<1x16xf32>,
        %parallel_loop3A_260 = vector.shape_cast %parallel_loop3A_259 : vector<1x16xf32> to vector<16xf32>
        %parallel_loop3A_261 = vector.shape_cast %parallel_loop3A_256 : vector<16xf32> to vector<1x16xf32>
        tpu.vector_store %arg13[%parallel_loop3A_257, %parallel_loop3A_258], %parallel_loop3A_261 {strides = array<i32>} : memref<200x128xf32, #tpu.memory_space<vmem>>, vector<1x16xf32>,
        %parallel_loop3A_262 = arith.index_cast %parallel_loop3A_149 : i32 to index
        %parallel_loop3A_263 = arith.constant 64 : index
        %parallel_loop3A_264 = tpu.vector_load %arg14[%parallel_loop3A_262, %parallel_loop3A_263] {strides = array<i32>} : memref<200x128xf32, #tpu.memory_space<vmem>>, vector<1x16xf32>,
        %parallel_loop3A_265 = vector.shape_cast %parallel_loop3A_264 : vector<1x16xf32> to vector<16xf32>
        %parallel_loop3A_266 = arith.index_cast %parallel_loop3A_149 : i32 to index
        %parallel_loop3A_267 = arith.constant 64 : index
        %parallel_loop3A_268 = tpu.vector_load %arg12[%parallel_loop3A_266, %parallel_loop3A_267] {strides = array<i32>} : memref<200x128xf32, #tpu.memory_space<vmem>>, vector<1x16xf32>,
        %parallel_loop3A_269 = vector.shape_cast %parallel_loop3A_268 : vector<1x16xf32> to vector<16xf32>
        %parallel_loop3A_270 = vector.broadcast %scan3A_12 : f32 to vector<16xf32>
        %parallel_loop3A_271 = arith.mulf %parallel_loop3A_269, %parallel_loop3A_270 : vector<16xf32>
        %parallel_loop3A_272 = arith.addf %parallel_loop3A_271, %parallel_loop3A_265 : vector<16xf32>
        %parallel_loop3A_273 = arith.index_cast %parallel_loop3A_149 : i32 to index
        %parallel_loop3A_274 = arith.constant 64 : index
        %parallel_loop3A_275 = tpu.vector_load %arg12[%parallel_loop3A_273, %parallel_loop3A_274] {strides = array<i32>} : memref<200x128xf32, #tpu.memory_space<vmem>>, vector<1x16xf32>,
        %parallel_loop3A_276 = vector.shape_cast %parallel_loop3A_275 : vector<1x16xf32> to vector<16xf32>
        %parallel_loop3A_277 = vector.shape_cast %parallel_loop3A_272 : vector<16xf32> to vector<1x16xf32>
        tpu.vector_store %arg12[%parallel_loop3A_273, %parallel_loop3A_274], %parallel_loop3A_277 {strides = array<i32>} : memref<200x128xf32, #tpu.memory_space<vmem>>, vector<1x16xf32>,
        %parallel_loop3A_278 = arith.index_cast %parallel_loop3A_149 : i32 to index
        %parallel_loop3A_279 = arith.constant 64 : index
        %parallel_loop3A_280 = tpu.vector_load %arg13[%parallel_loop3A_278, %parallel_loop3A_279] {strides = array<i32>} : memref<200x128xf32, #tpu.memory_space<vmem>>, vector<1x16xf32>,
        %parallel_loop3A_281 = vector.shape_cast %parallel_loop3A_280 : vector<1x16xf32> to vector<16xf32>
        %parallel_loop3A_282 = vector.broadcast %scan3A_12 : f32 to vector<16xf32>
        %parallel_loop3A_283 = arith.mulf %parallel_loop3A_281, %parallel_loop3A_282 : vector<16xf32>
        %parallel_loop3A_284 = arith.addf %parallel_loop3A_283, %parallel_loop3A_265 : vector<16xf32>
        %parallel_loop3A_285 = arith.index_cast %parallel_loop3A_149 : i32 to index
        %parallel_loop3A_286 = arith.constant 64 : index
        %parallel_loop3A_287 = tpu.vector_load %arg13[%parallel_loop3A_285, %parallel_loop3A_286] {strides = array<i32>} : memref<200x128xf32, #tpu.memory_space<vmem>>, vector<1x16xf32>,
        %parallel_loop3A_288 = vector.shape_cast %parallel_loop3A_287 : vector<1x16xf32> to vector<16xf32>
        %parallel_loop3A_289 = vector.shape_cast %parallel_loop3A_284 : vector<16xf32> to vector<1x16xf32>
        tpu.vector_store %arg13[%parallel_loop3A_285, %parallel_loop3A_286], %parallel_loop3A_289 {strides = array<i32>} : memref<200x128xf32, #tpu.memory_space<vmem>>, vector<1x16xf32>,
        %parallel_loop3A_290 = arith.index_cast %parallel_loop3A_149 : i32 to index
        %parallel_loop3A_291 = arith.constant 80 : index
        %parallel_loop3A_292 = tpu.vector_load %arg14[%parallel_loop3A_290, %parallel_loop3A_291] {strides = array<i32>} : memref<200x128xf32, #tpu.memory_space<vmem>>, vector<1x16xf32>,
        %parallel_loop3A_293 = vector.shape_cast %parallel_loop3A_292 : vector<1x16xf32> to vector<16xf32>
        %parallel_loop3A_294 = arith.index_cast %parallel_loop3A_149 : i32 to index
        %parallel_loop3A_295 = arith.constant 80 : index
        %parallel_loop3A_296 = tpu.vector_load %arg12[%parallel_loop3A_294, %parallel_loop3A_295] {strides = array<i32>} : memref<200x128xf32, #tpu.memory_space<vmem>>, vector<1x16xf32>,
        %parallel_loop3A_297 = vector.shape_cast %parallel_loop3A_296 : vector<1x16xf32> to vector<16xf32>
        %parallel_loop3A_298 = vector.broadcast %scan3A_12 : f32 to vector<16xf32>
        %parallel_loop3A_299 = arith.mulf %parallel_loop3A_297, %parallel_loop3A_298 : vector<16xf32>
        %parallel_loop3A_300 = arith.addf %parallel_loop3A_299, %parallel_loop3A_293 : vector<16xf32>
        %parallel_loop3A_301 = arith.index_cast %parallel_loop3A_149 : i32 to index
        %parallel_loop3A_302 = arith.constant 80 : index
        %parallel_loop3A_303 = tpu.vector_load %arg12[%parallel_loop3A_301, %parallel_loop3A_302] {strides = array<i32>} : memref<200x128xf32, #tpu.memory_space<vmem>>, vector<1x16xf32>,
        %parallel_loop3A_304 = vector.shape_cast %parallel_loop3A_303 : vector<1x16xf32> to vector<16xf32>
        %parallel_loop3A_305 = vector.shape_cast %parallel_loop3A_300 : vector<16xf32> to vector<1x16xf32>
        tpu.vector_store %arg12[%parallel_loop3A_301, %parallel_loop3A_302], %parallel_loop3A_305 {strides = array<i32>} : memref<200x128xf32, #tpu.memory_space<vmem>>, vector<1x16xf32>,
        %parallel_loop3A_306 = arith.index_cast %parallel_loop3A_149 : i32 to index
        %parallel_loop3A_307 = arith.constant 80 : index
        %parallel_loop3A_308 = tpu.vector_load %arg13[%parallel_loop3A_306, %parallel_loop3A_307] {strides = array<i32>} : memref<200x128xf32, #tpu.memory_space<vmem>>, vector<1x16xf32>,
        %parallel_loop3A_309 = vector.shape_cast %parallel_loop3A_308 : vector<1x16xf32> to vector<16xf32>
        %parallel_loop3A_310 = vector.broadcast %scan3A_12 : f32 to vector<16xf32>
        %parallel_loop3A_311 = arith.mulf %parallel_loop3A_309, %parallel_loop3A_310 : vector<16xf32>
        %parallel_loop3A_312 = arith.addf %parallel_loop3A_311, %parallel_loop3A_293 : vector<16xf32>
        %parallel_loop3A_313 = arith.index_cast %parallel_loop3A_149 : i32 to index
        %parallel_loop3A_314 = arith.constant 80 : index
        %parallel_loop3A_315 = tpu.vector_load %arg13[%parallel_loop3A_313, %parallel_loop3A_314] {strides = array<i32>} : memref<200x128xf32, #tpu.memory_space<vmem>>, vector<1x16xf32>,
        %parallel_loop3A_316 = vector.shape_cast %parallel_loop3A_315 : vector<1x16xf32> to vector<16xf32>
        %parallel_loop3A_317 = vector.shape_cast %parallel_loop3A_312 : vector<16xf32> to vector<1x16xf32>
        tpu.vector_store %arg13[%parallel_loop3A_313, %parallel_loop3A_314], %parallel_loop3A_317 {strides = array<i32>} : memref<200x128xf32, #tpu.memory_space<vmem>>, vector<1x16xf32>,
        %parallel_loop3A_318 = arith.index_cast %parallel_loop3A_149 : i32 to index
        %parallel_loop3A_319 = arith.constant 96 : index
        %parallel_loop3A_320 = tpu.vector_load %arg14[%parallel_loop3A_318, %parallel_loop3A_319] {strides = array<i32>} : memref<200x128xf32, #tpu.memory_space<vmem>>, vector<1x16xf32>,
        %parallel_loop3A_321 = vector.shape_cast %parallel_loop3A_320 : vector<1x16xf32> to vector<16xf32>
        %parallel_loop3A_322 = arith.index_cast %parallel_loop3A_149 : i32 to index
        %parallel_loop3A_323 = arith.constant 96 : index
        %parallel_loop3A_324 = tpu.vector_load %arg12[%parallel_loop3A_322, %parallel_loop3A_323] {strides = array<i32>} : memref<200x128xf32, #tpu.memory_space<vmem>>, vector<1x16xf32>,
        %parallel_loop3A_325 = vector.shape_cast %parallel_loop3A_324 : vector<1x16xf32> to vector<16xf32>
        %parallel_loop3A_326 = vector.broadcast %scan3A_12 : f32 to vector<16xf32>
        %parallel_loop3A_327 = arith.mulf %parallel_loop3A_325, %parallel_loop3A_326 : vector<16xf32>
        %parallel_loop3A_328 = arith.addf %parallel_loop3A_327, %parallel_loop3A_321 : vector<16xf32>
        %parallel_loop3A_329 = arith.index_cast %parallel_loop3A_149 : i32 to index
        %parallel_loop3A_330 = arith.constant 96 : index
        %parallel_loop3A_331 = tpu.vector_load %arg12[%parallel_loop3A_329, %parallel_loop3A_330] {strides = array<i32>} : memref<200x128xf32, #tpu.memory_space<vmem>>, vector<1x16xf32>,
        %parallel_loop3A_332 = vector.shape_cast %parallel_loop3A_331 : vector<1x16xf32> to vector<16xf32>
        %parallel_loop3A_333 = vector.shape_cast %parallel_loop3A_328 : vector<16xf32> to vector<1x16xf32>
        tpu.vector_store %arg12[%parallel_loop3A_329, %parallel_loop3A_330], %parallel_loop3A_333 {strides = array<i32>} : memref<200x128xf32, #tpu.memory_space<vmem>>, vector<1x16xf32>,
        %parallel_loop3A_334 = arith.index_cast %parallel_loop3A_149 : i32 to index
        %parallel_loop3A_335 = arith.constant 96 : index
        %parallel_loop3A_336 = tpu.vector_load %arg13[%parallel_loop3A_334, %parallel_loop3A_335] {strides = array<i32>} : memref<200x128xf32, #tpu.memory_space<vmem>>, vector<1x16xf32>,
        %parallel_loop3A_337 = vector.shape_cast %parallel_loop3A_336 : vector<1x16xf32> to vector<16xf32>
        %parallel_loop3A_338 = vector.broadcast %scan3A_12 : f32 to vector<16xf32>
        %parallel_loop3A_339 = arith.mulf %parallel_loop3A_337, %parallel_loop3A_338 : vector<16xf32>
        %parallel_loop3A_340 = arith.addf %parallel_loop3A_339, %parallel_loop3A_321 : vector<16xf32>
        %parallel_loop3A_341 = arith.index_cast %parallel_loop3A_149 : i32 to index
        %parallel_loop3A_342 = arith.constant 96 : index
        %parallel_loop3A_343 = tpu.vector_load %arg13[%parallel_loop3A_341, %parallel_loop3A_342] {strides = array<i32>} : memref<200x128xf32, #tpu.memory_space<vmem>>, vector<1x16xf32>,
        %parallel_loop3A_344 = vector.shape_cast %parallel_loop3A_343 : vector<1x16xf32> to vector<16xf32>
        %parallel_loop3A_345 = vector.shape_cast %parallel_loop3A_340 : vector<16xf32> to vector<1x16xf32>
        tpu.vector_store %arg13[%parallel_loop3A_341, %parallel_loop3A_342], %parallel_loop3A_345 {strides = array<i32>} : memref<200x128xf32, #tpu.memory_space<vmem>>, vector<1x16xf32>,
        %parallel_loop3A_346 = arith.index_cast %parallel_loop3A_149 : i32 to index
        %parallel_loop3A_347 = arith.constant 112 : index
        %parallel_loop3A_348 = tpu.vector_load %arg14[%parallel_loop3A_346, %parallel_loop3A_347] {strides = array<i32>} : memref<200x128xf32, #tpu.memory_space<vmem>>, vector<1x16xf32>,
        %parallel_loop3A_349 = vector.shape_cast %parallel_loop3A_348 : vector<1x16xf32> to vector<16xf32>
        %parallel_loop3A_350 = arith.index_cast %parallel_loop3A_149 : i32 to index
        %parallel_loop3A_351 = arith.constant 112 : index
        %parallel_loop3A_352 = tpu.vector_load %arg12[%parallel_loop3A_350, %parallel_loop3A_351] {strides = array<i32>} : memref<200x128xf32, #tpu.memory_space<vmem>>, vector<1x16xf32>,
        %parallel_loop3A_353 = vector.shape_cast %parallel_loop3A_352 : vector<1x16xf32> to vector<16xf32>
        %parallel_loop3A_354 = vector.broadcast %scan3A_12 : f32 to vector<16xf32>
        %parallel_loop3A_355 = arith.mulf %parallel_loop3A_353, %parallel_loop3A_354 : vector<16xf32>
        %parallel_loop3A_356 = arith.addf %parallel_loop3A_355, %parallel_loop3A_349 : vector<16xf32>
        %parallel_loop3A_357 = arith.index_cast %parallel_loop3A_149 : i32 to index
        %parallel_loop3A_358 = arith.constant 112 : index
        %parallel_loop3A_359 = tpu.vector_load %arg12[%parallel_loop3A_357, %parallel_loop3A_358] {strides = array<i32>} : memref<200x128xf32, #tpu.memory_space<vmem>>, vector<1x16xf32>,
        %parallel_loop3A_360 = vector.shape_cast %parallel_loop3A_359 : vector<1x16xf32> to vector<16xf32>
        %parallel_loop3A_361 = vector.shape_cast %parallel_loop3A_356 : vector<16xf32> to vector<1x16xf32>
        tpu.vector_store %arg12[%parallel_loop3A_357, %parallel_loop3A_358], %parallel_loop3A_361 {strides = array<i32>} : memref<200x128xf32, #tpu.memory_space<vmem>>, vector<1x16xf32>,
        %parallel_loop3A_362 = arith.index_cast %parallel_loop3A_149 : i32 to index
        %parallel_loop3A_363 = arith.constant 112 : index
        %parallel_loop3A_364 = tpu.vector_load %arg13[%parallel_loop3A_362, %parallel_loop3A_363] {strides = array<i32>} : memref<200x128xf32, #tpu.memory_space<vmem>>, vector<1x16xf32>,
        %parallel_loop3A_365 = vector.shape_cast %parallel_loop3A_364 : vector<1x16xf32> to vector<16xf32>
        %parallel_loop3A_366 = vector.broadcast %scan3A_12 : f32 to vector<16xf32>
        %parallel_loop3A_367 = arith.mulf %parallel_loop3A_365, %parallel_loop3A_366 : vector<16xf32>
        %parallel_loop3A_368 = arith.addf %parallel_loop3A_367, %parallel_loop3A_349 : vector<16xf32>
        %parallel_loop3A_369 = arith.index_cast %parallel_loop3A_149 : i32 to index
        %parallel_loop3A_370 = arith.constant 112 : index
        %parallel_loop3A_371 = tpu.vector_load %arg13[%parallel_loop3A_369, %parallel_loop3A_370] {strides = array<i32>} : memref<200x128xf32, #tpu.memory_space<vmem>>, vector<1x16xf32>,
        %parallel_loop3A_372 = vector.shape_cast %parallel_loop3A_371 : vector<1x16xf32> to vector<16xf32>
        %parallel_loop3A_373 = vector.shape_cast %parallel_loop3A_368 : vector<16xf32> to vector<1x16xf32>
        tpu.vector_store %arg13[%parallel_loop3A_369, %parallel_loop3A_370], %parallel_loop3A_373 {strides = array<i32>} : memref<200x128xf32, #tpu.memory_space<vmem>>, vector<1x16xf32>,
      } {sc.loop_unroll_factor = 1 : i64, sc.parallel_access}
      %lt3A_121 = arith.constant 7 : i32
      %lt3A_122 = arith.cmpi slt, %scan3A_33, %lt3A_121 : i32
      %convert_element_type3A_123 = arith.extui %lt3A_122 : i1 to i32
      %cond3A_124 = arith.constant 0 : i32
      %cond3A_125 = arith.cmpi ne, %convert_element_type3A_123, %cond3A_124 : i32
      scf.if %cond3A_125 {
        %add3A_149 = arith.constant 1 : i32
        %add3A_150 = arith.addi %add3A_104, %add3A_149 : i32
        %mul3A_151 = arith.constant 2 : i32
        %mul3A_152 = arith.muli %mul3A_151, %add3A_150 : i32
        %add3A_153 = arith.constant 1 : i32
        %add3A_154 = arith.addi %mul3A_152, %add3A_153 : i32
        %dma_wait3A_155 = arith.constant 0 : i32
        %dma_wait3A_156 = tpu.memref_slice %arg5[%mul3A_2, %dma_wait3A_155] : memref<204800x128xf32, #tpu.memory_space<hbm>> -> memref<200x128xf32, #tpu.memory_space<hbm>>
        %dma_wait3A_157 = arith.constant 0 : i32
        %dma_wait3A_158 = tpu.memref_slice %arg5[%mul3A_2, %dma_wait3A_157] : memref<204800x128xf32, #tpu.memory_space<hbm>> -> memref<200x128xf32, #tpu.memory_space<hbm>>
        tpu.wait_dma2 semaphore(%arg20 : memref<!tpu.dma_semaphore, #tpu.memory_space<semaphore_mem>>) src(%arg11 : memref<200x128xf32, #tpu.memory_space<vmem>>) dst(%dma_wait3A_158 : memref<200x128xf32, #tpu.memory_space<hbm>>)
        %mul3A_159 = arith.constant 200 : i32
        %mul3A_160 = arith.muli %add3A_154, %mul3A_159 : i32
        %add3A_161 = arith.addi %mul3A_2, %mul3A_160 : i32
        "tpu.region"() ({
          %run_scoped3A = tpu.sem_alloc : memref<!tpu.dma_semaphore, #tpu.memory_space<semaphore_mem>>
          %dma_start3A_165 = tpu.memref_slice %arg2[%add3A_161] : memref<204800xi32, #tpu.memory_space<hbm>> -> memref<200xi32, #tpu.memory_space<hbm>>
          %dma_start3A_166 = tpu.memref_slice %arg2[%add3A_161] : memref<204800xi32, #tpu.memory_space<hbm>> -> memref<200xi32, #tpu.memory_space<hbm>>
          tpu.enqueue_dma source(%dma_start3A_166 : memref<200xi32, #tpu.memory_space<hbm>>) target(%arg7 : memref<200xi32, #tpu.memory_space<vmem>>) target_semaphore(%run_scoped3A : memref<!tpu.dma_semaphore, #tpu.memory_space<semaphore_mem>>)
          %dma_wait3A_167 = tpu.memref_slice %arg2[%add3A_161] : memref<204800xi32, #tpu.memory_space<hbm>> -> memref<200xi32, #tpu.memory_space<hbm>>
          %dma_wait3A_168 = tpu.memref_slice %arg2[%add3A_161] : memref<204800xi32, #tpu.memory_space<hbm>> -> memref<200xi32, #tpu.memory_space<hbm>>
          tpu.wait_dma2 semaphore(%run_scoped3A : memref<!tpu.dma_semaphore, #tpu.memory_space<semaphore_mem>>) src(%dma_wait3A_168 : memref<200xi32, #tpu.memory_space<hbm>>) dst(%arg7 : memref<200xi32, #tpu.memory_space<vmem>>)
          tpu.yield
        }) : () -> ()
        %dma_start3A_162 = arith.constant 0 : i32
        %dma_start3A_163 = arith.constant 0 : i32
        %dma_start3A_164 = tpu.memref_slice %arg3[%dma_start3A_162, %dma_start3A_163] : memref<100000x128xf32, #tpu.memory_space<hbm>> -> memref<100000x128xf32, #tpu.memory_space<hbm>>
        tpu.enqueue_indirect_dma source(%dma_start3A_164 : memref<100000x128xf32, #tpu.memory_space<hbm>>) target(%arg11 : memref<200x128xf32, #tpu.memory_space<vmem>>) offsets(%arg7 : memref<200xi32, #tpu.memory_space<vmem>>) semaphore(%arg16 : memref<!tpu.dma_semaphore, #tpu.memory_space<semaphore_mem>>)
      } else {
      }
      %parallel_loop3A_126 = arith.constant 128 : i32
      %parallel_loop3A_127 = arith.constant 200 : i32
      %parallel_loop3A_128 = arith.constant 1 : i32
      scf.for %parallel_loop3A_149 = %parallel_loop3A_126 to %parallel_loop3A_127 step %parallel_loop3A_128  : i32 {
        %parallel_loop3A_150 = arith.index_cast %parallel_loop3A_149 : i32 to index
        %parallel_loop3A_151 = arith.constant 0 : index
        %parallel_loop3A_152 = tpu.vector_load %arg14[%parallel_loop3A_150, %parallel_loop3A_151] {strides = array<i32>} : memref<200x128xf32, #tpu.memory_space<vmem>>, vector<1x16xf32>,
        %parallel_loop3A_153 = vector.shape_cast %parallel_loop3A_152 : vector<1x16xf32> to vector<16xf32>
        %parallel_loop3A_154 = arith.index_cast %parallel_loop3A_149 : i32 to index
        %parallel_loop3A_155 = arith.constant 0 : index
        %parallel_loop3A_156 = tpu.vector_load %arg12[%parallel_loop3A_154, %parallel_loop3A_155] {strides = array<i32>} : memref<200x128xf32, #tpu.memory_space<vmem>>, vector<1x16xf32>,
        %parallel_loop3A_157 = vector.shape_cast %parallel_loop3A_156 : vector<1x16xf32> to vector<16xf32>
        %parallel_loop3A_158 = vector.broadcast %scan3A_12 : f32 to vector<16xf32>
        %parallel_loop3A_159 = arith.mulf %parallel_loop3A_157, %parallel_loop3A_158 : vector<16xf32>
        %parallel_loop3A_160 = arith.addf %parallel_loop3A_159, %parallel_loop3A_153 : vector<16xf32>
        %parallel_loop3A_161 = arith.index_cast %parallel_loop3A_149 : i32 to index
        %parallel_loop3A_162 = arith.constant 0 : index
        %parallel_loop3A_163 = tpu.vector_load %arg12[%parallel_loop3A_161, %parallel_loop3A_162] {strides = array<i32>} : memref<200x128xf32, #tpu.memory_space<vmem>>, vector<1x16xf32>,
        %parallel_loop3A_164 = vector.shape_cast %parallel_loop3A_163 : vector<1x16xf32> to vector<16xf32>
        %parallel_loop3A_165 = vector.shape_cast %parallel_loop3A_160 : vector<16xf32> to vector<1x16xf32>
        tpu.vector_store %arg12[%parallel_loop3A_161, %parallel_loop3A_162], %parallel_loop3A_165 {strides = array<i32>} : memref<200x128xf32, #tpu.memory_space<vmem>>, vector<1x16xf32>,
        %parallel_loop3A_166 = arith.index_cast %parallel_loop3A_149 : i32 to index
        %parallel_loop3A_167 = arith.constant 0 : index
        %parallel_loop3A_168 = tpu.vector_load %arg13[%parallel_loop3A_166, %parallel_loop3A_167] {strides = array<i32>} : memref<200x128xf32, #tpu.memory_space<vmem>>, vector<1x16xf32>,
        %parallel_loop3A_169 = vector.shape_cast %parallel_loop3A_168 : vector<1x16xf32> to vector<16xf32>
        %parallel_loop3A_170 = vector.broadcast %scan3A_12 : f32 to vector<16xf32>
        %parallel_loop3A_171 = arith.mulf %parallel_loop3A_169, %parallel_loop3A_170 : vector<16xf32>
        %parallel_loop3A_172 = arith.addf %parallel_loop3A_171, %parallel_loop3A_153 : vector<16xf32>
        %parallel_loop3A_173 = arith.index_cast %parallel_loop3A_149 : i32 to index
        %parallel_loop3A_174 = arith.constant 0 : index
        %parallel_loop3A_175 = tpu.vector_load %arg13[%parallel_loop3A_173, %parallel_loop3A_174] {strides = array<i32>} : memref<200x128xf32, #tpu.memory_space<vmem>>, vector<1x16xf32>,
        %parallel_loop3A_176 = vector.shape_cast %parallel_loop3A_175 : vector<1x16xf32> to vector<16xf32>
        %parallel_loop3A_177 = vector.shape_cast %parallel_loop3A_172 : vector<16xf32> to vector<1x16xf32>
        tpu.vector_store %arg13[%parallel_loop3A_173, %parallel_loop3A_174], %parallel_loop3A_177 {strides = array<i32>} : memref<200x128xf32, #tpu.memory_space<vmem>>, vector<1x16xf32>,
        %parallel_loop3A_178 = arith.index_cast %parallel_loop3A_149 : i32 to index
        %parallel_loop3A_179 = arith.constant 16 : index
        %parallel_loop3A_180 = tpu.vector_load %arg14[%parallel_loop3A_178, %parallel_loop3A_179] {strides = array<i32>} : memref<200x128xf32, #tpu.memory_space<vmem>>, vector<1x16xf32>,
        %parallel_loop3A_181 = vector.shape_cast %parallel_loop3A_180 : vector<1x16xf32> to vector<16xf32>
        %parallel_loop3A_182 = arith.index_cast %parallel_loop3A_149 : i32 to index
        %parallel_loop3A_183 = arith.constant 16 : index
        %parallel_loop3A_184 = tpu.vector_load %arg12[%parallel_loop3A_182, %parallel_loop3A_183] {strides = array<i32>} : memref<200x128xf32, #tpu.memory_space<vmem>>, vector<1x16xf32>,
        %parallel_loop3A_185 = vector.shape_cast %parallel_loop3A_184 : vector<1x16xf32> to vector<16xf32>
        %parallel_loop3A_186 = vector.broadcast %scan3A_12 : f32 to vector<16xf32>
        %parallel_loop3A_187 = arith.mulf %parallel_loop3A_185, %parallel_loop3A_186 : vector<16xf32>
        %parallel_loop3A_188 = arith.addf %parallel_loop3A_187, %parallel_loop3A_181 : vector<16xf32>
        %parallel_loop3A_189 = arith.index_cast %parallel_loop3A_149 : i32 to index
        %parallel_loop3A_190 = arith.constant 16 : index
        %parallel_loop3A_191 = tpu.vector_load %arg12[%parallel_loop3A_189, %parallel_loop3A_190] {strides = array<i32>} : memref<200x128xf32, #tpu.memory_space<vmem>>, vector<1x16xf32>,
        %parallel_loop3A_192 = vector.shape_cast %parallel_loop3A_191 : vector<1x16xf32> to vector<16xf32>
        %parallel_loop3A_193 = vector.shape_cast %parallel_loop3A_188 : vector<16xf32> to vector<1x16xf32>
        tpu.vector_store %arg12[%parallel_loop3A_189, %parallel_loop3A_190], %parallel_loop3A_193 {strides = array<i32>} : memref<200x128xf32, #tpu.memory_space<vmem>>, vector<1x16xf32>,
        %parallel_loop3A_194 = arith.index_cast %parallel_loop3A_149 : i32 to index
        %parallel_loop3A_195 = arith.constant 16 : index
        %parallel_loop3A_196 = tpu.vector_load %arg13[%parallel_loop3A_194, %parallel_loop3A_195] {strides = array<i32>} : memref<200x128xf32, #tpu.memory_space<vmem>>, vector<1x16xf32>,
        %parallel_loop3A_197 = vector.shape_cast %parallel_loop3A_196 : vector<1x16xf32> to vector<16xf32>
        %parallel_loop3A_198 = vector.broadcast %scan3A_12 : f32 to vector<16xf32>
        %parallel_loop3A_199 = arith.mulf %parallel_loop3A_197, %parallel_loop3A_198 : vector<16xf32>
        %parallel_loop3A_200 = arith.addf %parallel_loop3A_199, %parallel_loop3A_181 : vector<16xf32>
        %parallel_loop3A_201 = arith.index_cast %parallel_loop3A_149 : i32 to index
        %parallel_loop3A_202 = arith.constant 16 : index
        %parallel_loop3A_203 = tpu.vector_load %arg13[%parallel_loop3A_201, %parallel_loop3A_202] {strides = array<i32>} : memref<200x128xf32, #tpu.memory_space<vmem>>, vector<1x16xf32>,
        %parallel_loop3A_204 = vector.shape_cast %parallel_loop3A_203 : vector<1x16xf32> to vector<16xf32>
        %parallel_loop3A_205 = vector.shape_cast %parallel_loop3A_200 : vector<16xf32> to vector<1x16xf32>
        tpu.vector_store %arg13[%parallel_loop3A_201, %parallel_loop3A_202], %parallel_loop3A_205 {strides = array<i32>} : memref<200x128xf32, #tpu.memory_space<vmem>>, vector<1x16xf32>,
        %parallel_loop3A_206 = arith.index_cast %parallel_loop3A_149 : i32 to index
        %parallel_loop3A_207 = arith.constant 32 : index
        %parallel_loop3A_208 = tpu.vector_load %arg14[%parallel_loop3A_206, %parallel_loop3A_207] {strides = array<i32>} : memref<200x128xf32, #tpu.memory_space<vmem>>, vector<1x16xf32>,
        %parallel_loop3A_209 = vector.shape_cast %parallel_loop3A_208 : vector<1x16xf32> to vector<16xf32>
        %parallel_loop3A_210 = arith.index_cast %parallel_loop3A_149 : i32 to index
        %parallel_loop3A_211 = arith.constant 32 : index
        %parallel_loop3A_212 = tpu.vector_load %arg12[%parallel_loop3A_210, %parallel_loop3A_211] {strides = array<i32>} : memref<200x128xf32, #tpu.memory_space<vmem>>, vector<1x16xf32>,
        %parallel_loop3A_213 = vector.shape_cast %parallel_loop3A_212 : vector<1x16xf32> to vector<16xf32>
        %parallel_loop3A_214 = vector.broadcast %scan3A_12 : f32 to vector<16xf32>
        %parallel_loop3A_215 = arith.mulf %parallel_loop3A_213, %parallel_loop3A_214 : vector<16xf32>
        %parallel_loop3A_216 = arith.addf %parallel_loop3A_215, %parallel_loop3A_209 : vector<16xf32>
        %parallel_loop3A_217 = arith.index_cast %parallel_loop3A_149 : i32 to index
        %parallel_loop3A_218 = arith.constant 32 : index
        %parallel_loop3A_219 = tpu.vector_load %arg12[%parallel_loop3A_217, %parallel_loop3A_218] {strides = array<i32>} : memref<200x128xf32, #tpu.memory_space<vmem>>, vector<1x16xf32>,
        %parallel_loop3A_220 = vector.shape_cast %parallel_loop3A_219 : vector<1x16xf32> to vector<16xf32>
        %parallel_loop3A_221 = vector.shape_cast %parallel_loop3A_216 : vector<16xf32> to vector<1x16xf32>
        tpu.vector_store %arg12[%parallel_loop3A_217, %parallel_loop3A_218], %parallel_loop3A_221 {strides = array<i32>} : memref<200x128xf32, #tpu.memory_space<vmem>>, vector<1x16xf32>,
        %parallel_loop3A_222 = arith.index_cast %parallel_loop3A_149 : i32 to index
        %parallel_loop3A_223 = arith.constant 32 : index
        %parallel_loop3A_224 = tpu.vector_load %arg13[%parallel_loop3A_222, %parallel_loop3A_223] {strides = array<i32>} : memref<200x128xf32, #tpu.memory_space<vmem>>, vector<1x16xf32>,
        %parallel_loop3A_225 = vector.shape_cast %parallel_loop3A_224 : vector<1x16xf32> to vector<16xf32>
        %parallel_loop3A_226 = vector.broadcast %scan3A_12 : f32 to vector<16xf32>
        %parallel_loop3A_227 = arith.mulf %parallel_loop3A_225, %parallel_loop3A_226 : vector<16xf32>
        %parallel_loop3A_228 = arith.addf %parallel_loop3A_227, %parallel_loop3A_209 : vector<16xf32>
        %parallel_loop3A_229 = arith.index_cast %parallel_loop3A_149 : i32 to index
        %parallel_loop3A_230 = arith.constant 32 : index
        %parallel_loop3A_231 = tpu.vector_load %arg13[%parallel_loop3A_229, %parallel_loop3A_230] {strides = array<i32>} : memref<200x128xf32, #tpu.memory_space<vmem>>, vector<1x16xf32>,
        %parallel_loop3A_232 = vector.shape_cast %parallel_loop3A_231 : vector<1x16xf32> to vector<16xf32>
        %parallel_loop3A_233 = vector.shape_cast %parallel_loop3A_228 : vector<16xf32> to vector<1x16xf32>
        tpu.vector_store %arg13[%parallel_loop3A_229, %parallel_loop3A_230], %parallel_loop3A_233 {strides = array<i32>} : memref<200x128xf32, #tpu.memory_space<vmem>>, vector<1x16xf32>,
        %parallel_loop3A_234 = arith.index_cast %parallel_loop3A_149 : i32 to index
        %parallel_loop3A_235 = arith.constant 48 : index
        %parallel_loop3A_236 = tpu.vector_load %arg14[%parallel_loop3A_234, %parallel_loop3A_235] {strides = array<i32>} : memref<200x128xf32, #tpu.memory_space<vmem>>, vector<1x16xf32>,
        %parallel_loop3A_237 = vector.shape_cast %parallel_loop3A_236 : vector<1x16xf32> to vector<16xf32>
        %parallel_loop3A_238 = arith.index_cast %parallel_loop3A_149 : i32 to index
        %parallel_loop3A_239 = arith.constant 48 : index
        %parallel_loop3A_240 = tpu.vector_load %arg12[%parallel_loop3A_238, %parallel_loop3A_239] {strides = array<i32>} : memref<200x128xf32, #tpu.memory_space<vmem>>, vector<1x16xf32>,
        %parallel_loop3A_241 = vector.shape_cast %parallel_loop3A_240 : vector<1x16xf32> to vector<16xf32>
        %parallel_loop3A_242 = vector.broadcast %scan3A_12 : f32 to vector<16xf32>
        %parallel_loop3A_243 = arith.mulf %parallel_loop3A_241, %parallel_loop3A_242 : vector<16xf32>
        %parallel_loop3A_244 = arith.addf %parallel_loop3A_243, %parallel_loop3A_237 : vector<16xf32>
        %parallel_loop3A_245 = arith.index_cast %parallel_loop3A_149 : i32 to index
        %parallel_loop3A_246 = arith.constant 48 : index
        %parallel_loop3A_247 = tpu.vector_load %arg12[%parallel_loop3A_245, %parallel_loop3A_246] {strides = array<i32>} : memref<200x128xf32, #tpu.memory_space<vmem>>, vector<1x16xf32>,
        %parallel_loop3A_248 = vector.shape_cast %parallel_loop3A_247 : vector<1x16xf32> to vector<16xf32>
        %parallel_loop3A_249 = vector.shape_cast %parallel_loop3A_244 : vector<16xf32> to vector<1x16xf32>
        tpu.vector_store %arg12[%parallel_loop3A_245, %parallel_loop3A_246], %parallel_loop3A_249 {strides = array<i32>} : memref<200x128xf32, #tpu.memory_space<vmem>>, vector<1x16xf32>,
        %parallel_loop3A_250 = arith.index_cast %parallel_loop3A_149 : i32 to index
        %parallel_loop3A_251 = arith.constant 48 : index
        %parallel_loop3A_252 = tpu.vector_load %arg13[%parallel_loop3A_250, %parallel_loop3A_251] {strides = array<i32>} : memref<200x128xf32, #tpu.memory_space<vmem>>, vector<1x16xf32>,
        %parallel_loop3A_253 = vector.shape_cast %parallel_loop3A_252 : vector<1x16xf32> to vector<16xf32>
        %parallel_loop3A_254 = vector.broadcast %scan3A_12 : f32 to vector<16xf32>
        %parallel_loop3A_255 = arith.mulf %parallel_loop3A_253, %parallel_loop3A_254 : vector<16xf32>
        %parallel_loop3A_256 = arith.addf %parallel_loop3A_255, %parallel_loop3A_237 : vector<16xf32>
        %parallel_loop3A_257 = arith.index_cast %parallel_loop3A_149 : i32 to index
        %parallel_loop3A_258 = arith.constant 48 : index
        %parallel_loop3A_259 = tpu.vector_load %arg13[%parallel_loop3A_257, %parallel_loop3A_258] {strides = array<i32>} : memref<200x128xf32, #tpu.memory_space<vmem>>, vector<1x16xf32>,
        %parallel_loop3A_260 = vector.shape_cast %parallel_loop3A_259 : vector<1x16xf32> to vector<16xf32>
        %parallel_loop3A_261 = vector.shape_cast %parallel_loop3A_256 : vector<16xf32> to vector<1x16xf32>
        tpu.vector_store %arg13[%parallel_loop3A_257, %parallel_loop3A_258], %parallel_loop3A_261 {strides = array<i32>} : memref<200x128xf32, #tpu.memory_space<vmem>>, vector<1x16xf32>,
        %parallel_loop3A_262 = arith.index_cast %parallel_loop3A_149 : i32 to index
        %parallel_loop3A_263 = arith.constant 64 : index
        %parallel_loop3A_264 = tpu.vector_load %arg14[%parallel_loop3A_262, %parallel_loop3A_263] {strides = array<i32>} : memref<200x128xf32, #tpu.memory_space<vmem>>, vector<1x16xf32>,
        %parallel_loop3A_265 = vector.shape_cast %parallel_loop3A_264 : vector<1x16xf32> to vector<16xf32>
        %parallel_loop3A_266 = arith.index_cast %parallel_loop3A_149 : i32 to index
        %parallel_loop3A_267 = arith.constant 64 : index
        %parallel_loop3A_268 = tpu.vector_load %arg12[%parallel_loop3A_266, %parallel_loop3A_267] {strides = array<i32>} : memref<200x128xf32, #tpu.memory_space<vmem>>, vector<1x16xf32>,
        %parallel_loop3A_269 = vector.shape_cast %parallel_loop3A_268 : vector<1x16xf32> to vector<16xf32>
        %parallel_loop3A_270 = vector.broadcast %scan3A_12 : f32 to vector<16xf32>
        %parallel_loop3A_271 = arith.mulf %parallel_loop3A_269, %parallel_loop3A_270 : vector<16xf32>
        %parallel_loop3A_272 = arith.addf %parallel_loop3A_271, %parallel_loop3A_265 : vector<16xf32>
        %parallel_loop3A_273 = arith.index_cast %parallel_loop3A_149 : i32 to index
        %parallel_loop3A_274 = arith.constant 64 : index
        %parallel_loop3A_275 = tpu.vector_load %arg12[%parallel_loop3A_273, %parallel_loop3A_274] {strides = array<i32>} : memref<200x128xf32, #tpu.memory_space<vmem>>, vector<1x16xf32>,
        %parallel_loop3A_276 = vector.shape_cast %parallel_loop3A_275 : vector<1x16xf32> to vector<16xf32>
        %parallel_loop3A_277 = vector.shape_cast %parallel_loop3A_272 : vector<16xf32> to vector<1x16xf32>
        tpu.vector_store %arg12[%parallel_loop3A_273, %parallel_loop3A_274], %parallel_loop3A_277 {strides = array<i32>} : memref<200x128xf32, #tpu.memory_space<vmem>>, vector<1x16xf32>,
        %parallel_loop3A_278 = arith.index_cast %parallel_loop3A_149 : i32 to index
        %parallel_loop3A_279 = arith.constant 64 : index
        %parallel_loop3A_280 = tpu.vector_load %arg13[%parallel_loop3A_278, %parallel_loop3A_279] {strides = array<i32>} : memref<200x128xf32, #tpu.memory_space<vmem>>, vector<1x16xf32>,
        %parallel_loop3A_281 = vector.shape_cast %parallel_loop3A_280 : vector<1x16xf32> to vector<16xf32>
        %parallel_loop3A_282 = vector.broadcast %scan3A_12 : f32 to vector<16xf32>
        %parallel_loop3A_283 = arith.mulf %parallel_loop3A_281, %parallel_loop3A_282 : vector<16xf32>
        %parallel_loop3A_284 = arith.addf %parallel_loop3A_283, %parallel_loop3A_265 : vector<16xf32>
        %parallel_loop3A_285 = arith.index_cast %parallel_loop3A_149 : i32 to index
        %parallel_loop3A_286 = arith.constant 64 : index
        %parallel_loop3A_287 = tpu.vector_load %arg13[%parallel_loop3A_285, %parallel_loop3A_286] {strides = array<i32>} : memref<200x128xf32, #tpu.memory_space<vmem>>, vector<1x16xf32>,
        %parallel_loop3A_288 = vector.shape_cast %parallel_loop3A_287 : vector<1x16xf32> to vector<16xf32>
        %parallel_loop3A_289 = vector.shape_cast %parallel_loop3A_284 : vector<16xf32> to vector<1x16xf32>
        tpu.vector_store %arg13[%parallel_loop3A_285, %parallel_loop3A_286], %parallel_loop3A_289 {strides = array<i32>} : memref<200x128xf32, #tpu.memory_space<vmem>>, vector<1x16xf32>,
        %parallel_loop3A_290 = arith.index_cast %parallel_loop3A_149 : i32 to index
        %parallel_loop3A_291 = arith.constant 80 : index
        %parallel_loop3A_292 = tpu.vector_load %arg14[%parallel_loop3A_290, %parallel_loop3A_291] {strides = array<i32>} : memref<200x128xf32, #tpu.memory_space<vmem>>, vector<1x16xf32>,
        %parallel_loop3A_293 = vector.shape_cast %parallel_loop3A_292 : vector<1x16xf32> to vector<16xf32>
        %parallel_loop3A_294 = arith.index_cast %parallel_loop3A_149 : i32 to index
        %parallel_loop3A_295 = arith.constant 80 : index
        %parallel_loop3A_296 = tpu.vector_load %arg12[%parallel_loop3A_294, %parallel_loop3A_295] {strides = array<i32>} : memref<200x128xf32, #tpu.memory_space<vmem>>, vector<1x16xf32>,
        %parallel_loop3A_297 = vector.shape_cast %parallel_loop3A_296 : vector<1x16xf32> to vector<16xf32>
        %parallel_loop3A_298 = vector.broadcast %scan3A_12 : f32 to vector<16xf32>
        %parallel_loop3A_299 = arith.mulf %parallel_loop3A_297, %parallel_loop3A_298 : vector<16xf32>
        %parallel_loop3A_300 = arith.addf %parallel_loop3A_299, %parallel_loop3A_293 : vector<16xf32>
        %parallel_loop3A_301 = arith.index_cast %parallel_loop3A_149 : i32 to index
        %parallel_loop3A_302 = arith.constant 80 : index
        %parallel_loop3A_303 = tpu.vector_load %arg12[%parallel_loop3A_301, %parallel_loop3A_302] {strides = array<i32>} : memref<200x128xf32, #tpu.memory_space<vmem>>, vector<1x16xf32>,
        %parallel_loop3A_304 = vector.shape_cast %parallel_loop3A_303 : vector<1x16xf32> to vector<16xf32>
        %parallel_loop3A_305 = vector.shape_cast %parallel_loop3A_300 : vector<16xf32> to vector<1x16xf32>
        tpu.vector_store %arg12[%parallel_loop3A_301, %parallel_loop3A_302], %parallel_loop3A_305 {strides = array<i32>} : memref<200x128xf32, #tpu.memory_space<vmem>>, vector<1x16xf32>,
        %parallel_loop3A_306 = arith.index_cast %parallel_loop3A_149 : i32 to index
        %parallel_loop3A_307 = arith.constant 80 : index
        %parallel_loop3A_308 = tpu.vector_load %arg13[%parallel_loop3A_306, %parallel_loop3A_307] {strides = array<i32>} : memref<200x128xf32, #tpu.memory_space<vmem>>, vector<1x16xf32>,
        %parallel_loop3A_309 = vector.shape_cast %parallel_loop3A_308 : vector<1x16xf32> to vector<16xf32>
        %parallel_loop3A_310 = vector.broadcast %scan3A_12 : f32 to vector<16xf32>
        %parallel_loop3A_311 = arith.mulf %parallel_loop3A_309, %parallel_loop3A_310 : vector<16xf32>
        %parallel_loop3A_312 = arith.addf %parallel_loop3A_311, %parallel_loop3A_293 : vector<16xf32>
        %parallel_loop3A_313 = arith.index_cast %parallel_loop3A_149 : i32 to index
        %parallel_loop3A_314 = arith.constant 80 : index
        %parallel_loop3A_315 = tpu.vector_load %arg13[%parallel_loop3A_313, %parallel_loop3A_314] {strides = array<i32>} : memref<200x128xf32, #tpu.memory_space<vmem>>, vector<1x16xf32>,
        %parallel_loop3A_316 = vector.shape_cast %parallel_loop3A_315 : vector<1x16xf32> to vector<16xf32>
        %parallel_loop3A_317 = vector.shape_cast %parallel_loop3A_312 : vector<16xf32> to vector<1x16xf32>
        tpu.vector_store %arg13[%parallel_loop3A_313, %parallel_loop3A_314], %parallel_loop3A_317 {strides = array<i32>} : memref<200x128xf32, #tpu.memory_space<vmem>>, vector<1x16xf32>,
        %parallel_loop3A_318 = arith.index_cast %parallel_loop3A_149 : i32 to index
        %parallel_loop3A_319 = arith.constant 96 : index
        %parallel_loop3A_320 = tpu.vector_load %arg14[%parallel_loop3A_318, %parallel_loop3A_319] {strides = array<i32>} : memref<200x128xf32, #tpu.memory_space<vmem>>, vector<1x16xf32>,
        %parallel_loop3A_321 = vector.shape_cast %parallel_loop3A_320 : vector<1x16xf32> to vector<16xf32>
        %parallel_loop3A_322 = arith.index_cast %parallel_loop3A_149 : i32 to index
        %parallel_loop3A_323 = arith.constant 96 : index
        %parallel_loop3A_324 = tpu.vector_load %arg12[%parallel_loop3A_322, %parallel_loop3A_323] {strides = array<i32>} : memref<200x128xf32, #tpu.memory_space<vmem>>, vector<1x16xf32>,
        %parallel_loop3A_325 = vector.shape_cast %parallel_loop3A_324 : vector<1x16xf32> to vector<16xf32>
        %parallel_loop3A_326 = vector.broadcast %scan3A_12 : f32 to vector<16xf32>
        %parallel_loop3A_327 = arith.mulf %parallel_loop3A_325, %parallel_loop3A_326 : vector<16xf32>
        %parallel_loop3A_328 = arith.addf %parallel_loop3A_327, %parallel_loop3A_321 : vector<16xf32>
        %parallel_loop3A_329 = arith.index_cast %parallel_loop3A_149 : i32 to index
        %parallel_loop3A_330 = arith.constant 96 : index
        %parallel_loop3A_331 = tpu.vector_load %arg12[%parallel_loop3A_329, %parallel_loop3A_330] {strides = array<i32>} : memref<200x128xf32, #tpu.memory_space<vmem>>, vector<1x16xf32>,
        %parallel_loop3A_332 = vector.shape_cast %parallel_loop3A_331 : vector<1x16xf32> to vector<16xf32>
        %parallel_loop3A_333 = vector.shape_cast %parallel_loop3A_328 : vector<16xf32> to vector<1x16xf32>
        tpu.vector_store %arg12[%parallel_loop3A_329, %parallel_loop3A_330], %parallel_loop3A_333 {strides = array<i32>} : memref<200x128xf32, #tpu.memory_space<vmem>>, vector<1x16xf32>,
        %parallel_loop3A_334 = arith.index_cast %parallel_loop3A_149 : i32 to index
        %parallel_loop3A_335 = arith.constant 96 : index
        %parallel_loop3A_336 = tpu.vector_load %arg13[%parallel_loop3A_334, %parallel_loop3A_335] {strides = array<i32>} : memref<200x128xf32, #tpu.memory_space<vmem>>, vector<1x16xf32>,
        %parallel_loop3A_337 = vector.shape_cast %parallel_loop3A_336 : vector<1x16xf32> to vector<16xf32>
        %parallel_loop3A_338 = vector.broadcast %scan3A_12 : f32 to vector<16xf32>
        %parallel_loop3A_339 = arith.mulf %parallel_loop3A_337, %parallel_loop3A_338 : vector<16xf32>
        %parallel_loop3A_340 = arith.addf %parallel_loop3A_339, %parallel_loop3A_321 : vector<16xf32>
        %parallel_loop3A_341 = arith.index_cast %parallel_loop3A_149 : i32 to index
        %parallel_loop3A_342 = arith.constant 96 : index
        %parallel_loop3A_343 = tpu.vector_load %arg13[%parallel_loop3A_341, %parallel_loop3A_342] {strides = array<i32>} : memref<200x128xf32, #tpu.memory_space<vmem>>, vector<1x16xf32>,
        %parallel_loop3A_344 = vector.shape_cast %parallel_loop3A_343 : vector<1x16xf32> to vector<16xf32>
        %parallel_loop3A_345 = vector.shape_cast %parallel_loop3A_340 : vector<16xf32> to vector<1x16xf32>
        tpu.vector_store %arg13[%parallel_loop3A_341, %parallel_loop3A_342], %parallel_loop3A_345 {strides = array<i32>} : memref<200x128xf32, #tpu.memory_space<vmem>>, vector<1x16xf32>,
        %parallel_loop3A_346 = arith.index_cast %parallel_loop3A_149 : i32 to index
        %parallel_loop3A_347 = arith.constant 112 : index
        %parallel_loop3A_348 = tpu.vector_load %arg14[%parallel_loop3A_346, %parallel_loop3A_347] {strides = array<i32>} : memref<200x128xf32, #tpu.memory_space<vmem>>, vector<1x16xf32>,
        %parallel_loop3A_349 = vector.shape_cast %parallel_loop3A_348 : vector<1x16xf32> to vector<16xf32>
        %parallel_loop3A_350 = arith.index_cast %parallel_loop3A_149 : i32 to index
        %parallel_loop3A_351 = arith.constant 112 : index
        %parallel_loop3A_352 = tpu.vector_load %arg12[%parallel_loop3A_350, %parallel_loop3A_351] {strides = array<i32>} : memref<200x128xf32, #tpu.memory_space<vmem>>, vector<1x16xf32>,
        %parallel_loop3A_353 = vector.shape_cast %parallel_loop3A_352 : vector<1x16xf32> to vector<16xf32>
        %parallel_loop3A_354 = vector.broadcast %scan3A_12 : f32 to vector<16xf32>
        %parallel_loop3A_355 = arith.mulf %parallel_loop3A_353, %parallel_loop3A_354 : vector<16xf32>
        %parallel_loop3A_356 = arith.addf %parallel_loop3A_355, %parallel_loop3A_349 : vector<16xf32>
        %parallel_loop3A_357 = arith.index_cast %parallel_loop3A_149 : i32 to index
        %parallel_loop3A_358 = arith.constant 112 : index
        %parallel_loop3A_359 = tpu.vector_load %arg12[%parallel_loop3A_357, %parallel_loop3A_358] {strides = array<i32>} : memref<200x128xf32, #tpu.memory_space<vmem>>, vector<1x16xf32>,
        %parallel_loop3A_360 = vector.shape_cast %parallel_loop3A_359 : vector<1x16xf32> to vector<16xf32>
        %parallel_loop3A_361 = vector.shape_cast %parallel_loop3A_356 : vector<16xf32> to vector<1x16xf32>
        tpu.vector_store %arg12[%parallel_loop3A_357, %parallel_loop3A_358], %parallel_loop3A_361 {strides = array<i32>} : memref<200x128xf32, #tpu.memory_space<vmem>>, vector<1x16xf32>,
        %parallel_loop3A_362 = arith.index_cast %parallel_loop3A_149 : i32 to index
        %parallel_loop3A_363 = arith.constant 112 : index
        %parallel_loop3A_364 = tpu.vector_load %arg13[%parallel_loop3A_362, %parallel_loop3A_363] {strides = array<i32>} : memref<200x128xf32, #tpu.memory_space<vmem>>, vector<1x16xf32>,
        %parallel_loop3A_365 = vector.shape_cast %parallel_loop3A_364 : vector<1x16xf32> to vector<16xf32>
        %parallel_loop3A_366 = vector.broadcast %scan3A_12 : f32 to vector<16xf32>
        %parallel_loop3A_367 = arith.mulf %parallel_loop3A_365, %parallel_loop3A_366 : vector<16xf32>
        %parallel_loop3A_368 = arith.addf %parallel_loop3A_367, %parallel_loop3A_349 : vector<16xf32>
        %parallel_loop3A_369 = arith.index_cast %parallel_loop3A_149 : i32 to index
        %parallel_loop3A_370 = arith.constant 112 : index
        %parallel_loop3A_371 = tpu.vector_load %arg13[%parallel_loop3A_369, %parallel_loop3A_370] {strides = array<i32>} : memref<200x128xf32, #tpu.memory_space<vmem>>, vector<1x16xf32>,
        %parallel_loop3A_372 = vector.shape_cast %parallel_loop3A_371 : vector<1x16xf32> to vector<16xf32>
        %parallel_loop3A_373 = vector.shape_cast %parallel_loop3A_368 : vector<16xf32> to vector<1x16xf32>
        tpu.vector_store %arg13[%parallel_loop3A_369, %parallel_loop3A_370], %parallel_loop3A_373 {strides = array<i32>} : memref<200x128xf32, #tpu.memory_space<vmem>>, vector<1x16xf32>,
      } {sc.loop_unroll_factor = 1 : i64, sc.parallel_access}
      %mul3A_129 = arith.constant 2 : i32
      %mul3A_130 = arith.muli %mul3A_129, %add3A_104 : i32
      %mul3A_131 = arith.constant 200 : i32
      %mul3A_132 = arith.muli %mul3A_130, %mul3A_131 : i32
      %add3A_133 = arith.addi %mul3A_2, %mul3A_132 : i32
      %dma_start3A_134 = arith.constant 0 : i32
      %dma_start3A_135 = tpu.memref_slice %arg5[%add3A_133, %dma_start3A_134] : memref<204800x128xf32, #tpu.memory_space<hbm>> -> memref<200x128xf32, #tpu.memory_space<hbm>>
      %dma_start3A_136 = arith.constant 0 : i32
      %dma_start3A_137 = tpu.memref_slice %arg5[%add3A_133, %dma_start3A_136] : memref<204800x128xf32, #tpu.memory_space<hbm>> -> memref<200x128xf32, #tpu.memory_space<hbm>>
      tpu.enqueue_dma source(%arg12 : memref<200x128xf32, #tpu.memory_space<vmem>>) target(%dma_start3A_137 : memref<200x128xf32, #tpu.memory_space<hbm>>) target_semaphore(%arg21 : memref<!tpu.dma_semaphore, #tpu.memory_space<semaphore_mem>>)
      %mul3A_138 = arith.constant 2 : i32
      %mul3A_139 = arith.muli %mul3A_138, %add3A_104 : i32
      %add3A_140 = arith.constant 1 : i32
      %add3A_141 = arith.addi %mul3A_139, %add3A_140 : i32
      %mul3A_142 = arith.constant 200 : i32
      %mul3A_143 = arith.muli %add3A_141, %mul3A_142 : i32
      %add3A_144 = arith.addi %mul3A_2, %mul3A_143 : i32
      %dma_start3A_145 = arith.constant 0 : i32
      %dma_start3A_146 = tpu.memref_slice %arg5[%add3A_144, %dma_start3A_145] : memref<204800x128xf32, #tpu.memory_space<hbm>> -> memref<200x128xf32, #tpu.memory_space<hbm>>
      %dma_start3A_147 = arith.constant 0 : i32
      %dma_start3A_148 = tpu.memref_slice %arg5[%add3A_144, %dma_start3A_147] : memref<204800x128xf32, #tpu.memory_space<hbm>> -> memref<200x128xf32, #tpu.memory_space<hbm>>
      tpu.enqueue_dma source(%arg13 : memref<200x128xf32, #tpu.memory_space<vmem>>) target(%dma_start3A_148 : memref<200x128xf32, #tpu.memory_space<hbm>>) target_semaphore(%arg22 : memref<!tpu.dma_semaphore, #tpu.memory_space<semaphore_mem>>)
    }
    %scan3A_17 = arith.constant 8 : i32
    %dma_wait3A = arith.constant 0 : i32
    %dma_wait3A_18 = tpu.memref_slice %arg5[%mul3A_2, %dma_wait3A] : memref<204800x128xf32, #tpu.memory_space<hbm>> -> memref<200x128xf32, #tpu.memory_space<hbm>>
    %dma_wait3A_19 = arith.constant 0 : i32
    %dma_wait3A_20 = tpu.memref_slice %arg5[%mul3A_2, %dma_wait3A_19] : memref<204800x128xf32, #tpu.memory_space<hbm>> -> memref<200x128xf32, #tpu.memory_space<hbm>>
    tpu.wait_dma2 semaphore(%arg19 : memref<!tpu.dma_semaphore, #tpu.memory_space<semaphore_mem>>) src(%arg10 : memref<200x128xf32, #tpu.memory_space<vmem>>) dst(%dma_wait3A_20 : memref<200x128xf32, #tpu.memory_space<hbm>>)
    %dma_wait3A_21 = arith.constant 0 : i32
    %dma_wait3A_22 = tpu.memref_slice %arg5[%mul3A_2, %dma_wait3A_21] : memref<204800x128xf32, #tpu.memory_space<hbm>> -> memref<200x128xf32, #tpu.memory_space<hbm>>
    %dma_wait3A_23 = arith.constant 0 : i32
    %dma_wait3A_24 = tpu.memref_slice %arg5[%mul3A_2, %dma_wait3A_23] : memref<204800x128xf32, #tpu.memory_space<hbm>> -> memref<200x128xf32, #tpu.memory_space<hbm>>
    tpu.wait_dma2 semaphore(%arg20 : memref<!tpu.dma_semaphore, #tpu.memory_space<semaphore_mem>>) src(%arg11 : memref<200x128xf32, #tpu.memory_space<vmem>>) dst(%dma_wait3A_24 : memref<200x128xf32, #tpu.memory_space<hbm>>)
    %dma_wait3A_25 = arith.constant 0 : i32
    %dma_wait3A_26 = tpu.memref_slice %arg5[%mul3A_2, %dma_wait3A_25] : memref<204800x128xf32, #tpu.memory_space<hbm>> -> memref<200x128xf32, #tpu.memory_space<hbm>>
    %dma_wait3A_27 = arith.constant 0 : i32
    %dma_wait3A_28 = tpu.memref_slice %arg5[%mul3A_2, %dma_wait3A_27] : memref<204800x128xf32, #tpu.memory_space<hbm>> -> memref<200x128xf32, #tpu.memory_space<hbm>>
    tpu.wait_dma2 semaphore(%arg21 : memref<!tpu.dma_semaphore, #tpu.memory_space<semaphore_mem>>) src(%arg12 : memref<200x128xf32, #tpu.memory_space<vmem>>) dst(%dma_wait3A_28 : memref<200x128xf32, #tpu.memory_space<hbm>>)
    %dma_wait3A_29 = arith.constant 0 : i32
    %dma_wait3A_30 = tpu.memref_slice %arg5[%mul3A_2, %dma_wait3A_29] : memref<204800x128xf32, #tpu.memory_space<hbm>> -> memref<200x128xf32, #tpu.memory_space<hbm>>
    %dma_wait3A_31 = arith.constant 0 : i32
    %dma_wait3A_32 = tpu.memref_slice %arg5[%mul3A_2, %dma_wait3A_31] : memref<204800x128xf32, #tpu.memory_space<hbm>> -> memref<200x128xf32, #tpu.memory_space<hbm>>
    tpu.wait_dma2 semaphore(%arg22 : memref<!tpu.dma_semaphore, #tpu.memory_space<semaphore_mem>>) src(%arg13 : memref<200x128xf32, #tpu.memory_space<vmem>>) dst(%dma_wait3A_32 : memref<200x128xf32, #tpu.memory_space<hbm>>)
    return
  }
}

</mosaic_0001>

<sc_bundles>
// kernel: kernel.3.cloned.1.call-start
scs
__scs_entry_jumppad:
0x0: {  	(pc) =	sbr.rel $0x88, $3  }
0x1: {  	(tag) =	ssettag $0x0;
	lr =	simm.s32 $0x1  }
0x2: {  	[smem:$0x3F9E] =	sst lr;
	_ =	strace $0xD0000000  }
0x3: {  	_ = 	snop  }
0x4: {  	_ = 	snop  }
0x5: {  	_ = 	snop  }
0x6: {  	_ = 	snop  }
0x7: {  	_ = 	snop  }
__scs_overlays_trampoline_lowered:
0x8: {  	[smem:$0x3FAD] =	sst s0  }
0x9: {  	[smem:$0x3FAE] =	sst s1  }
0xa: {  	[smem:$0x3FAF] =	sst s2  }
0xb: {  	[smem:$0x3FB0] =	sst s3  }
0xc: {  	[smem:$0x3FB1] =	sst s4  }
0xd: {  	[smem:$0x3FB2] =	sst s5  }
0xe: {  	[smem:$0x3FB3] =	sst s6  }
0xf: {  	[smem:$0x3FB4] =	sst s7  }
0x10: {  	[smem:$0x3FB5] =	sst s8  }
0x11: {  	[smem:$0x3FB6] =	sst s9;
	s0 =	simm.s32 @!p0 $0x0  }
0x12: {  	s1 =	sld [smem:$0x3F9C];
	s0 =	simm.s32 @p0 $0x1  }
0x13: {  	[smem:$0x3FB7] =	sst s0;
	s0 =	simm.s32 @!p1 $0x0  }
0x14: {  	s2 =	sld [smem:$0x3F9B];
	s0 =	simm.s32 @p1 $0x1  }
0x15: {  	[smem:$0x3FB8] =	sst s0;
	s0 =	simm.s32 @!p2 $0x0  }
0x16: {  	s3 =	sld [smem:$0x3FDB];
	s0 =	simm.s32 @p2 $0x1  }
0x17: {  	s4 =	simm.s32 $0x1BF5;
	[smem:$0x3FBA] =	sst s0  }
0x18: {  	s0 =	sld [smem:$0x3F9D];
	_ =	swait.ge [sflag:s4], $0x0  }
0x19: {  	s7 =	sld [smem:$0x3F9E]  }
0x1a: {  	s8 =	sadd.s32 $0xFFFFE003, lr  }
0x1b: {  	s9 =	sadd.s32 $0xFFFFFEF7, lr;
	s5 =	simm.s32 $0xFFFFFFFF;
	p2 =	slt.u32 s8, $0xFFFFF086  }
0x1c: {  	p1 =	slt.u32 s9, $0xF7A;
	s5 =	simm.s32 @!p2 $0x0  }
0x1d: {  	s5 =	simm.s32 @p1 $0x1;
	p0 =	seq.s32 s7, s2  }
0x1e: {  	s7 =	smul.u32 @!p0 $0xF7A, s2;
	p2 =	seq.s32 @!p0 s5, $0x0  }
0x1f: {  	s9 =	smul.u32 $0xF7A, s1;
	s8 =	simm.s32 @!p0 $0x1BF5;
	p2 =	por !p2, p0  }
0x20: {  	[sflag:s8] =	ssyncset.s32 @!p0 $0xFFFFF086;
	s6 =	sadd.s32 @!p0 s3, s7;
	s7 =	simm.s32 @!p0 $0x108  }
0x21: {  	s3 =	sadd.s32 s3, s9;
	s6 =	sadd.s32 @!p0 $0x88, s6;
	s7 =	simm.s32 @p2 $0x1082  }
0x22: {  	[simem:s7], [sflag:s8] =	dma.local @!p0 [hbm:s6], $0xF7A  }
0x23: {  	s9 =	sor.u32 $0xD0000000, s2;
	s6 =	simm.s32 $0x108;
	_ =	swait.ge @!p0 [sflag:s8], $0x0  }
0x24: {  	s3 =	sadd.s32 $0x88, s3;
	s6 =	simm.s32 @!p1 $0x1082;
	[sflag:s4] =	ssyncset.s32 $0xFFFFF086  }
0x25: {  	[simem:s6], [sflag:s4] =	dma.local [hbm:s3], $0xF7A  }
0x26: {  	[smem:$0x3F9E] =	sst s1;
	(tag) =	ssettag s2;
	_ =	strace s9  }
0x27: {  	s1 =	sld [smem:$0x3FAE]  }
0x28: {  	s2 =	sld [smem:$0x3FAF]  }
0x29: {  	s4 =	sld [smem:$0x3FB1]  }
0x2a: {  	p0 =	seq.s32 s5, $0x0;
	s5 =	sld [smem:$0x3FB2]  }
0x2b: {  	s6 =	sld [smem:$0x3FB3]  }
0x2c: {  	s7 =	sld [smem:$0x3FB4]  }
0x2d: {  	s3 =	simm.s32 $0x108;
	s8 =	sld [smem:$0x3FB5]  }
0x2e: {  	s3 =	simm.s32 @!p0 $0x1082;
	s9 =	sld [smem:$0x3FB6]  }
0x2f: {  	lr =	sadd.s32 s0, s3;
	s0 =	sld [smem:$0x3FAD]  }
0x30: {  	s3 =	sld [smem:$0x3FB0]  }
0x31: {  	[smem:$0x3FB9] =	sst s10  }
0x32: {  	s10 =	sld [smem:$0x3FB7];
	_ =	sdelay $0x3  }
0x33: {  	p0 =	seq.s32 s10, $0x1;
	s10 =	sld [smem:$0x3FB9];
	_ =	sdelay $0x3  }
0x34: {  	[smem:$0x3FB9] =	sst s10  }
0x35: {  	s10 =	sld [smem:$0x3FB8];
	_ =	sdelay $0x3  }
0x36: {  	p1 =	seq.s32 s10, $0x1;
	s10 =	sld [smem:$0x3FB9];
	_ =	sdelay $0x3  }
0x37: {  	[smem:$0x3FB9] =	sst s10  }
0x38: {  	s10 =	sld [smem:$0x3FBA]  }
0x39: {  	_ = 	snop;
	(pc) =	sbr.ind lr, $3  }
0x3a: {  	_ = 	snop  }
0x3b: {  	_ = 	snop  }
0x3c: {  	p2 =	seq.s32 s10, $0x1;
	s10 =	sld [smem:$0x3FB9]  }
0x3d: {  	_ =	shalt  }
0x3e: {  	_ =	shalt  }
0x3f: {  	_ =	shalt  }
0x40: {  	_ =	shalt  }
0x41: {  	_ =	shalt  }
0x42: {  	_ =	shalt  }
0x43: {  	_ =	shalt  }
0x44: {  	_ =	shalt  }
0x45: {  	_ =	shalt  }
0x46: {  	_ =	shalt  }
0x47: {  	_ =	shalt  }
0x48: {  	_ =	shalt  }
0x49: {  	_ =	shalt  }
0x4a: {  	_ =	shalt  }
0x4b: {  	_ =	shalt  }
0x4c: {  	_ =	shalt  }
0x4d: {  	_ =	shalt  }
0x4e: {  	_ =	shalt  }
0x4f: {  	_ =	shalt  }
0x50: {  	_ =	shalt  }
0x51: {  	_ =	shalt  }
0x52: {  	_ =	shalt  }
0x53: {  	_ =	shalt  }
0x54: {  	_ =	shalt  }
0x55: {  	_ =	shalt  }
0x56: {  	_ =	shalt  }
0x57: {  	_ =	shalt  }
0x58: {  	_ =	shalt  }
0x59: {  	_ =	shalt  }
0x5a: {  	_ =	shalt  }
0x5b: {  	_ =	shalt  }
0x5c: {  	_ =	shalt  }
0x5d: {  	_ =	shalt  }
0x5e: {  	_ =	shalt  }
0x5f: {  	_ =	shalt  }
0x60: {  	_ =	shalt  }
0x61: {  	_ =	shalt  }
0x62: {  	_ =	shalt  }
0x63: {  	_ =	shalt  }
0x64: {  	_ =	shalt  }
0x65: {  	_ =	shalt  }
0x66: {  	_ =	shalt  }
0x67: {  	_ =	shalt  }
0x68: {  	_ =	shalt  }
0x69: {  	_ =	shalt  }
0x6a: {  	_ =	shalt  }
0x6b: {  	_ =	shalt  }
0x6c: {  	_ =	shalt  }
0x6d: {  	_ =	shalt  }
0x6e: {  	_ =	shalt  }
0x6f: {  	_ =	shalt  }
0x70: {  	_ =	shalt  }
0x71: {  	_ =	shalt  }
0x72: {  	_ =	shalt  }
0x73: {  	_ =	shalt  }
0x74: {  	_ =	shalt  }
0x75: {  	_ =	shalt  }
0x76: {  	_ =	shalt  }
0x77: {  	_ =	shalt  }
0x78: {  	_ =	shalt  }
0x79: {  	_ =	shalt  }
0x7a: {  	_ =	shalt  }
0x7b: {  	_ =	shalt  }
0x7c: {  	_ =	shalt  }
0x7d: {  	_ =	shalt  }
0x7e: {  	_ =	shalt  }
0x7f: {  	_ =	shalt  }
0x80: {  	_ =	shalt  }
0x81: {  	_ =	shalt  }
0x82: {  	_ =	shalt  }
0x83: {  	_ =	shalt  }
0x84: {  	_ =	shalt  }
0x85: {  	_ =	shalt  }
0x86: {  	_ =	shalt  }
0x87: {  	_ =	shalt  }
.Lfunc_end0:
.L_simem_size_0:
called_computation_lowered:
.L_overlay_start_0:
0x88: {  	s2 =	sld [smem:$0x3FD9]  }
0x89: {  	s3 =	sld [smem:$0x3FFE];
	_ =	sdelay $0x1  }
0x8a: {  	s1 =	srdreg.scid  }
0x8b: {  	s0 =	sand.u32 $0x1, s1  }
0x8c: {  	s17 =	sshll.u32 s0, $0xA;
	s2 =	sadd.s32 s3, s2  }
0x8d: {  	s2 =	sadd.s32 s2, s17  }
0x8e: {  	[smem:$0x3FC5] =	sst s2  }
0x8f: {  	_ = 	snop  }
0x90: {  	s2 =	sld [smem:$0x3FC8]  }
0x91: {  	s18 =	sld [smem:$0x3FC7]  }
0x92: {  	s4 =	sld [smem:$0x3FD0];
	(tm) =	ssettm $0x1  }
0x93: {  	s5 =	sld [smem:$0x3FFB];
	_ =	sdelay $0x3  }
0x94: {  	_ =	strace s5  }
0x95: {  	s5 =	sld [smem:$0x3FFC];
	_ =	sdelay $0x3  }
0x96: {  	_ =	strace s5  }
0x97: {  	s5 =	sld [smem:$0x3FFD];
	_ =	sdelay $0x3  }
0x98: {  	_ =	strace s5  }
0x99: {  	_ =	strace $0x8FFFFFFF  }
0x9a: {  	s19 =	sld [smem:$0x3FDB];
	_ =	sdelay $0x1  }
0x9b: {  	s6 =	simm.s32 $_scs_section_size  }
0x9c: {  	s7 =	simm.s32 $_size__tile_overlayer_lowered;
	s8 =	simm.s32 $_tile_overlayer_lowered  }
0x9d: {  	s22 =	simm.s32 $0x1BFF;
	s21 =	sshll.u32 s8, $0x1;
	s5 =	sadd.s32 s6, s19  }
0x9e: {  	s9 =	simm.s32 $0x0;
	s20 =	sshll.u32 s7, $0x1;
	s7 =	sadd.s32 s21, s5  }
0x9f: {  	[timem:s9], [sflag:s22] =	dma.local [hbm:s7], s20  }
0xa0: {  	_ =	swait.ge [sflag:s22], s20  }
0xa1: {  	s6 =	ssub.s32 $0x0, s20;
	[sflag:s22] =	ssyncset.done $0x0  }
0xa2: {  	[sflag:s22] =	ssyncadd.s32 s6;
	_ =	sdelay $0x1  }
0xa3: {  	s23 =	simm.s32 $0x1B8B  }
0xa4: {  	_ =	swait.ge [sflag:s23], $0x1  }
0xa5: {  	[sflag:s23] =	ssyncset.done $0x0  }
0xa6: {  	s25 =	simm.s32 $0x1B8E;
	s24 =	sld [smem:$0x3FFE];
	[sflag:s23] =	ssyncadd.s32 $0xFFFFFFFF  }
0xa7: {  	s26 =	simm.s32 $execute0_lowered;
	[smem:$0x3FD2] =	sst s25  }
0xa8: {  	s7 =	sshll.u32 s26, $0x1;
	_ =	strace $0x80000046;
	[dreg:$0x1] =	wrdreg $0xFFFFFFFF  }
0xa9: {  	s28 =	simm.s32 $_size_execute0_lowered;
	s5 =	sadd.s32 s5, s7;
	[dreg:$0x0] =	wrdreg $0x0  }
0xaa: {  	s7 =	sshll.u32 s28, $0x1;
	[dreg:$0x2] =	wrdreg s5  }
0xab: {  	[dreg:$0x3] =	wrdreg s7  }
0xac: {  	[dreg:$0x4] =	wrdreg $0xC0  }
0xad: {  	_ =	task [dreg:s9], $0x5FFFF  }
0xae: {  	[dreg:$0x1] =	wrdreg $0xFFFFFFFF  }
0xaf: {  	[dreg:$0x0] =	wrdreg $0x60  }
0xb0: {  	[dreg:$0x2] =	wrdreg s24  }
0xb1: {  	[dreg:$0x3] =	wrdreg s2  }
0xb2: {  	[dreg:$0x4] =	wrdreg s18  }
0xb3: {  	[dreg:$0x5] =	wrdreg s4  }
0xb4: {  	[dreg:$0x6] =	wrdreg $0x9  }
0xb5: {  	_ =	task.clear_ibuf [dreg:s9], $0x7FFFF;
	_ =	strace $0x90000046  }
0xb6: {  	s29 =	simm.s32 $0x9;
	_ =	strace $0x80000048  }
0xb7: {  	_ =	swait.ge [sflag:s29], $0x1  }
0xb8: {  	[sflag:s29] =	ssyncadd.s32 $0xFFFFFFFF  }
0xb9: {  	_ =	strace $0x90000048  }
0xba: {  	_ =	sfence  }
0xbb: {  	s30 =	sld [smem:$0x0];
	_ =	sdelay $0x2  }
0xbc: {  	s31 =	sshll.u32 s1, $0xD;
	s1 =	sshrl.u32 s1, $0x2  }
0xbd: {  	s3 =	sand.u32 $0x4000, s31;
	s1 =	sadd.s32 s1, s30  }
0xbe: {  	s0 =	sor.u32 s3, s0;
	s1 =	sshll.u32 s1, $0x11  }
0xbf: {  	s0 =	sor.u32 s1, s0  }
0xc0: {  	s0 =	sadd.s32 $0x8F2B, s0  }
0xc1: {  	[sflag:s0] =	ssyncadd.remote.s32 $0x1  }
0xc2: {  	_ =	sfence.sel $0xFFFF  }
0xc3: {  	[dreg:$0x0] =	wrdreg $0xFFFFFFFF;
	(pc) =	sbr.abs _section_cstart, $3  }
0xc4: {  	[dreg:$0x1] =	wrdreg $0xFFFFFFFF  }
0xc5: {  	_ =	task.clear_ibuf [dreg:s9], $0x2FFFF;
	_ =	strace $0x9FFFFFFF  }
0xc6: {  	(tm) =	ssettm $0x7FFFFFFF  }
0xc7: {  	_ =	shalt  }
tec
execute0_lowered:
.L_overlay_start_1:
0x0: {  	(tag) =	ssettag $0x1  }
0x1: {  	s0 =	rddreg [dreg:$0x0]  }
0x2: {  	s1 =	rddreg [dreg:$0x1];
	s2 =	srdreg.scid  }
0x3: {  	s3 =	stileid.u32;
	s4 =	rddreg [dreg:$0x3];
	s5 =	simm.s32 $0x0  }
0x4: {  	s17 =	simm.s32 $0x9;
	s18 =	simm.s32 $0xC8;
	s19 =	simm.s32 $0x400  }
0x5: {  	s21 =	simm.s32 $0x6800;
	s22 =	simm.s32 $0x1;
	s23 =	simm.s32 $0x2  }
0x6: {  	s24 =	simm.s32 $0x200;
	s28 =	simm.s32 $0x13000;
	s29 =	simm.s32 $0x3  }
0x7: {  	s30 =	simm.s32 $0x4;
	s2 =	sand.u32 $0x1, s2;
	s3 =	sshll.u32 s3, $0x1  }
0x8: {  	s16 =	simm.s32 $0x0;
	[smem:$0x7FF] =	sst s5;
	s3 =	sor.u32 s2, s3  }
0x9: {  	s7 =	sadd.s32 $0x400, s0;
	s25 =	ssub.s32 $0x2, s2;
	s6 =	smul.u32 $0x1900, s3  }
0xa: {  	_ =	strace $0x80000047;
	s31 =	sshrl.u32 s25, $0x1;
	s3 =	simm.s32 $0x8  }
0xb: {  	s0 =	ssub.s32 s25, s31;
	s25 =	simm.s32 $0xCC00;
	s26 =	sshrl.u32 s6, $0x3  }
0xc: {  	s10 =	sadd.s32 $0x190, s6;
	s11 =	sadd.s32 $0x258, s6;
	s0 =	smax.u32 s0, $0x1  }
0xd: {  	s12 =	sor.u32 $0xC8, s6;
	s2 =	sadd.s32 s7, s26;
	[dreg:$0x7] =	wrdreg s0  }
0xe: {  	s13 =	sadd.s32 $0x320, s6;
	[dreg:$0x5] =	wrdreg s2;
	s2 =	sadd.s32 $0x19, s2  }
0xf: {  	s14 =	sadd.s32 $0x3E8, s6;
	s26 =	simm.s32 $0x300;
	[dreg:$0x6] =	wrdreg s2  }
.LBB2_1:
0x10: {  	s0 =	rddreg [dreg:$0x2];
	s2 =	simm.s32 $0x19400  }
0x11: {  	[tilespmem:s2], [sflag:$0x9] =	stream.linear.gather [hbm4b:s0+s5], $0x6400, $0x38;
	[tilespmem:$0x1F800] =	vst v63  }
0x12: {  	_ =	swait.ge [sflag:s17], $0x6400  }
0x13: {  	[sflag:s17] =	ssyncset.done $0x0  }
0x14: {  	s15 =	rddreg [dreg:$0x5];
	[sflag:s17] =	ssyncadd.s32 $0xFFFF9C00  }
0x15: {  	[tilespmem:s5], [sflag:$0x9] =	stream.linear.gather [hbm4b:s15+s5], $0xC8, $0x38;
	[tilespmem:$0x1F800] =	vst v63  }
0x16: {  	_ =	swait.ge [sflag:s17], $0xC8  }
0x17: {  	[sflag:s17] =	ssyncset.done $0x0  }
0x18: {  	[sflag:s17] =	ssyncadd.s32 $0xFFFFFF38  }
0x19: {  	[tilespmem:s19], [sflag:$0x1] =	stream.indirect.gather [hbm4b:s1+s18], $0x80, s5, s18, $0xb8;
	[tilespmem:$0x1F800] =	vst v63  }
0x1a: {  	s31 =	simm.s32 $0x100;
	s20 =	rddreg [dreg:$0x6]  }
0x1b: {  	[tilespmem:s31], [sflag:$0x9] =	stream.linear.gather [hbm4b:s20+s5], $0xC8, $0x38;
	[tilespmem:$0x1F800] =	vst v63  }
0x1c: {  	_ =	swait.ge [sflag:s17], $0xC8  }
0x1d: {  	[sflag:s17] =	ssyncset.done $0x0  }
0x1e: {  	s20 =	simm.s32 $0x0;
	[sflag:s17] =	ssyncadd.s32 $0xFFFFFF38  }
0x1f: {  	[tilespmem:s21], [sflag:$0x2] =	stream.indirect.gather [hbm4b:s1+s18], $0x80, s31, s18, $0xb8;
	[tilespmem:$0x1F800] =	vst v63  }
.LBB2_2:
0x20: {  	_ =	swait.ge [sflag:s22], $0x6400  }
0x21: {  	[sflag:s22] =	ssyncset.done $0x0  }
0x22: {  	[sflag:s22] =	ssyncadd.s32 $0xFFFF9C00  }
0x23: {  	_ =	swait.ge [sflag:s23], $0x6400  }
0x24: {  	[sflag:s23] =	ssyncset.done $0x0  }
0x25: {  	s8 =	simm.s32 $0x0;
	[sflag:s23] =	ssyncadd.s32 $0xFFFF9C00  }
0x26: {  	v1 =	vld [tilespmem:s8+$0x6870]  }
0x27: {  	v2 =	vld [tilespmem:s8+$0x400]  }
0x28: {  	v0 =	vld [tilespmem:s8+$0x19470]  }
0x29: {  	v3 =	vld [tilespmem:s8+$0x6800]  }
0x2a: {  	v4 =	vld [tilespmem:s8+$0x410]  }
0x2b: {  	v5 =	vld [tilespmem:s8+$0x6810]  }
0x2c: {  	v6 =	vld [tilespmem:s8+$0x420]  }
0x2d: {  	v7 =	vld [tilespmem:s8+$0x6820]  }
0x2e: {  	v9 =	vld [tilespmem:s8+$0x430]  }
0x2f: {  	v10 =	vld [tilespmem:s8+$0x6830]  }
0x30: {  	v11 =	vld [tilespmem:s8+$0x6840]  }
0x31: {  	v12 =	vld [tilespmem:s8+$0x450]  }
0x32: {  	v13 =	vld [tilespmem:s8+$0x6850]  }
0x33: {  	v14 =	vld [tilespmem:s8+$0x460]  }
0x34: {  	v18 =	vld [tilespmem:s8+$0x6860];
	v1 =	vmul.f32 $8.838834610e-02, v1  }
0x35: {  	v22 =	vld [tilespmem:s8+$0x470]  }
0x36: {  	v24 =	vld [tilespmem:s8+$0x19400];
	v17 =	vmul.f32 $8.838834610e-02, v2;
	v19 =	vmul.f32 $8.838834610e-02, v3;
	v1 =	vadd.f32 v1, v0  }
0x37: {  	v25 =	vld [tilespmem:s8+$0x19410];
	v21 =	vmul.f32 $8.838834610e-02, v4;
	v23 =	vmul.f32 $8.838834610e-02, v5  }
0x38: {  	v3 =	vmul.f32 $8.838834610e-02, v6;
	v8 =	vmul.f32 $8.838834610e-02, v7;
	[tilespmem:s8+$0x6870] =	vst v1;
	v1 =	vld [tilespmem:s8+$0x440]  }
0x39: {  	v16 =	vld [tilespmem:s8+$0x19420];
	v4 =	vmul.f32 $8.838834610e-02, v9;
	v9 =	vmul.f32 $8.838834610e-02, v10  }
0x3a: {  	v15 =	vld [tilespmem:s8+$0x19430];
	v11 =	vmul.f32 $8.838834610e-02, v11;
	v7 =	vmul.f32 $8.838834610e-02, v12  }
0x3b: {  	v10 =	vmul.f32 $8.838834610e-02, v13;
	v2 =	vmul.f32 $8.838834610e-02, v14;
	v14 =	vld [tilespmem:s8+$0x19440];
	v20 =	vadd.f32 v17, v24  }
0x3c: {  	v6 =	vmul.f32 $8.838834610e-02, v18;
	v12 =	vld [tilespmem:s8+$0x19450];
	v18 =	vadd.f32 v19, v24;
	v19 =	vadd.f32 v21, v25  }
0x3d: {  	s9 =	simm.s32 $0x80;
	s2 =	simm.s32 $0x400;
	v13 =	vld [tilespmem:s8+$0x19460];
	v17 =	vadd.f32 v23, v25;
	v5 =	vmul.f32 $8.838834610e-02, v1;
	v1 =	vmul.f32 $8.838834610e-02, v22  }
.LBB2_3:
0x3e: {  	p0 =	sne.s32 s2, $0x7E00;
	v21 =	vld [tilespmem:s9+$0x6870];
	[tilespmem:s8+$0x400] =	vst v20;
	v3 =	vadd.f32 v3, v16;
	v8 =	vadd.f32 v8, v16  }
0x3f: {  	v16 =	vld [tilespmem:s9+$0x400];
	[tilespmem:s8+$0x6800] =	vst v18;
	v4 =	vadd.f32 v4, v15;
	v9 =	vadd.f32 v9, v15  }
0x40: {  	v15 =	vld [tilespmem:s9+$0x19470];
	[tilespmem:s8+$0x410] =	vst v19;
	v5 =	vadd.f32 v5, v14;
	v11 =	vadd.f32 v11, v14  }
0x41: {  	v14 =	vld [tilespmem:s9+$0x6800];
	[tilespmem:s8+$0x6810] =	vst v17;
	v7 =	vadd.f32 v7, v12;
	v10 =	vadd.f32 v10, v12  }
0x42: {  	v12 =	vld [tilespmem:s9+$0x410];
	[tilespmem:s8+$0x420] =	vst v3;
	v2 =	vadd.f32 v2, v13;
	v6 =	vadd.f32 v6, v13  }
0x43: {  	v1 =	vadd.f32 v1, v0;
	v3 =	vld [tilespmem:s9+$0x6810];
	v13 =	vmul.f32 $8.838834610e-02, v21;
	[tilespmem:s8+$0x6820] =	vst v8  }
0x44: {  	v17 =	vmul.f32 $8.838834610e-02, v16;
	v8 =	vld [tilespmem:s9+$0x420];
	[tilespmem:s8+$0x430] =	vst v4  }
0x45: {  	v4 =	vld [tilespmem:s9+$0x6820];
	v13 =	vadd.f32 v13, v15;
	[tilespmem:s8+$0x6830] =	vst v9;
	v0 =	vmov v15  }
0x46: {  	v18 =	vmul.f32 $8.838834610e-02, v14;
	v9 =	vld [tilespmem:s9+$0x430];
	[tilespmem:s8+$0x440] =	vst v5  }
0x47: {  	v19 =	vmul.f32 $8.838834610e-02, v12;
	v5 =	vld [tilespmem:s9+$0x6830];
	[tilespmem:s9+$0x6870] =	vst v13  }
0x48: {  	v13 =	vmul.f32 $8.838834610e-02, v3;
	v12 =	vld [tilespmem:s9+$0x440];
	[tilespmem:s8+$0x6840] =	vst v11  }
0x49: {  	v3 =	vmul.f32 $8.838834610e-02, v8;
	v11 =	vld [tilespmem:s9+$0x6840];
	[tilespmem:s8+$0x450] =	vst v7  }
0x4a: {  	v8 =	vmul.f32 $8.838834610e-02, v4;
	v7 =	vld [tilespmem:s9+$0x450];
	[tilespmem:s8+$0x6850] =	vst v10  }
0x4b: {  	v4 =	vmul.f32 $8.838834610e-02, v9;
	v10 =	vld [tilespmem:s9+$0x6850];
	[tilespmem:s8+$0x460] =	vst v2  }
0x4c: {  	v9 =	vmul.f32 $8.838834610e-02, v5;
	v2 =	vld [tilespmem:s9+$0x460];
	[tilespmem:s8+$0x6860] =	vst v6  }
0x4d: {  	v5 =	vmul.f32 $8.838834610e-02, v12;
	v6 =	vld [tilespmem:s9+$0x6860];
	[tilespmem:s8+$0x470] =	vst v1;
	s8 =	smov.u32 s9  }
0x4e: {  	v11 =	vmul.f32 $8.838834610e-02, v11;
	v1 =	vld [tilespmem:s8+$0x470]  }
0x4f: {  	v12 =	vld [tilespmem:s8+$0x19400];
	v7 =	vmul.f32 $8.838834610e-02, v7  }
0x50: {  	v21 =	vld [tilespmem:s8+$0x19410];
	v10 =	vmul.f32 $8.838834610e-02, v10  }
.Ltmp0:
0x51: {  	v16 =	vld [tilespmem:s8+$0x19420];
	v2 =	vmul.f32 $8.838834610e-02, v2;
	(pc) =	sbr.rel @p0 .LBB2_3-.Ltmp0, $4  }
0x52: {  	v15 =	vld [tilespmem:s8+$0x19430];
	v6 =	vmul.f32 $8.838834610e-02, v6  }
0x53: {  	v14 =	vld [tilespmem:s8+$0x19440];
	v1 =	vmul.f32 $8.838834610e-02, v1  }
0x54: {  	v20 =	vadd.f32 v17, v12;
	v18 =	vadd.f32 v18, v12;
	v12 =	vld [tilespmem:s8+$0x19450]  }
0x55: {  	s9 =	sshra.s32 s2, $0x2;
	s2 =	sadd.s32 $0x200, s2;
	v19 =	vadd.f32 v19, v21;
	v17 =	vadd.f32 v13, v21;
	v13 =	vld [tilespmem:s8+$0x19460]  }
0x56: {  	v21 =	vld [tilespmem:s9+$0x6870]  }
0x57: {  	v22 =	vld [tilespmem:s9+$0x400]  }
0x58: {  	v23 =	vld [tilespmem:s9+$0x19470];
	[tilespmem:s8+$0x400] =	vst v20  }
0x59: {  	v24 =	vld [tilespmem:s9+$0x6800];
	[tilespmem:s8+$0x6800] =	vst v18  }
0x5a: {  	v25 =	vld [tilespmem:s9+$0x410];
	v3 =	vadd.f32 v3, v16;
	[tilespmem:s8+$0x410] =	vst v19  }
0x5b: {  	v26 =	vld [tilespmem:s9+$0x6810];
	v8 =	vadd.f32 v8, v16;
	[tilespmem:s8+$0x6810] =	vst v17  }
0x5c: {  	v27 =	vld [tilespmem:s9+$0x420];
	v0 =	vadd.f32 v1, v0;
	[tilespmem:s8+$0x420] =	vst v3  }
0x5d: {  	v28 =	vld [tilespmem:s9+$0x6820];
	v4 =	vadd.f32 v4, v15;
	[tilespmem:s8+$0x6820] =	vst v8  }
0x5e: {  	v29 =	vld [tilespmem:s9+$0x430];
	v9 =	vadd.f32 v9, v15;
	[tilespmem:s8+$0x470] =	vst v0  }
0x5f: {  	v20 =	vld [tilespmem:s9+$0x6830];
	v5 =	vadd.f32 v5, v14;
	[tilespmem:s8+$0x430] =	vst v4  }
0x60: {  	v18 =	vld [tilespmem:s9+$0x440];
	v11 =	vadd.f32 v11, v14;
	[tilespmem:s8+$0x6830] =	vst v9  }
0x61: {  	v7 =	vadd.f32 v7, v12;
	[tilespmem:s8+$0x440] =	vst v5;
	v5 =	vld [tilespmem:s9+$0x19400]  }
0x62: {  	v16 =	vld [tilespmem:s9+$0x450];
	v10 =	vadd.f32 v10, v12;
	[tilespmem:s8+$0x6840] =	vst v11  }
0x63: {  	v11 =	vld [tilespmem:s9+$0x19410];
	v2 =	vadd.f32 v2, v13;
	v21 =	vmul.f32 $8.838834610e-02, v21;
	[tilespmem:s8+$0x450] =	vst v7  }
0x64: {  	v19 =	vld [tilespmem:s9+$0x6840];
	v6 =	vadd.f32 v6, v13;
	v12 =	vmul.f32 $8.838834610e-02, v22;
	[tilespmem:s8+$0x6850] =	vst v10  }
0x65: {  	v7 =	vld [tilespmem:s9+$0x19420];
	v1 =	vmul.f32 $8.838834610e-02, v24;
	[tilespmem:s8+$0x460] =	vst v2;
	v21 =	vadd.f32 v21, v23  }
0x66: {  	v3 =	vld [tilespmem:s9+$0x6850];
	v13 =	vmul.f32 $8.838834610e-02, v25;
	[tilespmem:s8+$0x6860] =	vst v6;
	v6 =	vadd.f32 v12, v5  }
0x67: {  	v10 =	vld [tilespmem:s9+$0x19430];
	v0 =	vmul.f32 $8.838834610e-02, v26;
	[tilespmem:s9+$0x6870] =	vst v21;
	v1 =	vadd.f32 v1, v5  }
0x68: {  	v8 =	vld [tilespmem:s9+$0x460];
	v14 =	vmul.f32 $8.838834610e-02, v27;
	v13 =	vadd.f32 v13, v11;
	[tilespmem:s9+$0x400] =	vst v6  }
0x69: {  	v2 =	vld [tilespmem:s9+$0x19440];
	v0 =	vadd.f32 v0, v11;
	v6 =	vmul.f32 $8.838834610e-02, v28;
	[tilespmem:s9+$0x6800] =	vst v1  }
0x6a: {  	v4 =	vld [tilespmem:s9+$0x6860];
	v11 =	vadd.f32 v14, v7;
	v1 =	vmul.f32 $8.838834610e-02, v29;
	[tilespmem:s9+$0x410] =	vst v13  }
0x6b: {  	v12 =	vld [tilespmem:s9+$0x19450];
	v13 =	vmul.f32 $8.838834610e-02, v20;
	[tilespmem:s9+$0x6810] =	vst v0;
	v6 =	vadd.f32 v6, v7  }
0x6c: {  	v9 =	vld [tilespmem:s9+$0x470];
	v0 =	vmul.f32 $8.838834610e-02, v18;
	[tilespmem:s9+$0x420] =	vst v11;
	v1 =	vadd.f32 v1, v10  }
0x6d: {  	v5 =	vld [tilespmem:s9+$0x19460];
	v7 =	vmul.f32 $8.838834610e-02, v19;
	v10 =	vadd.f32 v13, v10;
	[tilespmem:s9+$0x6820] =	vst v6  }
0x6e: {  	v0 =	vadd.f32 v0, v2;
	v6 =	vmul.f32 $8.838834610e-02, v16;
	[tilespmem:s9+$0x430] =	vst v1  }
0x6f: {  	v1 =	vmul.f32 $8.838834610e-02, v3;
	v2 =	vadd.f32 v7, v2;
	[tilespmem:s9+$0x6830] =	vst v10  }
0x70: {  	v3 =	vmul.f32 $8.838834610e-02, v8;
	[tilespmem:s9+$0x440] =	vst v0;
	v6 =	vadd.f32 v6, v12  }
0x71: {  	v0 =	vmul.f32 $8.838834610e-02, v4;
	v1 =	vadd.f32 v1, v12;
	[tilespmem:s9+$0x6840] =	vst v2  }
0x72: {  	v2 =	vmul.f32 $8.838834610e-02, v9;
	v3 =	vadd.f32 v3, v5;
	[tilespmem:s9+$0x450] =	vst v6  }
0x73: {  	v0 =	vadd.f32 v0, v5;
	[tilespmem:s9+$0x6850] =	vst v1  }
0x74: {  	v1 =	vadd.f32 v2, v23;
	[tilespmem:s9+$0x460] =	vst v3  }
0x75: {  	p0 =	seq.s32 s20, $0x0;
	s15 =	smul.u32 $0x320, s20;
	[tilespmem:s9+$0x6860] =	vst v0  }
0x76: {  	s0 =	simm.s32 @!p0 $0x7;
	[tilespmem:s9+$0x470] =	vst v1  }
0x77: {  	s9 =	sadd.s32 s15, s10;
	_ =	swait.ge @!p0 [sflag:s0], $0x6400  }
0x78: {  	s2 =	sshrl.u32 s9, $0x3;
	[sflag:s0] =	ssyncset.done @!p0 $0x0  }
0x79: {  	s8 =	simm.s32 $0x0;
	s2 =	sadd.s32 s7, s2;
	[sflag:s0] =	ssyncadd.s32 @!p0 $0xFFFF9C00  }
0x7a: {  	[tilespmem:s24], [sflag:$0x9] =	stream.linear.gather [hbm4b:s2+s8], $0xC8, $0x38;
	[tilespmem:$0x1F800] =	vst v63  }
0x7b: {  	_ =	swait.ge [sflag:s17], $0xC8  }
0x7c: {  	[sflag:s17] =	ssyncset.done $0x0  }
0x7d: {  	s8 =	simm.s32 $0x0;
	[sflag:s17] =	ssyncadd.s32 $0xFFFFFF38  }
0x7e: {  	[tilespmem:s25], [sflag:$0x3] =	stream.indirect.gather [hbm4b:s1+s18], $0x80, s24, s18, $0xb8;
	[tilespmem:$0x1F800] =	vst v63  }
0x7f: {  	v1 =	vld [tilespmem:s8+$0x8870]  }
0x80: {  	v2 =	vld [tilespmem:s8+$0x2400]  }
0x81: {  	v0 =	vld [tilespmem:s8+$0x1B470]  }
0x82: {  	v3 =	vld [tilespmem:s8+$0x8800]  }
0x83: {  	v4 =	vld [tilespmem:s8+$0x2410]  }
0x84: {  	v5 =	vld [tilespmem:s8+$0x8810]  }
0x85: {  	v6 =	vld [tilespmem:s8+$0x2420]  }
0x86: {  	v7 =	vld [tilespmem:s8+$0x8820]  }
0x87: {  	v9 =	vld [tilespmem:s8+$0x2430]  }
0x88: {  	v10 =	vld [tilespmem:s8+$0x8830]  }
0x89: {  	v11 =	vld [tilespmem:s8+$0x8840]  }
0x8a: {  	v12 =	vld [tilespmem:s8+$0x2450]  }
0x8b: {  	v13 =	vld [tilespmem:s8+$0x8850]  }
0x8c: {  	v14 =	vld [tilespmem:s8+$0x2460]  }
0x8d: {  	v18 =	vld [tilespmem:s8+$0x8860];
	v1 =	vmul.f32 $8.838834610e-02, v1  }
0x8e: {  	v22 =	vld [tilespmem:s8+$0x2470]  }
0x8f: {  	v62 =	vld [tilespmem:s8+$0x1B400];
	v17 =	vmul.f32 $8.838834610e-02, v2;
	v19 =	vmul.f32 $8.838834610e-02, v3;
	v1 =	vadd.f32 v1, v0  }
0x90: {  	v63 =	vld [tilespmem:s8+$0x1B410];
	v21 =	vmul.f32 $8.838834610e-02, v4;
	v23 =	vmul.f32 $8.838834610e-02, v5  }
0x91: {  	v3 =	vmul.f32 $8.838834610e-02, v6;
	v8 =	vmul.f32 $8.838834610e-02, v7;
	[tilespmem:s8+$0x8870] =	vst v1;
	v1 =	vld [tilespmem:s8+$0x2440]  }
0x92: {  	v16 =	vld [tilespmem:s8+$0x1B420];
	v4 =	vmul.f32 $8.838834610e-02, v9;
	v9 =	vmul.f32 $8.838834610e-02, v10  }
0x93: {  	v15 =	vld [tilespmem:s8+$0x1B430];
	v11 =	vmul.f32 $8.838834610e-02, v11;
	v7 =	vmul.f32 $8.838834610e-02, v12  }
0x94: {  	v10 =	vmul.f32 $8.838834610e-02, v13;
	v2 =	vmul.f32 $8.838834610e-02, v14;
	v14 =	vld [tilespmem:s8+$0x1B440];
	v20 =	vadd.f32 v17, v62  }
0x95: {  	v6 =	vmul.f32 $8.838834610e-02, v18;
	v12 =	vld [tilespmem:s8+$0x1B450];
	v18 =	vadd.f32 v19, v62;
	v19 =	vadd.f32 v21, v63  }
0x96: {  	s31 =	simm.s32 $0x400;
	s2 =	simm.s32 $0x80;
	v13 =	vld [tilespmem:s8+$0x1B460];
	v17 =	vadd.f32 v23, v63;
	v5 =	vmul.f32 $8.838834610e-02, v1;
	v1 =	vmul.f32 $8.838834610e-02, v22  }
.LBB2_5:
0x97: {  	p1 =	sne.s32 s31, $0x7E00;
	v21 =	vld [tilespmem:s2+$0x8870];
	[tilespmem:s8+$0x2400] =	vst v20;
	v3 =	vadd.f32 v3, v16;
	v8 =	vadd.f32 v8, v16  }
0x98: {  	v16 =	vld [tilespmem:s2+$0x2400];
	[tilespmem:s8+$0x8800] =	vst v18;
	v4 =	vadd.f32 v4, v15;
	v9 =	vadd.f32 v9, v15  }
0x99: {  	v15 =	vld [tilespmem:s2+$0x1B470];
	[tilespmem:s8+$0x2410] =	vst v19;
	v5 =	vadd.f32 v5, v14;
	v11 =	vadd.f32 v11, v14  }
0x9a: {  	v14 =	vld [tilespmem:s2+$0x8800];
	[tilespmem:s8+$0x8810] =	vst v17;
	v7 =	vadd.f32 v7, v12;
	v10 =	vadd.f32 v10, v12  }
0x9b: {  	v12 =	vld [tilespmem:s2+$0x2410];
	[tilespmem:s8+$0x2420] =	vst v3;
	v2 =	vadd.f32 v2, v13;
	v6 =	vadd.f32 v6, v13  }
0x9c: {  	v1 =	vadd.f32 v1, v0;
	v3 =	vld [tilespmem:s2+$0x8810];
	v13 =	vmul.f32 $8.838834610e-02, v21;
	[tilespmem:s8+$0x8820] =	vst v8  }
0x9d: {  	v17 =	vmul.f32 $8.838834610e-02, v16;
	v8 =	vld [tilespmem:s2+$0x2420];
	[tilespmem:s8+$0x2430] =	vst v4  }
0x9e: {  	v4 =	vld [tilespmem:s2+$0x8820];
	v13 =	vadd.f32 v13, v15;
	[tilespmem:s8+$0x8830] =	vst v9;
	v0 =	vmov v15  }
0x9f: {  	v18 =	vmul.f32 $8.838834610e-02, v14;
	v9 =	vld [tilespmem:s2+$0x2430];
	[tilespmem:s8+$0x2440] =	vst v5  }
0xa0: {  	v19 =	vmul.f32 $8.838834610e-02, v12;
	v5 =	vld [tilespmem:s2+$0x8830];
	[tilespmem:s2+$0x8870] =	vst v13  }
0xa1: {  	v13 =	vmul.f32 $8.838834610e-02, v3;
	v12 =	vld [tilespmem:s2+$0x2440];
	[tilespmem:s8+$0x8840] =	vst v11  }
0xa2: {  	v3 =	vmul.f32 $8.838834610e-02, v8;
	v11 =	vld [tilespmem:s2+$0x8840];
	[tilespmem:s8+$0x2450] =	vst v7  }
0xa3: {  	v8 =	vmul.f32 $8.838834610e-02, v4;
	v7 =	vld [tilespmem:s2+$0x2450];
	[tilespmem:s8+$0x8850] =	vst v10  }
0xa4: {  	v4 =	vmul.f32 $8.838834610e-02, v9;
	v10 =	vld [tilespmem:s2+$0x8850];
	[tilespmem:s8+$0x2460] =	vst v2  }
0xa5: {  	v9 =	vmul.f32 $8.838834610e-02, v5;
	v2 =	vld [tilespmem:s2+$0x2460];
	[tilespmem:s8+$0x8860] =	vst v6  }
0xa6: {  	v5 =	vmul.f32 $8.838834610e-02, v12;
	v6 =	vld [tilespmem:s2+$0x8860];
	[tilespmem:s8+$0x2470] =	vst v1;
	s8 =	smov.u32 s2  }
0xa7: {  	v11 =	vmul.f32 $8.838834610e-02, v11;
	v1 =	vld [tilespmem:s8+$0x2470]  }
0xa8: {  	v12 =	vld [tilespmem:s8+$0x1B400];
	v7 =	vmul.f32 $8.838834610e-02, v7  }
0xa9: {  	v21 =	vld [tilespmem:s8+$0x1B410];
	v10 =	vmul.f32 $8.838834610e-02, v10  }
.Ltmp1:
0xaa: {  	v16 =	vld [tilespmem:s8+$0x1B420];
	v2 =	vmul.f32 $8.838834610e-02, v2;
	(pc) =	sbr.rel @p1 .LBB2_5-.Ltmp1, $4  }
0xab: {  	v15 =	vld [tilespmem:s8+$0x1B430];
	v6 =	vmul.f32 $8.838834610e-02, v6  }
0xac: {  	v14 =	vld [tilespmem:s8+$0x1B440];
	v1 =	vmul.f32 $8.838834610e-02, v1  }
0xad: {  	v20 =	vadd.f32 v17, v12;
	v18 =	vadd.f32 v18, v12;
	v12 =	vld [tilespmem:s8+$0x1B450]  }
0xae: {  	s2 =	sshra.s32 s31, $0x2;
	s31 =	sadd.s32 $0x200, s31;
	v19 =	vadd.f32 v19, v21;
	v17 =	vadd.f32 v13, v21;
	v13 =	vld [tilespmem:s8+$0x1B460]  }
0xaf: {  	v21 =	vld [tilespmem:s2+$0x8870]  }
0xb0: {  	v22 =	vld [tilespmem:s2+$0x2400]  }
0xb1: {  	v23 =	vld [tilespmem:s2+$0x1B470];
	[tilespmem:s8+$0x2400] =	vst v20  }
0xb2: {  	v24 =	vld [tilespmem:s2+$0x8800];
	[tilespmem:s8+$0x8800] =	vst v18  }
0xb3: {  	v25 =	vld [tilespmem:s2+$0x2410];
	v3 =	vadd.f32 v3, v16;
	[tilespmem:s8+$0x2410] =	vst v19  }
0xb4: {  	v26 =	vld [tilespmem:s2+$0x8810];
	v8 =	vadd.f32 v8, v16;
	[tilespmem:s8+$0x8810] =	vst v17  }
0xb5: {  	v27 =	vld [tilespmem:s2+$0x2420];
	v0 =	vadd.f32 v1, v0;
	[tilespmem:s8+$0x2420] =	vst v3  }
0xb6: {  	v28 =	vld [tilespmem:s2+$0x8820];
	v4 =	vadd.f32 v4, v15;
	[tilespmem:s8+$0x8820] =	vst v8  }
0xb7: {  	v29 =	vld [tilespmem:s2+$0x2430];
	v9 =	vadd.f32 v9, v15;
	[tilespmem:s8+$0x2470] =	vst v0  }
0xb8: {  	v20 =	vld [tilespmem:s2+$0x8830];
	v5 =	vadd.f32 v5, v14;
	[tilespmem:s8+$0x2430] =	vst v4  }
0xb9: {  	v18 =	vld [tilespmem:s2+$0x2440];
	v11 =	vadd.f32 v11, v14;
	[tilespmem:s8+$0x8830] =	vst v9  }
0xba: {  	v7 =	vadd.f32 v7, v12;
	[tilespmem:s8+$0x2440] =	vst v5;
	v5 =	vld [tilespmem:s2+$0x1B400]  }
0xbb: {  	v16 =	vld [tilespmem:s2+$0x2450];
	v10 =	vadd.f32 v10, v12;
	[tilespmem:s8+$0x8840] =	vst v11  }
0xbc: {  	v11 =	vld [tilespmem:s2+$0x1B410];
	v2 =	vadd.f32 v2, v13;
	v21 =	vmul.f32 $8.838834610e-02, v21;
	[tilespmem:s8+$0x2450] =	vst v7  }
0xbd: {  	v19 =	vld [tilespmem:s2+$0x8840];
	v6 =	vadd.f32 v6, v13;
	v12 =	vmul.f32 $8.838834610e-02, v22;
	[tilespmem:s8+$0x8850] =	vst v10  }
0xbe: {  	v7 =	vld [tilespmem:s2+$0x1B420];
	v1 =	vmul.f32 $8.838834610e-02, v24;
	[tilespmem:s8+$0x2460] =	vst v2;
	v21 =	vadd.f32 v21, v23  }
0xbf: {  	v3 =	vld [tilespmem:s2+$0x8850];
	v13 =	vmul.f32 $8.838834610e-02, v25;
	[tilespmem:s8+$0x8860] =	vst v6;
	v6 =	vadd.f32 v12, v5  }
0xc0: {  	v10 =	vld [tilespmem:s2+$0x1B430];
	v0 =	vmul.f32 $8.838834610e-02, v26;
	[tilespmem:s2+$0x8870] =	vst v21;
	v1 =	vadd.f32 v1, v5  }
0xc1: {  	v8 =	vld [tilespmem:s2+$0x2460];
	v14 =	vmul.f32 $8.838834610e-02, v27;
	v13 =	vadd.f32 v13, v11;
	[tilespmem:s2+$0x2400] =	vst v6  }
0xc2: {  	v2 =	vld [tilespmem:s2+$0x1B440];
	v0 =	vadd.f32 v0, v11;
	v6 =	vmul.f32 $8.838834610e-02, v28;
	[tilespmem:s2+$0x8800] =	vst v1  }
0xc3: {  	v4 =	vld [tilespmem:s2+$0x8860];
	v11 =	vadd.f32 v14, v7;
	v1 =	vmul.f32 $8.838834610e-02, v29;
	[tilespmem:s2+$0x2410] =	vst v13  }
0xc4: {  	v12 =	vld [tilespmem:s2+$0x1B450];
	v13 =	vmul.f32 $8.838834610e-02, v20;
	[tilespmem:s2+$0x8810] =	vst v0;
	v6 =	vadd.f32 v6, v7  }
0xc5: {  	v9 =	vld [tilespmem:s2+$0x2470];
	v0 =	vmul.f32 $8.838834610e-02, v18;
	[tilespmem:s2+$0x2420] =	vst v11;
	v1 =	vadd.f32 v1, v10  }
0xc6: {  	v5 =	vld [tilespmem:s2+$0x1B460];
	v7 =	vmul.f32 $8.838834610e-02, v19;
	v10 =	vadd.f32 v13, v10;
	[tilespmem:s2+$0x8820] =	vst v6  }
0xc7: {  	v0 =	vadd.f32 v0, v2;
	v6 =	vmul.f32 $8.838834610e-02, v16;
	[tilespmem:s2+$0x2430] =	vst v1  }
0xc8: {  	v1 =	vmul.f32 $8.838834610e-02, v3;
	v2 =	vadd.f32 v7, v2;
	[tilespmem:s2+$0x8830] =	vst v10  }
0xc9: {  	v3 =	vmul.f32 $8.838834610e-02, v8;
	[tilespmem:s2+$0x2440] =	vst v0;
	v6 =	vadd.f32 v6, v12  }
0xca: {  	v0 =	vmul.f32 $8.838834610e-02, v4;
	v1 =	vadd.f32 v1, v12;
	[tilespmem:s2+$0x8840] =	vst v2  }
0xcb: {  	v2 =	vmul.f32 $8.838834610e-02, v9;
	v3 =	vadd.f32 v3, v5;
	[tilespmem:s2+$0x2450] =	vst v6  }
0xcc: {  	v0 =	vadd.f32 v0, v5;
	[tilespmem:s2+$0x8850] =	vst v1  }
0xcd: {  	v1 =	vadd.f32 v2, v23;
	[tilespmem:s2+$0x2460] =	vst v3  }
0xce: {  	[tilespmem:s2+$0x8860] =	vst v0  }
0xcf: {  	s0 =	simm.s32 @!p0 $0x8;
	[tilespmem:s2+$0x2470] =	vst v1  }
0xd0: {  	s8 =	sadd.s32 s15, s11;
	_ =	swait.ge @!p0 [sflag:s0], $0x6400  }
0xd1: {  	s2 =	sshrl.u32 s8, $0x3;
	[sflag:s0] =	ssyncset.done @!p0 $0x0  }
0xd2: {  	[sflag:s0] =	ssyncadd.s32 @!p0 $0xFFFF9C00;
	s0 =	sadd.s32 s7, s2;
	s2 =	simm.s32 $0x0  }
0xd3: {  	[tilespmem:s26], [sflag:$0x9] =	stream.linear.gather [hbm4b:s0+s2], $0xC8, $0x38;
	[tilespmem:$0x1F800] =	vst v63  }
0xd4: {  	_ =	swait.ge [sflag:s17], $0xC8  }
0xd5: {  	[sflag:s17] =	ssyncset.done $0x0  }
0xd6: {  	s31 =	simm.s32 $0x0;
	[sflag:s17] =	ssyncadd.s32 $0xFFFFFF38  }
0xd7: {  	[tilespmem:s28], [sflag:$0x4] =	stream.indirect.gather [hbm4b:s1+s18], $0x80, s26, s18, $0xb8;
	[tilespmem:$0x1F800] =	vst v63  }
0xd8: {  	v1 =	vld [tilespmem:s31+$0xA870]  }
0xd9: {  	v2 =	vld [tilespmem:s31+$0x4400]  }
0xda: {  	v0 =	vld [tilespmem:s31+$0x1D470]  }
0xdb: {  	v3 =	vld [tilespmem:s31+$0xA800]  }
0xdc: {  	v4 =	vld [tilespmem:s31+$0x4410]  }
0xdd: {  	v5 =	vld [tilespmem:s31+$0xA810]  }
0xde: {  	v6 =	vld [tilespmem:s31+$0x4420]  }
0xdf: {  	v7 =	vld [tilespmem:s31+$0xA820]  }
0xe0: {  	v9 =	vld [tilespmem:s31+$0x4430]  }
0xe1: {  	v10 =	vld [tilespmem:s31+$0xA830]  }
0xe2: {  	v11 =	vld [tilespmem:s31+$0xA840]  }
0xe3: {  	v12 =	vld [tilespmem:s31+$0x4450]  }
0xe4: {  	v13 =	vld [tilespmem:s31+$0xA850]  }
0xe5: {  	v14 =	vld [tilespmem:s31+$0x4460]  }
0xe6: {  	v18 =	vld [tilespmem:s31+$0xA860];
	v1 =	vmul.f32 $8.838834610e-02, v1  }
0xe7: {  	v22 =	vld [tilespmem:s31+$0x4470]  }
0xe8: {  	v62 =	vld [tilespmem:s31+$0x1D400];
	v17 =	vmul.f32 $8.838834610e-02, v2;
	v19 =	vmul.f32 $8.838834610e-02, v3;
	v1 =	vadd.f32 v1, v0  }
0xe9: {  	v63 =	vld [tilespmem:s31+$0x1D410];
	v21 =	vmul.f32 $8.838834610e-02, v4;
	v23 =	vmul.f32 $8.838834610e-02, v5  }
0xea: {  	v3 =	vmul.f32 $8.838834610e-02, v6;
	v8 =	vmul.f32 $8.838834610e-02, v7;
	[tilespmem:s31+$0xA870] =	vst v1;
	v1 =	vld [tilespmem:s31+$0x4440]  }
0xeb: {  	v16 =	vld [tilespmem:s31+$0x1D420];
	v4 =	vmul.f32 $8.838834610e-02, v9;
	v9 =	vmul.f32 $8.838834610e-02, v10  }
0xec: {  	v15 =	vld [tilespmem:s31+$0x1D430];
	v11 =	vmul.f32 $8.838834610e-02, v11;
	v7 =	vmul.f32 $8.838834610e-02, v12  }
0xed: {  	v10 =	vmul.f32 $8.838834610e-02, v13;
	v2 =	vmul.f32 $8.838834610e-02, v14;
	v14 =	vld [tilespmem:s31+$0x1D440];
	v20 =	vadd.f32 v17, v62  }
0xee: {  	v6 =	vmul.f32 $8.838834610e-02, v18;
	v12 =	vld [tilespmem:s31+$0x1D450];
	v18 =	vadd.f32 v19, v62;
	v19 =	vadd.f32 v21, v63  }
0xef: {  	s2 =	simm.s32 $0x80;
	s0 =	simm.s32 $0x400;
	v13 =	vld [tilespmem:s31+$0x1D460];
	v17 =	vadd.f32 v23, v63;
	v5 =	vmul.f32 $8.838834610e-02, v1;
	v1 =	vmul.f32 $8.838834610e-02, v22  }
.LBB2_7:
0xf0: {  	p0 =	sne.s32 s0, $0x8E00;
	v21 =	vld [tilespmem:s2+$0xA870];
	[tilespmem:s31+$0x4400] =	vst v20;
	v3 =	vadd.f32 v3, v16;
	v8 =	vadd.f32 v8, v16  }
0xf1: {  	v16 =	vld [tilespmem:s2+$0x4400];
	[tilespmem:s31+$0xA800] =	vst v18;
	v4 =	vadd.f32 v4, v15;
	v9 =	vadd.f32 v9, v15  }
0xf2: {  	v15 =	vld [tilespmem:s2+$0x1D470];
	[tilespmem:s31+$0x4410] =	vst v19;
	v5 =	vadd.f32 v5, v14;
	v11 =	vadd.f32 v11, v14  }
0xf3: {  	v14 =	vld [tilespmem:s2+$0xA800];
	[tilespmem:s31+$0xA810] =	vst v17;
	v7 =	vadd.f32 v7, v12;
	v10 =	vadd.f32 v10, v12  }
0xf4: {  	v12 =	vld [tilespmem:s2+$0x4410];
	[tilespmem:s31+$0x4420] =	vst v3;
	v2 =	vadd.f32 v2, v13;
	v6 =	vadd.f32 v6, v13  }
0xf5: {  	v1 =	vadd.f32 v1, v0;
	v3 =	vld [tilespmem:s2+$0xA810];
	v13 =	vmul.f32 $8.838834610e-02, v21;
	[tilespmem:s31+$0xA820] =	vst v8  }
0xf6: {  	v17 =	vmul.f32 $8.838834610e-02, v16;
	v8 =	vld [tilespmem:s2+$0x4420];
	[tilespmem:s31+$0x4430] =	vst v4  }
0xf7: {  	v4 =	vld [tilespmem:s2+$0xA820];
	v13 =	vadd.f32 v13, v15;
	[tilespmem:s31+$0xA830] =	vst v9;
	v0 =	vmov v15  }
0xf8: {  	v18 =	vmul.f32 $8.838834610e-02, v14;
	v9 =	vld [tilespmem:s2+$0x4430];
	[tilespmem:s31+$0x4440] =	vst v5  }
0xf9: {  	v19 =	vmul.f32 $8.838834610e-02, v12;
	v5 =	vld [tilespmem:s2+$0xA830];
	[tilespmem:s2+$0xA870] =	vst v13  }
0xfa: {  	v13 =	vmul.f32 $8.838834610e-02, v3;
	v12 =	vld [tilespmem:s2+$0x4440];
	[tilespmem:s31+$0xA840] =	vst v11  }
0xfb: {  	v3 =	vmul.f32 $8.838834610e-02, v8;
	v11 =	vld [tilespmem:s2+$0xA840];
	[tilespmem:s31+$0x4450] =	vst v7  }
0xfc: {  	v8 =	vmul.f32 $8.838834610e-02, v4;
	v7 =	vld [tilespmem:s2+$0x4450];
	[tilespmem:s31+$0xA850] =	vst v10  }
0xfd: {  	v4 =	vmul.f32 $8.838834610e-02, v9;
	v10 =	vld [tilespmem:s2+$0xA850];
	[tilespmem:s31+$0x4460] =	vst v2  }
0xfe: {  	v9 =	vmul.f32 $8.838834610e-02, v5;
	v2 =	vld [tilespmem:s2+$0x4460];
	[tilespmem:s31+$0xA860] =	vst v6  }
0xff: {  	v5 =	vmul.f32 $8.838834610e-02, v12;
	v6 =	vld [tilespmem:s2+$0xA860];
	[tilespmem:s31+$0x4470] =	vst v1;
	s31 =	smov.u32 s2  }
0x100: {  	v11 =	vmul.f32 $8.838834610e-02, v11;
	v1 =	vld [tilespmem:s31+$0x4470]  }
0x101: {  	v12 =	vld [tilespmem:s31+$0x1D400];
	v7 =	vmul.f32 $8.838834610e-02, v7  }
0x102: {  	v21 =	vld [tilespmem:s31+$0x1D410];
	v10 =	vmul.f32 $8.838834610e-02, v10  }
.Ltmp2:
0x103: {  	v16 =	vld [tilespmem:s31+$0x1D420];
	v2 =	vmul.f32 $8.838834610e-02, v2;
	(pc) =	sbr.rel @p0 .LBB2_7-.Ltmp2, $4  }
0x104: {  	v15 =	vld [tilespmem:s31+$0x1D430];
	v6 =	vmul.f32 $8.838834610e-02, v6  }
0x105: {  	v14 =	vld [tilespmem:s31+$0x1D440];
	v1 =	vmul.f32 $8.838834610e-02, v1  }
0x106: {  	v20 =	vadd.f32 v17, v12;
	v18 =	vadd.f32 v18, v12;
	v12 =	vld [tilespmem:s31+$0x1D450]  }
0x107: {  	s2 =	sshra.s32 s0, $0x2;
	s0 =	sadd.s32 $0x200, s0;
	v19 =	vadd.f32 v19, v21;
	v17 =	vadd.f32 v13, v21;
	v13 =	vld [tilespmem:s31+$0x1D460]  }
0x108: {  	v21 =	vld [tilespmem:s2+$0xA870]  }
0x109: {  	v22 =	vld [tilespmem:s2+$0x4400]  }
0x10a: {  	v23 =	vld [tilespmem:s2+$0x1D470];
	[tilespmem:s31+$0x4400] =	vst v20  }
0x10b: {  	v24 =	vld [tilespmem:s2+$0xA800];
	[tilespmem:s31+$0xA800] =	vst v18  }
0x10c: {  	v25 =	vld [tilespmem:s2+$0x4410];
	v3 =	vadd.f32 v3, v16;
	[tilespmem:s31+$0x4410] =	vst v19  }
0x10d: {  	v26 =	vld [tilespmem:s2+$0xA810];
	v8 =	vadd.f32 v8, v16;
	[tilespmem:s31+$0xA810] =	vst v17  }
0x10e: {  	v27 =	vld [tilespmem:s2+$0x4420];
	v0 =	vadd.f32 v1, v0;
	[tilespmem:s31+$0x4420] =	vst v3  }
0x10f: {  	v28 =	vld [tilespmem:s2+$0xA820];
	v4 =	vadd.f32 v4, v15;
	[tilespmem:s31+$0xA820] =	vst v8  }
0x110: {  	v29 =	vld [tilespmem:s2+$0x4430];
	v9 =	vadd.f32 v9, v15;
	[tilespmem:s31+$0x4470] =	vst v0  }
0x111: {  	v20 =	vld [tilespmem:s2+$0xA830];
	v5 =	vadd.f32 v5, v14;
	[tilespmem:s31+$0x4430] =	vst v4  }
0x112: {  	v18 =	vld [tilespmem:s2+$0x4440];
	v11 =	vadd.f32 v11, v14;
	[tilespmem:s31+$0xA830] =	vst v9  }
0x113: {  	v7 =	vadd.f32 v7, v12;
	[tilespmem:s31+$0x4440] =	vst v5;
	v5 =	vld [tilespmem:s2+$0x1D400]  }
0x114: {  	v16 =	vld [tilespmem:s2+$0x4450];
	v10 =	vadd.f32 v10, v12;
	[tilespmem:s31+$0xA840] =	vst v11  }
0x115: {  	v11 =	vld [tilespmem:s2+$0x1D410];
	v2 =	vadd.f32 v2, v13;
	v21 =	vmul.f32 $8.838834610e-02, v21;
	[tilespmem:s31+$0x4450] =	vst v7  }
0x116: {  	v19 =	vld [tilespmem:s2+$0xA840];
	v6 =	vadd.f32 v6, v13;
	v12 =	vmul.f32 $8.838834610e-02, v22;
	[tilespmem:s31+$0xA850] =	vst v10  }
0x117: {  	v7 =	vld [tilespmem:s2+$0x1D420];
	v1 =	vmul.f32 $8.838834610e-02, v24;
	[tilespmem:s31+$0x4460] =	vst v2;
	v21 =	vadd.f32 v21, v23  }
0x118: {  	v3 =	vld [tilespmem:s2+$0xA850];
	v13 =	vmul.f32 $8.838834610e-02, v25;
	[tilespmem:s31+$0xA860] =	vst v6;
	v6 =	vadd.f32 v12, v5  }
0x119: {  	v10 =	vld [tilespmem:s2+$0x1D430];
	v0 =	vmul.f32 $8.838834610e-02, v26;
	[tilespmem:s2+$0xA870] =	vst v21;
	v1 =	vadd.f32 v1, v5  }
0x11a: {  	v8 =	vld [tilespmem:s2+$0x4460];
	v14 =	vmul.f32 $8.838834610e-02, v27;
	v13 =	vadd.f32 v13, v11;
	[tilespmem:s2+$0x4400] =	vst v6  }
0x11b: {  	v2 =	vld [tilespmem:s2+$0x1D440];
	v0 =	vadd.f32 v0, v11;
	v6 =	vmul.f32 $8.838834610e-02, v28;
	[tilespmem:s2+$0xA800] =	vst v1  }
0x11c: {  	v4 =	vld [tilespmem:s2+$0xA860];
	v11 =	vadd.f32 v14, v7;
	v1 =	vmul.f32 $8.838834610e-02, v29;
	[tilespmem:s2+$0x4410] =	vst v13  }
0x11d: {  	v12 =	vld [tilespmem:s2+$0x1D450];
	v13 =	vmul.f32 $8.838834610e-02, v20;
	[tilespmem:s2+$0xA810] =	vst v0;
	v6 =	vadd.f32 v6, v7  }
0x11e: {  	v9 =	vld [tilespmem:s2+$0x4470];
	v0 =	vmul.f32 $8.838834610e-02, v18;
	[tilespmem:s2+$0x4420] =	vst v11;
	v1 =	vadd.f32 v1, v10  }
0x11f: {  	v5 =	vld [tilespmem:s2+$0x1D460];
	v7 =	vmul.f32 $8.838834610e-02, v19;
	v10 =	vadd.f32 v13, v10;
	[tilespmem:s2+$0xA820] =	vst v6  }
0x120: {  	v0 =	vadd.f32 v0, v2;
	v6 =	vmul.f32 $8.838834610e-02, v16;
	[tilespmem:s2+$0x4430] =	vst v1  }
0x121: {  	v1 =	vmul.f32 $8.838834610e-02, v3;
	v2 =	vadd.f32 v7, v2;
	[tilespmem:s2+$0xA830] =	vst v10  }
0x122: {  	v3 =	vmul.f32 $8.838834610e-02, v8;
	[tilespmem:s2+$0x4440] =	vst v0;
	v6 =	vadd.f32 v6, v12  }
0x123: {  	v0 =	vmul.f32 $8.838834610e-02, v4;
	v1 =	vadd.f32 v1, v12;
	[tilespmem:s2+$0xA840] =	vst v2  }
0x124: {  	v2 =	vmul.f32 $8.838834610e-02, v9;
	v3 =	vadd.f32 v3, v5;
	[tilespmem:s2+$0x4450] =	vst v6  }
0x125: {  	v0 =	vadd.f32 v0, v5;
	[tilespmem:s2+$0xA850] =	vst v1  }
0x126: {  	s0 =	sadd.s32 s6, s15;
	v1 =	vadd.f32 v2, v23;
	[tilespmem:s2+$0x4460] =	vst v3  }
0x127: {  	s0 =	sshll.u32 s0, $0x4;
	[tilespmem:s2+$0xA860] =	vst v0  }
0x128: {  	s0 =	sadd.s32 s4, s0;
	[tilespmem:s2+$0x4470] =	vst v1;
	s2 =	simm.s32 $0x0  }
0x129: {  	[hbm4b:s0+s2] =	stream.linear.scatter [tilespmem:s19], [sflag:$0x5], $0x6400, $0x38;
	[tilespmem:$0x1F800] =	vst v63  }
0x12a: {  	s0 =	sadd.s32 s15, s12  }
0x12b: {  	s0 =	sshll.u32 s0, $0x4  }
0x12c: {  	s0 =	sadd.s32 s4, s0  }
0x12d: {  	[hbm4b:s0+s2] =	stream.linear.scatter [tilespmem:s21], [sflag:$0x6], $0x6400, $0x38;
	[tilespmem:$0x1F800] =	vst v63  }
0x12e: {  	_ =	swait.ge [sflag:s29], $0x6400  }
0x12f: {  	[sflag:s29] =	ssyncset.done $0x0  }
0x130: {  	[sflag:s29] =	ssyncadd.s32 $0xFFFF9C00  }
0x131: {  	_ =	swait.ge [sflag:s30], $0x6400  }
0x132: {  	[sflag:s30] =	ssyncset.done $0x0  }
0x133: {  	s31 =	simm.s32 $0x0;
	[sflag:s30] =	ssyncadd.s32 $0xFFFF9C00  }
0x134: {  	v1 =	vld [tilespmem:s31+$0x13070]  }
0x135: {  	v2 =	vld [tilespmem:s31+$0xCC00]  }
0x136: {  	v0 =	vld [tilespmem:s31+$0x19470]  }
0x137: {  	v3 =	vld [tilespmem:s31+$0x13000]  }
0x138: {  	v4 =	vld [tilespmem:s31+$0xCC10]  }
0x139: {  	v5 =	vld [tilespmem:s31+$0x13010]  }
0x13a: {  	v6 =	vld [tilespmem:s31+$0xCC20]  }
0x13b: {  	v7 =	vld [tilespmem:s31+$0x13020]  }
0x13c: {  	v9 =	vld [tilespmem:s31+$0xCC30]  }
0x13d: {  	v10 =	vld [tilespmem:s31+$0x13030]  }
0x13e: {  	v11 =	vld [tilespmem:s31+$0x13040]  }
0x13f: {  	v12 =	vld [tilespmem:s31+$0xCC50]  }
0x140: {  	v13 =	vld [tilespmem:s31+$0x13050]  }
0x141: {  	v14 =	vld [tilespmem:s31+$0xCC60]  }
0x142: {  	v18 =	vld [tilespmem:s31+$0x13060];
	v1 =	vmul.f32 $8.838834610e-02, v1  }
0x143: {  	v22 =	vld [tilespmem:s31+$0xCC70]  }
0x144: {  	v62 =	vld [tilespmem:s31+$0x19400];
	v17 =	vmul.f32 $8.838834610e-02, v2;
	v19 =	vmul.f32 $8.838834610e-02, v3;
	v1 =	vadd.f32 v1, v0  }
0x145: {  	v63 =	vld [tilespmem:s31+$0x19410];
	v21 =	vmul.f32 $8.838834610e-02, v4;
	v23 =	vmul.f32 $8.838834610e-02, v5  }
0x146: {  	v3 =	vmul.f32 $8.838834610e-02, v6;
	v8 =	vmul.f32 $8.838834610e-02, v7;
	[tilespmem:s31+$0x13070] =	vst v1;
	v1 =	vld [tilespmem:s31+$0xCC40]  }
0x147: {  	v16 =	vld [tilespmem:s31+$0x19420];
	v4 =	vmul.f32 $8.838834610e-02, v9;
	v9 =	vmul.f32 $8.838834610e-02, v10  }
0x148: {  	v15 =	vld [tilespmem:s31+$0x19430];
	v11 =	vmul.f32 $8.838834610e-02, v11;
	v7 =	vmul.f32 $8.838834610e-02, v12  }
0x149: {  	v10 =	vmul.f32 $8.838834610e-02, v13;
	v2 =	vmul.f32 $8.838834610e-02, v14;
	v14 =	vld [tilespmem:s31+$0x19440];
	v20 =	vadd.f32 v17, v62  }
0x14a: {  	v6 =	vmul.f32 $8.838834610e-02, v18;
	v12 =	vld [tilespmem:s31+$0x19450];
	v18 =	vadd.f32 v19, v62;
	v19 =	vadd.f32 v21, v63  }
0x14b: {  	s2 =	simm.s32 $0x80;
	s0 =	simm.s32 $0x400;
	v13 =	vld [tilespmem:s31+$0x19460];
	v17 =	vadd.f32 v23, v63;
	v5 =	vmul.f32 $8.838834610e-02, v1;
	v1 =	vmul.f32 $8.838834610e-02, v22  }
.LBB2_9:
0x14c: {  	p0 =	sne.s32 s0, $0x7E00;
	v21 =	vld [tilespmem:s2+$0x13070];
	[tilespmem:s31+$0xCC00] =	vst v20;
	v3 =	vadd.f32 v3, v16;
	v8 =	vadd.f32 v8, v16  }
0x14d: {  	v16 =	vld [tilespmem:s2+$0xCC00];
	[tilespmem:s31+$0x13000] =	vst v18;
	v4 =	vadd.f32 v4, v15;
	v9 =	vadd.f32 v9, v15  }
0x14e: {  	v15 =	vld [tilespmem:s2+$0x19470];
	[tilespmem:s31+$0xCC10] =	vst v19;
	v5 =	vadd.f32 v5, v14;
	v11 =	vadd.f32 v11, v14  }
0x14f: {  	v14 =	vld [tilespmem:s2+$0x13000];
	[tilespmem:s31+$0x13010] =	vst v17;
	v7 =	vadd.f32 v7, v12;
	v10 =	vadd.f32 v10, v12  }
0x150: {  	v12 =	vld [tilespmem:s2+$0xCC10];
	[tilespmem:s31+$0xCC20] =	vst v3;
	v2 =	vadd.f32 v2, v13;
	v6 =	vadd.f32 v6, v13  }
0x151: {  	v1 =	vadd.f32 v1, v0;
	v3 =	vld [tilespmem:s2+$0x13010];
	v13 =	vmul.f32 $8.838834610e-02, v21;
	[tilespmem:s31+$0x13020] =	vst v8  }
0x152: {  	v17 =	vmul.f32 $8.838834610e-02, v16;
	v8 =	vld [tilespmem:s2+$0xCC20];
	[tilespmem:s31+$0xCC30] =	vst v4  }
0x153: {  	v4 =	vld [tilespmem:s2+$0x13020];
	v13 =	vadd.f32 v13, v15;
	[tilespmem:s31+$0x13030] =	vst v9;
	v0 =	vmov v15  }
0x154: {  	v18 =	vmul.f32 $8.838834610e-02, v14;
	v9 =	vld [tilespmem:s2+$0xCC30];
	[tilespmem:s31+$0xCC40] =	vst v5  }
0x155: {  	v19 =	vmul.f32 $8.838834610e-02, v12;
	v5 =	vld [tilespmem:s2+$0x13030];
	[tilespmem:s2+$0x13070] =	vst v13  }
0x156: {  	v13 =	vmul.f32 $8.838834610e-02, v3;
	v12 =	vld [tilespmem:s2+$0xCC40];
	[tilespmem:s31+$0x13040] =	vst v11  }
0x157: {  	v3 =	vmul.f32 $8.838834610e-02, v8;
	v11 =	vld [tilespmem:s2+$0x13040];
	[tilespmem:s31+$0xCC50] =	vst v7  }
0x158: {  	v8 =	vmul.f32 $8.838834610e-02, v4;
	v7 =	vld [tilespmem:s2+$0xCC50];
	[tilespmem:s31+$0x13050] =	vst v10  }
0x159: {  	v4 =	vmul.f32 $8.838834610e-02, v9;
	v10 =	vld [tilespmem:s2+$0x13050];
	[tilespmem:s31+$0xCC60] =	vst v2  }
0x15a: {  	v9 =	vmul.f32 $8.838834610e-02, v5;
	v2 =	vld [tilespmem:s2+$0xCC60];
	[tilespmem:s31+$0x13060] =	vst v6  }
0x15b: {  	v5 =	vmul.f32 $8.838834610e-02, v12;
	v6 =	vld [tilespmem:s2+$0x13060];
	[tilespmem:s31+$0xCC70] =	vst v1;
	s31 =	smov.u32 s2  }
0x15c: {  	v11 =	vmul.f32 $8.838834610e-02, v11;
	v1 =	vld [tilespmem:s31+$0xCC70]  }
0x15d: {  	v12 =	vld [tilespmem:s31+$0x19400];
	v7 =	vmul.f32 $8.838834610e-02, v7  }
0x15e: {  	v21 =	vld [tilespmem:s31+$0x19410];
	v10 =	vmul.f32 $8.838834610e-02, v10  }
.Ltmp3:
0x15f: {  	v16 =	vld [tilespmem:s31+$0x19420];
	v2 =	vmul.f32 $8.838834610e-02, v2;
	(pc) =	sbr.rel @p0 .LBB2_9-.Ltmp3, $4  }
0x160: {  	v15 =	vld [tilespmem:s31+$0x19430];
	v6 =	vmul.f32 $8.838834610e-02, v6  }
0x161: {  	v14 =	vld [tilespmem:s31+$0x19440];
	v1 =	vmul.f32 $8.838834610e-02, v1  }
0x162: {  	v20 =	vadd.f32 v17, v12;
	v18 =	vadd.f32 v18, v12;
	v12 =	vld [tilespmem:s31+$0x19450]  }
0x163: {  	s2 =	sshra.s32 s0, $0x2;
	s0 =	sadd.s32 $0x200, s0;
	v19 =	vadd.f32 v19, v21;
	v17 =	vadd.f32 v13, v21;
	v13 =	vld [tilespmem:s31+$0x19460]  }
0x164: {  	v21 =	vld [tilespmem:s2+$0x13070]  }
0x165: {  	v22 =	vld [tilespmem:s2+$0xCC00]  }
0x166: {  	v23 =	vld [tilespmem:s2+$0x19470];
	[tilespmem:s31+$0xCC00] =	vst v20  }
0x167: {  	v24 =	vld [tilespmem:s2+$0x13000];
	[tilespmem:s31+$0x13000] =	vst v18  }
0x168: {  	v25 =	vld [tilespmem:s2+$0xCC10];
	v3 =	vadd.f32 v3, v16;
	[tilespmem:s31+$0xCC10] =	vst v19  }
0x169: {  	v26 =	vld [tilespmem:s2+$0x13010];
	v8 =	vadd.f32 v8, v16;
	[tilespmem:s31+$0x13010] =	vst v17  }
0x16a: {  	v27 =	vld [tilespmem:s2+$0xCC20];
	v0 =	vadd.f32 v1, v0;
	[tilespmem:s31+$0xCC20] =	vst v3  }
0x16b: {  	v28 =	vld [tilespmem:s2+$0x13020];
	v4 =	vadd.f32 v4, v15;
	[tilespmem:s31+$0x13020] =	vst v8  }
0x16c: {  	v29 =	vld [tilespmem:s2+$0xCC30];
	v9 =	vadd.f32 v9, v15;
	[tilespmem:s31+$0xCC70] =	vst v0  }
0x16d: {  	v20 =	vld [tilespmem:s2+$0x13030];
	v5 =	vadd.f32 v5, v14;
	[tilespmem:s31+$0xCC30] =	vst v4  }
0x16e: {  	v18 =	vld [tilespmem:s2+$0xCC40];
	v11 =	vadd.f32 v11, v14;
	[tilespmem:s31+$0x13030] =	vst v9  }
0x16f: {  	v7 =	vadd.f32 v7, v12;
	[tilespmem:s31+$0xCC40] =	vst v5;
	v5 =	vld [tilespmem:s2+$0x19400]  }
0x170: {  	v16 =	vld [tilespmem:s2+$0xCC50];
	v10 =	vadd.f32 v10, v12;
	[tilespmem:s31+$0x13040] =	vst v11  }
0x171: {  	v11 =	vld [tilespmem:s2+$0x19410];
	v2 =	vadd.f32 v2, v13;
	v21 =	vmul.f32 $8.838834610e-02, v21;
	[tilespmem:s31+$0xCC50] =	vst v7  }
0x172: {  	v19 =	vld [tilespmem:s2+$0x13040];
	v6 =	vadd.f32 v6, v13;
	v12 =	vmul.f32 $8.838834610e-02, v22;
	[tilespmem:s31+$0x13050] =	vst v10  }
0x173: {  	v7 =	vld [tilespmem:s2+$0x19420];
	v1 =	vmul.f32 $8.838834610e-02, v24;
	[tilespmem:s31+$0xCC60] =	vst v2;
	v21 =	vadd.f32 v21, v23  }
0x174: {  	v3 =	vld [tilespmem:s2+$0x13050];
	v13 =	vmul.f32 $8.838834610e-02, v25;
	[tilespmem:s31+$0x13060] =	vst v6;
	v6 =	vadd.f32 v12, v5  }
0x175: {  	v10 =	vld [tilespmem:s2+$0x19430];
	v0 =	vmul.f32 $8.838834610e-02, v26;
	[tilespmem:s2+$0x13070] =	vst v21;
	v1 =	vadd.f32 v1, v5  }
0x176: {  	v8 =	vld [tilespmem:s2+$0xCC60];
	v14 =	vmul.f32 $8.838834610e-02, v27;
	v13 =	vadd.f32 v13, v11;
	[tilespmem:s2+$0xCC00] =	vst v6  }
0x177: {  	v2 =	vld [tilespmem:s2+$0x19440];
	v0 =	vadd.f32 v0, v11;
	v6 =	vmul.f32 $8.838834610e-02, v28;
	[tilespmem:s2+$0x13000] =	vst v1  }
0x178: {  	v4 =	vld [tilespmem:s2+$0x13060];
	v11 =	vadd.f32 v14, v7;
	v1 =	vmul.f32 $8.838834610e-02, v29;
	[tilespmem:s2+$0xCC10] =	vst v13  }
0x179: {  	v12 =	vld [tilespmem:s2+$0x19450];
	v13 =	vmul.f32 $8.838834610e-02, v20;
	[tilespmem:s2+$0x13010] =	vst v0;
	v6 =	vadd.f32 v6, v7  }
0x17a: {  	v9 =	vld [tilespmem:s2+$0xCC70];
	v0 =	vmul.f32 $8.838834610e-02, v18;
	[tilespmem:s2+$0xCC20] =	vst v11;
	v1 =	vadd.f32 v1, v10  }
0x17b: {  	v5 =	vld [tilespmem:s2+$0x19460];
	v7 =	vmul.f32 $8.838834610e-02, v19;
	v10 =	vadd.f32 v13, v10;
	[tilespmem:s2+$0x13020] =	vst v6  }
0x17c: {  	v0 =	vadd.f32 v0, v2;
	v6 =	vmul.f32 $8.838834610e-02, v16;
	[tilespmem:s2+$0xCC30] =	vst v1  }
0x17d: {  	v1 =	vmul.f32 $8.838834610e-02, v3;
	v2 =	vadd.f32 v7, v2;
	[tilespmem:s2+$0x13030] =	vst v10  }
0x17e: {  	v3 =	vmul.f32 $8.838834610e-02, v8;
	[tilespmem:s2+$0xCC40] =	vst v0;
	v6 =	vadd.f32 v6, v12  }
0x17f: {  	v0 =	vmul.f32 $8.838834610e-02, v4;
	v1 =	vadd.f32 v1, v12;
	[tilespmem:s2+$0x13040] =	vst v2  }
0x180: {  	v2 =	vmul.f32 $8.838834610e-02, v9;
	v3 =	vadd.f32 v3, v5;
	[tilespmem:s2+$0xCC50] =	vst v6  }
0x181: {  	v0 =	vadd.f32 v0, v5;
	[tilespmem:s2+$0x13050] =	vst v1  }
0x182: {  	v1 =	vadd.f32 v2, v23;
	[tilespmem:s2+$0xCC60] =	vst v3  }
0x183: {  	p0 =	seq.s32 s20, $0x7;
	[tilespmem:s2+$0x13060] =	vst v0  }
0x184: {  	s0 =	simm.s32 @!p0 $0x5;
	[tilespmem:s2+$0xCC70] =	vst v1  }
0x185: {  	s2 =	sadd.s32 @!p0 s15, s13;
	_ =	swait.ge @!p0 [sflag:s0], $0x6400  }
0x186: {  	s2 =	sshrl.u32 @!p0 s2, $0x3;
	[sflag:s0] =	ssyncset.done @!p0 $0x0  }
0x187: {  	[sflag:s0] =	ssyncadd.s32 @!p0 $0xFFFF9C00;
	s0 =	sadd.s32 @!p0 s7, s2;
	s2 =	simm.s32 @!p0 $0x0  }
0x188: {  	[tilespmem:s2], [sflag:$0x9] =	stream.linear.gather @!p0 [hbm4b:s0+s2], $0xC8, $0x38;
	[tilespmem:$0x1F800] =	vst v63  }
0x189: {  	s0 =	simm.s32 @!p0 $0x9  }
0x18a: {  	_ =	swait.ge @!p0 [sflag:s0], $0xC8  }
0x18b: {  	[sflag:s0] =	ssyncset.done @!p0 $0x0  }
0x18c: {  	s31 =	simm.s32 @!p0 $0x400;
	[sflag:s0] =	ssyncadd.s32 @!p0 $0xFFFFFF38;
	s0 =	simm.s32 @!p0 $0xC8  }
0x18d: {  	[tilespmem:s31], [sflag:$0x1] =	stream.indirect.gather @!p0 [hbm4b:s1+s0], $0x80, s2, s0, $0xb8;
	[tilespmem:$0x1F800] =	vst v63  }
0x18e: {  	s31 =	simm.s32 $0x0  }
0x18f: {  	v1 =	vld [tilespmem:s31+$0x15070]  }
0x190: {  	v2 =	vld [tilespmem:s31+$0xEC00]  }
0x191: {  	v0 =	vld [tilespmem:s31+$0x1B470]  }
0x192: {  	v3 =	vld [tilespmem:s31+$0x15000]  }
0x193: {  	v4 =	vld [tilespmem:s31+$0xEC10]  }
0x194: {  	v5 =	vld [tilespmem:s31+$0x15010]  }
0x195: {  	v6 =	vld [tilespmem:s31+$0xEC20]  }
0x196: {  	v7 =	vld [tilespmem:s31+$0x15020]  }
0x197: {  	v9 =	vld [tilespmem:s31+$0xEC30]  }
0x198: {  	v10 =	vld [tilespmem:s31+$0x15030]  }
0x199: {  	v11 =	vld [tilespmem:s31+$0x15040]  }
0x19a: {  	v12 =	vld [tilespmem:s31+$0xEC50]  }
0x19b: {  	v13 =	vld [tilespmem:s31+$0x15050]  }
0x19c: {  	v14 =	vld [tilespmem:s31+$0xEC60]  }
0x19d: {  	v18 =	vld [tilespmem:s31+$0x15060];
	v1 =	vmul.f32 $8.838834610e-02, v1  }
0x19e: {  	v22 =	vld [tilespmem:s31+$0xEC70]  }
0x19f: {  	v62 =	vld [tilespmem:s31+$0x1B400];
	v17 =	vmul.f32 $8.838834610e-02, v2;
	v19 =	vmul.f32 $8.838834610e-02, v3;
	v1 =	vadd.f32 v1, v0  }
0x1a0: {  	v63 =	vld [tilespmem:s31+$0x1B410];
	v21 =	vmul.f32 $8.838834610e-02, v4;
	v23 =	vmul.f32 $8.838834610e-02, v5  }
0x1a1: {  	v3 =	vmul.f32 $8.838834610e-02, v6;
	v8 =	vmul.f32 $8.838834610e-02, v7;
	[tilespmem:s31+$0x15070] =	vst v1;
	v1 =	vld [tilespmem:s31+$0xEC40]  }
0x1a2: {  	v16 =	vld [tilespmem:s31+$0x1B420];
	v4 =	vmul.f32 $8.838834610e-02, v9;
	v9 =	vmul.f32 $8.838834610e-02, v10  }
0x1a3: {  	v15 =	vld [tilespmem:s31+$0x1B430];
	v11 =	vmul.f32 $8.838834610e-02, v11;
	v7 =	vmul.f32 $8.838834610e-02, v12  }
0x1a4: {  	v10 =	vmul.f32 $8.838834610e-02, v13;
	v2 =	vmul.f32 $8.838834610e-02, v14;
	v14 =	vld [tilespmem:s31+$0x1B440];
	v20 =	vadd.f32 v17, v62  }
0x1a5: {  	v6 =	vmul.f32 $8.838834610e-02, v18;
	v12 =	vld [tilespmem:s31+$0x1B450];
	v18 =	vadd.f32 v19, v62;
	v19 =	vadd.f32 v21, v63  }
0x1a6: {  	s2 =	simm.s32 $0x80;
	s0 =	simm.s32 $0x400;
	v13 =	vld [tilespmem:s31+$0x1B460];
	v17 =	vadd.f32 v23, v63;
	v5 =	vmul.f32 $8.838834610e-02, v1;
	v1 =	vmul.f32 $8.838834610e-02, v22  }
.LBB2_11:
0x1a7: {  	p1 =	sne.s32 s0, $0x7E00;
	v21 =	vld [tilespmem:s2+$0x15070];
	[tilespmem:s31+$0xEC00] =	vst v20;
	v3 =	vadd.f32 v3, v16;
	v8 =	vadd.f32 v8, v16  }
0x1a8: {  	v16 =	vld [tilespmem:s2+$0xEC00];
	[tilespmem:s31+$0x15000] =	vst v18;
	v4 =	vadd.f32 v4, v15;
	v9 =	vadd.f32 v9, v15  }
0x1a9: {  	v15 =	vld [tilespmem:s2+$0x1B470];
	[tilespmem:s31+$0xEC10] =	vst v19;
	v5 =	vadd.f32 v5, v14;
	v11 =	vadd.f32 v11, v14  }
0x1aa: {  	v14 =	vld [tilespmem:s2+$0x15000];
	[tilespmem:s31+$0x15010] =	vst v17;
	v7 =	vadd.f32 v7, v12;
	v10 =	vadd.f32 v10, v12  }
0x1ab: {  	v12 =	vld [tilespmem:s2+$0xEC10];
	[tilespmem:s31+$0xEC20] =	vst v3;
	v2 =	vadd.f32 v2, v13;
	v6 =	vadd.f32 v6, v13  }
0x1ac: {  	v1 =	vadd.f32 v1, v0;
	v3 =	vld [tilespmem:s2+$0x15010];
	v13 =	vmul.f32 $8.838834610e-02, v21;
	[tilespmem:s31+$0x15020] =	vst v8  }
0x1ad: {  	v17 =	vmul.f32 $8.838834610e-02, v16;
	v8 =	vld [tilespmem:s2+$0xEC20];
	[tilespmem:s31+$0xEC30] =	vst v4  }
0x1ae: {  	v4 =	vld [tilespmem:s2+$0x15020];
	v13 =	vadd.f32 v13, v15;
	[tilespmem:s31+$0x15030] =	vst v9;
	v0 =	vmov v15  }
0x1af: {  	v18 =	vmul.f32 $8.838834610e-02, v14;
	v9 =	vld [tilespmem:s2+$0xEC30];
	[tilespmem:s31+$0xEC40] =	vst v5  }
0x1b0: {  	v19 =	vmul.f32 $8.838834610e-02, v12;
	v5 =	vld [tilespmem:s2+$0x15030];
	[tilespmem:s2+$0x15070] =	vst v13  }
0x1b1: {  	v13 =	vmul.f32 $8.838834610e-02, v3;
	v12 =	vld [tilespmem:s2+$0xEC40];
	[tilespmem:s31+$0x15040] =	vst v11  }
0x1b2: {  	v3 =	vmul.f32 $8.838834610e-02, v8;
	v11 =	vld [tilespmem:s2+$0x15040];
	[tilespmem:s31+$0xEC50] =	vst v7  }
0x1b3: {  	v8 =	vmul.f32 $8.838834610e-02, v4;
	v7 =	vld [tilespmem:s2+$0xEC50];
	[tilespmem:s31+$0x15050] =	vst v10  }
0x1b4: {  	v4 =	vmul.f32 $8.838834610e-02, v9;
	v10 =	vld [tilespmem:s2+$0x15050];
	[tilespmem:s31+$0xEC60] =	vst v2  }
0x1b5: {  	v9 =	vmul.f32 $8.838834610e-02, v5;
	v2 =	vld [tilespmem:s2+$0xEC60];
	[tilespmem:s31+$0x15060] =	vst v6  }
0x1b6: {  	v5 =	vmul.f32 $8.838834610e-02, v12;
	v6 =	vld [tilespmem:s2+$0x15060];
	[tilespmem:s31+$0xEC70] =	vst v1;
	s31 =	smov.u32 s2  }
0x1b7: {  	v11 =	vmul.f32 $8.838834610e-02, v11;
	v1 =	vld [tilespmem:s31+$0xEC70]  }
0x1b8: {  	v12 =	vld [tilespmem:s31+$0x1B400];
	v7 =	vmul.f32 $8.838834610e-02, v7  }
0x1b9: {  	v21 =	vld [tilespmem:s31+$0x1B410];
	v10 =	vmul.f32 $8.838834610e-02, v10  }
.Ltmp4:
0x1ba: {  	v16 =	vld [tilespmem:s31+$0x1B420];
	v2 =	vmul.f32 $8.838834610e-02, v2;
	(pc) =	sbr.rel @p1 .LBB2_11-.Ltmp4, $4  }
0x1bb: {  	v15 =	vld [tilespmem:s31+$0x1B430];
	v6 =	vmul.f32 $8.838834610e-02, v6  }
0x1bc: {  	v14 =	vld [tilespmem:s31+$0x1B440];
	v1 =	vmul.f32 $8.838834610e-02, v1  }
0x1bd: {  	v20 =	vadd.f32 v17, v12;
	v18 =	vadd.f32 v18, v12;
	v12 =	vld [tilespmem:s31+$0x1B450]  }
0x1be: {  	s2 =	sshra.s32 s0, $0x2;
	s0 =	sadd.s32 $0x200, s0;
	v19 =	vadd.f32 v19, v21;
	v17 =	vadd.f32 v13, v21;
	v13 =	vld [tilespmem:s31+$0x1B460]  }
0x1bf: {  	v21 =	vld [tilespmem:s2+$0x15070]  }
0x1c0: {  	v22 =	vld [tilespmem:s2+$0xEC00]  }
0x1c1: {  	v23 =	vld [tilespmem:s2+$0x1B470];
	[tilespmem:s31+$0xEC00] =	vst v20  }
0x1c2: {  	v24 =	vld [tilespmem:s2+$0x15000];
	[tilespmem:s31+$0x15000] =	vst v18  }
0x1c3: {  	v25 =	vld [tilespmem:s2+$0xEC10];
	v3 =	vadd.f32 v3, v16;
	[tilespmem:s31+$0xEC10] =	vst v19  }
0x1c4: {  	v26 =	vld [tilespmem:s2+$0x15010];
	v8 =	vadd.f32 v8, v16;
	[tilespmem:s31+$0x15010] =	vst v17  }
0x1c5: {  	v27 =	vld [tilespmem:s2+$0xEC20];
	v0 =	vadd.f32 v1, v0;
	[tilespmem:s31+$0xEC20] =	vst v3  }
0x1c6: {  	v28 =	vld [tilespmem:s2+$0x15020];
	v4 =	vadd.f32 v4, v15;
	[tilespmem:s31+$0x15020] =	vst v8  }
0x1c7: {  	v29 =	vld [tilespmem:s2+$0xEC30];
	v9 =	vadd.f32 v9, v15;
	[tilespmem:s31+$0xEC70] =	vst v0  }
0x1c8: {  	v20 =	vld [tilespmem:s2+$0x15030];
	v5 =	vadd.f32 v5, v14;
	[tilespmem:s31+$0xEC30] =	vst v4  }
0x1c9: {  	v18 =	vld [tilespmem:s2+$0xEC40];
	v11 =	vadd.f32 v11, v14;
	[tilespmem:s31+$0x15030] =	vst v9  }
0x1ca: {  	v7 =	vadd.f32 v7, v12;
	[tilespmem:s31+$0xEC40] =	vst v5;
	v5 =	vld [tilespmem:s2+$0x1B400]  }
0x1cb: {  	v16 =	vld [tilespmem:s2+$0xEC50];
	v10 =	vadd.f32 v10, v12;
	[tilespmem:s31+$0x15040] =	vst v11  }
0x1cc: {  	v11 =	vld [tilespmem:s2+$0x1B410];
	v2 =	vadd.f32 v2, v13;
	v21 =	vmul.f32 $8.838834610e-02, v21;
	[tilespmem:s31+$0xEC50] =	vst v7  }
0x1cd: {  	v19 =	vld [tilespmem:s2+$0x15040];
	v6 =	vadd.f32 v6, v13;
	v12 =	vmul.f32 $8.838834610e-02, v22;
	[tilespmem:s31+$0x15050] =	vst v10  }
0x1ce: {  	v7 =	vld [tilespmem:s2+$0x1B420];
	v1 =	vmul.f32 $8.838834610e-02, v24;
	[tilespmem:s31+$0xEC60] =	vst v2;
	v21 =	vadd.f32 v21, v23  }
0x1cf: {  	v3 =	vld [tilespmem:s2+$0x15050];
	v13 =	vmul.f32 $8.838834610e-02, v25;
	[tilespmem:s31+$0x15060] =	vst v6;
	v6 =	vadd.f32 v12, v5  }
0x1d0: {  	v10 =	vld [tilespmem:s2+$0x1B430];
	v0 =	vmul.f32 $8.838834610e-02, v26;
	[tilespmem:s2+$0x15070] =	vst v21;
	v1 =	vadd.f32 v1, v5  }
0x1d1: {  	v8 =	vld [tilespmem:s2+$0xEC60];
	v14 =	vmul.f32 $8.838834610e-02, v27;
	v13 =	vadd.f32 v13, v11;
	[tilespmem:s2+$0xEC00] =	vst v6  }
0x1d2: {  	v2 =	vld [tilespmem:s2+$0x1B440];
	v0 =	vadd.f32 v0, v11;
	v6 =	vmul.f32 $8.838834610e-02, v28;
	[tilespmem:s2+$0x15000] =	vst v1  }
0x1d3: {  	v4 =	vld [tilespmem:s2+$0x15060];
	v11 =	vadd.f32 v14, v7;
	v1 =	vmul.f32 $8.838834610e-02, v29;
	[tilespmem:s2+$0xEC10] =	vst v13  }
0x1d4: {  	v12 =	vld [tilespmem:s2+$0x1B450];
	v13 =	vmul.f32 $8.838834610e-02, v20;
	[tilespmem:s2+$0x15010] =	vst v0;
	v6 =	vadd.f32 v6, v7  }
0x1d5: {  	v9 =	vld [tilespmem:s2+$0xEC70];
	v0 =	vmul.f32 $8.838834610e-02, v18;
	[tilespmem:s2+$0xEC20] =	vst v11;
	v1 =	vadd.f32 v1, v10  }
0x1d6: {  	v5 =	vld [tilespmem:s2+$0x1B460];
	v7 =	vmul.f32 $8.838834610e-02, v19;
	v10 =	vadd.f32 v13, v10;
	[tilespmem:s2+$0x15020] =	vst v6  }
0x1d7: {  	v0 =	vadd.f32 v0, v2;
	v6 =	vmul.f32 $8.838834610e-02, v16;
	[tilespmem:s2+$0xEC30] =	vst v1  }
0x1d8: {  	v1 =	vmul.f32 $8.838834610e-02, v3;
	v2 =	vadd.f32 v7, v2;
	[tilespmem:s2+$0x15030] =	vst v10  }
0x1d9: {  	v3 =	vmul.f32 $8.838834610e-02, v8;
	[tilespmem:s2+$0xEC40] =	vst v0;
	v6 =	vadd.f32 v6, v12  }
0x1da: {  	v0 =	vmul.f32 $8.838834610e-02, v4;
	v1 =	vadd.f32 v1, v12;
	[tilespmem:s2+$0x15040] =	vst v2  }
0x1db: {  	v2 =	vmul.f32 $8.838834610e-02, v9;
	v3 =	vadd.f32 v3, v5;
	[tilespmem:s2+$0xEC50] =	vst v6  }
0x1dc: {  	v0 =	vadd.f32 v0, v5;
	[tilespmem:s2+$0x15050] =	vst v1  }
0x1dd: {  	v1 =	vadd.f32 v2, v23;
	[tilespmem:s2+$0xEC60] =	vst v3  }
0x1de: {  	[tilespmem:s2+$0x15060] =	vst v0  }
0x1df: {  	s0 =	simm.s32 @!p0 $0x6;
	[tilespmem:s2+$0xEC70] =	vst v1  }
0x1e0: {  	_ =	swait.ge @!p0 [sflag:s0], $0x6400  }
0x1e1: {  	s2 =	sadd.s32 @!p0 s15, s14;
	[sflag:s0] =	ssyncset.done @!p0 $0x0  }
0x1e2: {  	[sflag:s0] =	ssyncadd.s32 @!p0 $0xFFFF9C00;
	s0 =	sshrl.u32 @!p0 s2, $0x3  }
0x1e3: {  	s15 =	simm.s32 @!p0 $0x100;
	s2 =	simm.s32 @!p0 $0x0;
	s0 =	sadd.s32 @!p0 s7, s0  }
0x1e4: {  	[tilespmem:s15], [sflag:$0x9] =	stream.linear.gather @!p0 [hbm4b:s0+s2], $0xC8, $0x38;
	[tilespmem:$0x1F800] =	vst v63  }
0x1e5: {  	s0 =	simm.s32 @!p0 $0x9  }
0x1e6: {  	_ =	swait.ge @!p0 [sflag:s0], $0xC8  }
0x1e7: {  	[sflag:s0] =	ssyncset.done @!p0 $0x0  }
0x1e8: {  	s2 =	simm.s32 @!p0 $0x6800;
	[sflag:s0] =	ssyncadd.s32 @!p0 $0xFFFFFF38;
	s0 =	simm.s32 @!p0 $0xC8  }
0x1e9: {  	[tilespmem:s2], [sflag:$0x2] =	stream.indirect.gather @!p0 [hbm4b:s1+s0], $0x80, s15, s0, $0xb8;
	[tilespmem:$0x1F800] =	vst v63  }
0x1ea: {  	s15 =	simm.s32 $0x0  }
0x1eb: {  	v1 =	vld [tilespmem:s15+$0x17070]  }
0x1ec: {  	v2 =	vld [tilespmem:s15+$0x10C00]  }
0x1ed: {  	v0 =	vld [tilespmem:s15+$0x1D470]  }
0x1ee: {  	v3 =	vld [tilespmem:s15+$0x17000]  }
0x1ef: {  	v4 =	vld [tilespmem:s15+$0x10C10]  }
0x1f0: {  	v5 =	vld [tilespmem:s15+$0x17010]  }
0x1f1: {  	v6 =	vld [tilespmem:s15+$0x10C20]  }
0x1f2: {  	v7 =	vld [tilespmem:s15+$0x17020]  }
0x1f3: {  	v9 =	vld [tilespmem:s15+$0x10C30]  }
0x1f4: {  	v10 =	vld [tilespmem:s15+$0x17030]  }
0x1f5: {  	v11 =	vld [tilespmem:s15+$0x17040]  }
0x1f6: {  	v12 =	vld [tilespmem:s15+$0x10C50]  }
0x1f7: {  	v13 =	vld [tilespmem:s15+$0x17050]  }
0x1f8: {  	v14 =	vld [tilespmem:s15+$0x10C60]  }
0x1f9: {  	v18 =	vld [tilespmem:s15+$0x17060];
	v1 =	vmul.f32 $8.838834610e-02, v1  }
0x1fa: {  	v22 =	vld [tilespmem:s15+$0x10C70]  }
0x1fb: {  	v62 =	vld [tilespmem:s15+$0x1D400];
	v17 =	vmul.f32 $8.838834610e-02, v2;
	v19 =	vmul.f32 $8.838834610e-02, v3;
	v1 =	vadd.f32 v1, v0  }
0x1fc: {  	v63 =	vld [tilespmem:s15+$0x1D410];
	v21 =	vmul.f32 $8.838834610e-02, v4;
	v23 =	vmul.f32 $8.838834610e-02, v5  }
0x1fd: {  	v3 =	vmul.f32 $8.838834610e-02, v6;
	v8 =	vmul.f32 $8.838834610e-02, v7;
	[tilespmem:s15+$0x17070] =	vst v1;
	v1 =	vld [tilespmem:s15+$0x10C40]  }
0x1fe: {  	v16 =	vld [tilespmem:s15+$0x1D420];
	v4 =	vmul.f32 $8.838834610e-02, v9;
	v9 =	vmul.f32 $8.838834610e-02, v10  }
0x1ff: {  	v15 =	vld [tilespmem:s15+$0x1D430];
	v11 =	vmul.f32 $8.838834610e-02, v11;
	v7 =	vmul.f32 $8.838834610e-02, v12  }
0x200: {  	v10 =	vmul.f32 $8.838834610e-02, v13;
	v2 =	vmul.f32 $8.838834610e-02, v14;
	v14 =	vld [tilespmem:s15+$0x1D440];
	v20 =	vadd.f32 v17, v62  }
0x201: {  	v6 =	vmul.f32 $8.838834610e-02, v18;
	v12 =	vld [tilespmem:s15+$0x1D450];
	v18 =	vadd.f32 v19, v62;
	v19 =	vadd.f32 v21, v63  }
0x202: {  	s2 =	simm.s32 $0x80;
	s0 =	simm.s32 $0x400;
	v13 =	vld [tilespmem:s15+$0x1D460];
	v17 =	vadd.f32 v23, v63;
	v5 =	vmul.f32 $8.838834610e-02, v1;
	v1 =	vmul.f32 $8.838834610e-02, v22  }
.LBB2_13:
0x203: {  	p0 =	sne.s32 s0, $0x8E00;
	v21 =	vld [tilespmem:s2+$0x17070];
	[tilespmem:s15+$0x10C00] =	vst v20;
	v3 =	vadd.f32 v3, v16;
	v8 =	vadd.f32 v8, v16  }
0x204: {  	v16 =	vld [tilespmem:s2+$0x10C00];
	[tilespmem:s15+$0x17000] =	vst v18;
	v4 =	vadd.f32 v4, v15;
	v9 =	vadd.f32 v9, v15  }
0x205: {  	v15 =	vld [tilespmem:s2+$0x1D470];
	[tilespmem:s15+$0x10C10] =	vst v19;
	v5 =	vadd.f32 v5, v14;
	v11 =	vadd.f32 v11, v14  }
0x206: {  	v14 =	vld [tilespmem:s2+$0x17000];
	[tilespmem:s15+$0x17010] =	vst v17;
	v7 =	vadd.f32 v7, v12;
	v10 =	vadd.f32 v10, v12  }
0x207: {  	v12 =	vld [tilespmem:s2+$0x10C10];
	[tilespmem:s15+$0x10C20] =	vst v3;
	v2 =	vadd.f32 v2, v13;
	v6 =	vadd.f32 v6, v13  }
0x208: {  	v1 =	vadd.f32 v1, v0;
	v3 =	vld [tilespmem:s2+$0x17010];
	v13 =	vmul.f32 $8.838834610e-02, v21;
	[tilespmem:s15+$0x17020] =	vst v8  }
0x209: {  	v17 =	vmul.f32 $8.838834610e-02, v16;
	v8 =	vld [tilespmem:s2+$0x10C20];
	[tilespmem:s15+$0x10C30] =	vst v4  }
0x20a: {  	v4 =	vld [tilespmem:s2+$0x17020];
	v13 =	vadd.f32 v13, v15;
	[tilespmem:s15+$0x17030] =	vst v9;
	v0 =	vmov v15  }
0x20b: {  	v18 =	vmul.f32 $8.838834610e-02, v14;
	v9 =	vld [tilespmem:s2+$0x10C30];
	[tilespmem:s15+$0x10C40] =	vst v5  }
0x20c: {  	v19 =	vmul.f32 $8.838834610e-02, v12;
	v5 =	vld [tilespmem:s2+$0x17030];
	[tilespmem:s2+$0x17070] =	vst v13  }
0x20d: {  	v13 =	vmul.f32 $8.838834610e-02, v3;
	v12 =	vld [tilespmem:s2+$0x10C40];
	[tilespmem:s15+$0x17040] =	vst v11  }
0x20e: {  	v3 =	vmul.f32 $8.838834610e-02, v8;
	v11 =	vld [tilespmem:s2+$0x17040];
	[tilespmem:s15+$0x10C50] =	vst v7  }
0x20f: {  	v8 =	vmul.f32 $8.838834610e-02, v4;
	v7 =	vld [tilespmem:s2+$0x10C50];
	[tilespmem:s15+$0x17050] =	vst v10  }
0x210: {  	v4 =	vmul.f32 $8.838834610e-02, v9;
	v10 =	vld [tilespmem:s2+$0x17050];
	[tilespmem:s15+$0x10C60] =	vst v2  }
0x211: {  	v9 =	vmul.f32 $8.838834610e-02, v5;
	v2 =	vld [tilespmem:s2+$0x10C60];
	[tilespmem:s15+$0x17060] =	vst v6  }
0x212: {  	v5 =	vmul.f32 $8.838834610e-02, v12;
	v6 =	vld [tilespmem:s2+$0x17060];
	[tilespmem:s15+$0x10C70] =	vst v1;
	s15 =	smov.u32 s2  }
0x213: {  	v11 =	vmul.f32 $8.838834610e-02, v11;
	v1 =	vld [tilespmem:s15+$0x10C70]  }
0x214: {  	v12 =	vld [tilespmem:s15+$0x1D400];
	v7 =	vmul.f32 $8.838834610e-02, v7  }
0x215: {  	v21 =	vld [tilespmem:s15+$0x1D410];
	v10 =	vmul.f32 $8.838834610e-02, v10  }
.Ltmp5:
0x216: {  	v16 =	vld [tilespmem:s15+$0x1D420];
	v2 =	vmul.f32 $8.838834610e-02, v2;
	(pc) =	sbr.rel @p0 .LBB2_13-.Ltmp5, $4  }
0x217: {  	v15 =	vld [tilespmem:s15+$0x1D430];
	v6 =	vmul.f32 $8.838834610e-02, v6  }
0x218: {  	v14 =	vld [tilespmem:s15+$0x1D440];
	v1 =	vmul.f32 $8.838834610e-02, v1  }
0x219: {  	v20 =	vadd.f32 v17, v12;
	v18 =	vadd.f32 v18, v12;
	v12 =	vld [tilespmem:s15+$0x1D450]  }
0x21a: {  	s2 =	sshra.s32 s0, $0x2;
	s0 =	sadd.s32 $0x200, s0;
	v19 =	vadd.f32 v19, v21;
	v17 =	vadd.f32 v13, v21;
	v13 =	vld [tilespmem:s15+$0x1D460]  }
0x21b: {  	v21 =	vld [tilespmem:s2+$0x17070]  }
0x21c: {  	v22 =	vld [tilespmem:s2+$0x10C00]  }
0x21d: {  	v23 =	vld [tilespmem:s2+$0x1D470];
	[tilespmem:s15+$0x10C00] =	vst v20  }
0x21e: {  	v24 =	vld [tilespmem:s2+$0x17000];
	[tilespmem:s15+$0x17000] =	vst v18  }
0x21f: {  	v25 =	vld [tilespmem:s2+$0x10C10];
	v3 =	vadd.f32 v3, v16;
	[tilespmem:s15+$0x10C10] =	vst v19  }
0x220: {  	v26 =	vld [tilespmem:s2+$0x17010];
	v8 =	vadd.f32 v8, v16;
	[tilespmem:s15+$0x17010] =	vst v17  }
0x221: {  	v27 =	vld [tilespmem:s2+$0x10C20];
	v0 =	vadd.f32 v1, v0;
	[tilespmem:s15+$0x10C20] =	vst v3  }
0x222: {  	v28 =	vld [tilespmem:s2+$0x17020];
	v4 =	vadd.f32 v4, v15;
	[tilespmem:s15+$0x17020] =	vst v8  }
0x223: {  	v29 =	vld [tilespmem:s2+$0x10C30];
	v9 =	vadd.f32 v9, v15;
	[tilespmem:s15+$0x10C70] =	vst v0  }
0x224: {  	v31 =	vld [tilespmem:s2+$0x17030];
	v5 =	vadd.f32 v5, v14;
	[tilespmem:s15+$0x10C30] =	vst v4  }
0x225: {  	v32 =	vld [tilespmem:s2+$0x10C40];
	v11 =	vadd.f32 v11, v14;
	[tilespmem:s15+$0x17030] =	vst v9  }
0x226: {  	v39 =	vld [tilespmem:s2+$0x1D400];
	v7 =	vadd.f32 v7, v12;
	[tilespmem:s15+$0x10C40] =	vst v5  }
0x227: {  	v33 =	vld [tilespmem:s2+$0x17040];
	v10 =	vadd.f32 v10, v12;
	[tilespmem:s15+$0x17040] =	vst v11  }
0x228: {  	v40 =	vld [tilespmem:s2+$0x1D410];
	v2 =	vadd.f32 v2, v13;
	v21 =	vmul.f32 $8.838834610e-02, v21;
	[tilespmem:s15+$0x10C50] =	vst v7  }
0x229: {  	v36 =	vld [tilespmem:s2+$0x10C60];
	v6 =	vadd.f32 v6, v13;
	v42 =	vmul.f32 $8.838834610e-02, v22;
	[tilespmem:s15+$0x17050] =	vst v10  }
0x22a: {  	v41 =	vld [tilespmem:s2+$0x1D420];
	v44 =	vmul.f32 $8.838834610e-02, v24;
	[tilespmem:s15+$0x10C60] =	vst v2;
	v21 =	vadd.f32 v21, v23  }
0x22b: {  	v38 =	vld [tilespmem:s2+$0x10C70];
	v46 =	vmul.f32 $8.838834610e-02, v25;
	[tilespmem:s15+$0x17060] =	vst v6;
	v47 =	vadd.f32 v42, v39  }
0x22c: {  	v43 =	vld [tilespmem:s2+$0x1D430];
	v49 =	vmul.f32 $8.838834610e-02, v26;
	v1 =	vadd.f32 v44, v39;
	[tilespmem:s2+$0x17070] =	vst v21  }
0x22d: {  	v45 =	vld [tilespmem:s2+$0x1D440];
	v51 =	vmul.f32 $8.838834610e-02, v27;
	v13 =	vadd.f32 v46, v40;
	[tilespmem:s2+$0x10C00] =	vst v47  }
0x22e: {  	v50 =	vld [tilespmem:s2+$0x1D460];
	v52 =	vmul.f32 $8.838834610e-02, v28;
	v0 =	vadd.f32 v49, v40;
	[tilespmem:s2+$0x17000] =	vst v1  }
0x22f: {  	v34 =	vld [tilespmem:s2+$0x10C50];
	v55 =	vmul.f32 $8.838834610e-02, v31;
	v54 =	vadd.f32 v51, v41;
	[tilespmem:s2+$0x10C10] =	vst v13  }
0x230: {  	v35 =	vld [tilespmem:s2+$0x17050];
	v57 =	vmul.f32 $8.838834610e-02, v33;
	v6 =	vadd.f32 v52, v41;
	[tilespmem:s2+$0x17010] =	vst v0  }
0x231: {  	v37 =	vld [tilespmem:s2+$0x17060];
	v60 =	vmul.f32 $8.838834610e-02, v36;
	v10 =	vadd.f32 v55, v43;
	[tilespmem:s2+$0x10C20] =	vst v54  }
0x232: {  	v48 =	vld [tilespmem:s2+$0x1D450];
	v62 =	vmul.f32 $8.838834610e-02, v38;
	v2 =	vadd.f32 v57, v45;
	[tilespmem:s2+$0x17020] =	vst v6  }
0x233: {  	v53 =	vmul.f32 $8.838834610e-02, v29;
	v3 =	vadd.f32 v60, v50;
	[tilespmem:s2+$0x17030] =	vst v10  }
0x234: {  	v56 =	vmul.f32 $8.838834610e-02, v32;
	v63 =	vadd.f32 v62, v23;
	[tilespmem:s2+$0x17040] =	vst v2  }
0x235: {  	v58 =	vmul.f32 $8.838834610e-02, v34;
	v1 =	vadd.f32 v53, v43;
	[tilespmem:s2+$0x10C60] =	vst v3  }
0x236: {  	v59 =	vmul.f32 $8.838834610e-02, v35;
	v0 =	vadd.f32 v56, v45;
	[tilespmem:s2+$0x10C70] =	vst v63  }
0x237: {  	v61 =	vmul.f32 $8.838834610e-02, v37;
	v6 =	vadd.f32 v58, v48;
	[tilespmem:s2+$0x10C30] =	vst v1  }
0x238: {  	s20 =	sadd.s32 $0x1, s20;
	[tilespmem:s2+$0x10C40] =	vst v0;
	v1 =	vadd.f32 v59, v48  }
0x239: {  	p0 =	sne.s32 s20, $0x8;
	[tilespmem:s2+$0x10C50] =	vst v6;
	v0 =	vadd.f32 v61, v50  }
.Ltmp6:
0x23a: {  	s0 =	sshll.u32 s9, $0x4;
	[tilespmem:s2+$0x17050] =	vst v1;
	(pc) =	sbr.rel @p0 .LBB2_2-.Ltmp6, $4  }
0x23b: {  	s31 =	sshll.u32 s8, $0x4;
	s0 =	sadd.s32 s4, s0;
	[tilespmem:s2+$0x17060] =	vst v0  }
0x23c: {  	[hbm4b:s0+s5] =	stream.linear.scatter [tilespmem:s25], [sflag:$0x7], $0x6400, $0x38;
	[tilespmem:$0x1F800] =	vst v63  }
0x23d: {  	s0 =	sadd.s32 s4, s31  }
0x23e: {  	[hbm4b:s0+s5] =	stream.linear.scatter [tilespmem:s28], [sflag:$0x8], $0x6400, $0x38;
	[tilespmem:$0x1F800] =	vst v63  }
0x23f: {  	s0 =	simm.s32 $0x5  }
0x240: {  	_ =	swait.ge [sflag:s0], $0x6400  }
0x241: {  	[sflag:s0] =	ssyncset.done $0x0  }
0x242: {  	s15 =	simm.s32 $0x6;
	[sflag:s0] =	ssyncadd.s32 $0xFFFF9C00  }
0x243: {  	_ =	swait.ge [sflag:s15], $0x6400  }
0x244: {  	[sflag:s15] =	ssyncset.done $0x0  }
0x245: {  	s20 =	simm.s32 $0x7;
	[sflag:s15] =	ssyncadd.s32 $0xFFFF9C00  }
0x246: {  	_ =	swait.ge [sflag:s20], $0x6400  }
0x247: {  	[sflag:s20] =	ssyncset.done $0x0  }
0x248: {  	[sflag:s20] =	ssyncadd.s32 $0xFFFF9C00  }
0x249: {  	_ =	swait.ge [sflag:s3], $0x6400  }
0x24a: {  	s16 =	sadd.s32 $0x1, s16;
	s31 =	rddreg [dreg:$0x7]  }
0x24b: {  	p0 =	sne.s32 s16, s31  }
.Ltmp7:
0x24c: {  	_ = 	snop;
	(pc) =	sbr.rel @p0 .LBB2_1-.Ltmp7, $3  }
0x24d: {  	_ =	sdelay $0x1  }
0x24e: {  	[sflag:s3] =	ssyncset.done $0x0  }
0x24f: {  	[sflag:s3] =	ssyncadd.s32 $0xFFFF9C00  }
0x250: {  	_ =	sfence.sel $0x180000  }
0x251: {  	[bflag:$0x0] =	sbarrier.arrive $0xFFFF  }
0x252: {  	_ =	strace $0x90000047  }
0x253: {  	s0 =	stileid.u32;
	[bflag:$0x2] =	sbarrier.arrive $0xFFFF  }
0x254: {  	p0 =	sne.s32 s0, $0x0;
	s0 =	rddreg [dreg:$0x4]  }
0x255: {  	s0 =	sadd.s32 @!p0 $0x100000, s0  }
0x256: {  	[sflag:s0] =	ssyncadd.tile.s32 @!p0 $0x1;
	_ =	shalt  }
.Lfunc_end2:
_tile_overlayer_lowered:
.L_overlay_start_2:
0x257: {  	(tag) =	ssettag $0x2  }
0x258: {  	s0 =	rddreg [dreg:$0x0];
	s2 =	stileid.u32  }
0x259: {  	s1 =	rddreg [dreg:$0x1];
	p0 =	sne.s32 s2, $0x0  }
0x25a: {  	s3 =	rddreg [dreg:$0x2];
	[bflag:$0x3] =	sbarrier.arrive $0xFFFF;
	s2 =	simm.s32 @!p0 $0x1C09  }
0x25b: {  	[timem:s3], [sflag:s2] =	dma.local @!p0 [hbm:s0], s1  }
0x25c: {  	s0 =	simm.s32 @!p0 $0x9  }
0x25d: {  	_ =	swait.ge @!p0 [sflag:s0], s1  }
0x25e: {  	s1 =	ssub.s32 @!p0 $0x0, s1;
	[sflag:s0] =	ssyncset.done @!p0 $0x0  }
0x25f: {  	[sflag:s0] =	ssyncadd.s32 @!p0 s1  }
0x260: {  	[bflag:$0x3] =	sbarrier.arrive $0xFFFF  }
0x261: {  	_ =	shalt  }

</sc_bundles>
